<compile_context>
chip_gen: v7x
topology: tpu7x:2x2x1
jax: 0.10.2.dev20260603
libtpu: 0.0.44.dev20260713+nightly
codegen_flags: <defaults>
</compile_context>

<pallas_src>
import jax
import jax.numpy as jnp
from jax import lax
from jax.experimental import pallas as pl
from jax.experimental.pallas import tpu as pltpu
from jax.experimental.pallas import tpu_sc as plsc

N = 10000
NUM_NBR = 32
E = N * NUM_NBR
ATOM = 128
NBR = 16
C = 2 * ATOM + NBR
CW = 256
CP = 2 * CW
HMASK = -65536
RHALF = 0x8000

NC = 2
NS = 16
NW = NC * NS
EPW = E // NW
CB = 40
NCHUNK = EPW // CB

BE = 6400
NBLK = E // BE
BN_ROWS = BE // NUM_NBR
XBLK = 2000


def _softplus(v):
    return jnp.maximum(v, 0.0) + jnp.log1p(jnp.exp(-jnp.abs(v)))


def _sigmoid(v):
    return 1.0 / (1.0 + jnp.exp(-v))


def _node_transform_body(x_ref, wd_ref, ws_ref, p_ref, q_ref):
    xv = x_ref[...]
    p_ref[...] = jnp.dot(xv, wd_ref[...],
                         preferred_element_type=jnp.float32).astype(jnp.bfloat16)
    q_ref[...] = jnp.dot(xv, ws_ref[...],
                         preferred_element_type=jnp.float32).astype(jnp.bfloat16)


def _node_transform(x, wdt, wst):
    return pl.pallas_call(
        _node_transform_body,
        grid=(N // XBLK,),
        in_specs=[
            pl.BlockSpec((XBLK, ATOM), lambda i: (i, 0)),
            pl.BlockSpec((ATOM, CP), lambda i: (0, 0)),
            pl.BlockSpec((ATOM, CP), lambda i: (0, 0)),
        ],
        out_specs=[
            pl.BlockSpec((XBLK, CP), lambda i: (i, 0)),
            pl.BlockSpec((XBLK, CP), lambda i: (i, 0)),
        ],
        out_shape=[jax.ShapeDtypeStruct((N, CP), jnp.bfloat16)] * 2,
    )(x, wdt, wst)


def _sc_gather_body(p_hbm, q_hbm, didx_hbm, sidx_hbm, g_hbm,
                    idxd_v, idxs_v, bufp, bufq,
                    semp0, semp1, semq0, semq1, semw0, semw1):
    wid = lax.axis_index("s") * NC + lax.axis_index("c")
    base = pl.multiple_of(wid * EPW, 8)
    pltpu.sync_copy(didx_hbm.at[pl.ds(base, EPW)], idxd_v)
    pltpu.sync_copy(sidx_hbm.at[pl.ds(base, EPW)], idxs_v)
    semp = (semp0, semp1)
    semq = (semq0, semq1)
    semw = (semw0, semw1)

    def fire(c, b):
        coff = pl.multiple_of(c * CB, 8)
        pltpu.async_copy(p_hbm.at[idxd_v.at[pl.ds(coff, CB)]],
                         bufp.at[b], semp[b])
        pltpu.async_copy(q_hbm.at[idxs_v.at[pl.ds(coff, CB)]],
                         bufq.at[b], semq[b])

    def wait_gathers(b):
        pltpu.make_async_copy(p_hbm.at[idxd_v.at[pl.ds(0, CB)]],
                              bufp.at[b], semp[b]).wait()
        pltpu.make_async_copy(q_hbm.at[idxs_v.at[pl.ds(0, CB)]],
                              bufq.at[b], semq[b]).wait()

    def wait_write(b):
        pltpu.make_async_copy(bufp.at[b], g_hbm.at[pl.ds(0, CB)],
                              semw[b]).wait()

    fire(0, 0)

    def outer(ci2, carry):
        for b in range(2):
            c = ci2 * 2 + b
            nxt_ok = c + 1 < NCHUNK

            @pl.when(jnp.logical_and(nxt_ok, c >= 1))
            def _():
                wait_write(1 - b)

            @pl.when(nxt_ok)
            def _():
                fire(c + 1, 1 - b)

            wait_gathers(b)

            def row(r, cc):
                for j in range(CW // 16):
                    sl = pl.ds(j * 16, 16)
                    wp = bufp[b, r, sl]
                    wq = bufq[b, r, sl]
                    bcf = lambda v: lax.bitcast_convert_type(v, jnp.float32)
                    bci = lambda v: lax.bitcast_convert_type(v, jnp.int32)
                    lo = (bcf(lax.shift_left(wp, 16))
                          + bcf(lax.shift_left(wq, 16)))
                    lor = lax.shift_right_logical(bci(lo) + RHALF, 16)
                    if j == 0:
                        hi = bcf(wp & HMASK) + bcf(wq & HMASK)
                        hir = (bci(hi) + RHALF) & HMASK
                        bufp[b, r, sl] = hir | lor
                    else:
                        bufp[b, r, sl] = lor
                return cc

            lax.fori_loop(0, CB, row, 0)
            off = pl.multiple_of(base + c * CB, 8)
            pltpu.async_copy(bufp.at[b], g_hbm.at[pl.ds(off, CB)], semw[b])
        return carry

    lax.fori_loop(0, NCHUNK // 2, outer, 0)
    wait_write(0)
    wait_write(1)


def _sc_gather(p, q, didx, sidx):
    mesh = plsc.VectorSubcoreMesh(core_axis_name="c", subcore_axis_name="s")
    fn = pl.kernel(
        _sc_gather_body,
        mesh=mesh,
        out_type=jax.ShapeDtypeStruct((E, CW), jnp.int32),
        scratch_types=[
            pltpu.VMEM((EPW,), jnp.int32),
            pltpu.VMEM((EPW,), jnp.int32),
            pltpu.VMEM((2, CB, CW), jnp.int32),
            pltpu.VMEM((2, CB, CW), jnp.int32),
            pltpu.SemaphoreType.DMA,
            pltpu.SemaphoreType.DMA,
            pltpu.SemaphoreType.DMA,
            pltpu.SemaphoreType.DMA,
            pltpu.SemaphoreType.DMA,
            pltpu.SemaphoreType.DMA,
        ],
    )
    return fn(p, q, didx, sidx)


def _stats_body(g_ref, a_ref, wlo_ref, whi_ref,
                slo_ref, qlo_ref, shi_ref, qhi_ref):
    a = a_ref[...]
    gi = g_ref[...]
    f_lo = lax.bitcast_convert_type(lax.shift_left(gi, 16), jnp.float32)
    f_hi = lax.bitcast_convert_type(gi[:, :NBR] & HMASK, jnp.float32)
    h_lo = f_lo + jnp.dot(a, wlo_ref[...], preferred_element_type=jnp.float32)
    h_hi = f_hi + jnp.dot(a, whi_ref[...], preferred_element_type=jnp.float32)

    @pl.when(pl.program_id(0) == 0)
    def _():
        slo_ref[...] = jnp.zeros_like(slo_ref)
        qlo_ref[...] = jnp.zeros_like(qlo_ref)
        shi_ref[...] = jnp.zeros_like(shi_ref)
        qhi_ref[...] = jnp.zeros_like(qhi_ref)

    slo_ref[...] += jnp.sum(h_lo, axis=0, keepdims=True)
    qlo_ref[...] += jnp.sum(h_lo * h_lo, axis=0, keepdims=True)
    shi_ref[...] += jnp.sum(h_hi, axis=0, keepdims=True)
    qhi_ref[...] += jnp.sum(h_hi * h_hi, axis=0, keepdims=True)


def _stats(g, edge_attr, wlo, whi):
    return pl.pallas_call(
        _stats_body,
        grid=(NBLK,),
        in_specs=[
            pl.BlockSpec((BE, CW), lambda i: (i, 0)),
            pl.BlockSpec((BE, NBR), lambda i: (i, 0)),
            pl.BlockSpec((NBR, CW), lambda i: (0, 0)),
            pl.BlockSpec((NBR, NBR), lambda i: (0, 0)),
        ],
        out_specs=[
            pl.BlockSpec((1, CW), lambda i: (0, 0)),
            pl.BlockSpec((1, CW), lambda i: (0, 0)),
            pl.BlockSpec((1, NBR), lambda i: (0, 0)),
            pl.BlockSpec((1, NBR), lambda i: (0, 0)),
        ],
        out_shape=[
            jax.ShapeDtypeStruct((1, CW), jnp.float32),
            jax.ShapeDtypeStruct((1, CW), jnp.float32),
            jax.ShapeDtypeStruct((1, NBR), jnp.float32),
            jax.ShapeDtypeStruct((1, NBR), jnp.float32),
        ],
    )(g, edge_attr, wlo, whi)


def _main_body(g_ref, a_ref, wlo_ref, whi_ref, sclo_ref, shlo_ref,
               schi_ref, shhi_ref, nbr_ref, bond_ref, s_ref, sq_ref):
    a = a_ref[...]
    gi = g_ref[...]
    f_lo = lax.bitcast_convert_type(lax.shift_left(gi, 16), jnp.float32)
    f_hi = lax.bitcast_convert_type(gi[:, :NBR] & HMASK, jnp.float32)
    h_lo = f_lo + jnp.dot(a, wlo_ref[...], preferred_element_type=jnp.float32)
    h_hi = f_hi + jnp.dot(a, whi_ref[...], preferred_element_type=jnp.float32)
    y_lo = h_lo * sclo_ref[...] + shlo_ref[...]
    af = _sigmoid(y_lo[:, :ATOM])
    ac = _softplus(y_lo[:, ATOM:])
    prod = af * ac
    nb = prod.reshape(BN_ROWS, NUM_NBR, ATOM).sum(axis=1)
    nbr_ref[...] = nb
    bond_ref[...] = _softplus(a + (h_hi * schi_ref[...] + shhi_ref[...]))

    @pl.when(pl.program_id(0) == 0)
    def _():
        s_ref[...] = jnp.zeros_like(s_ref)
        sq_ref[...] = jnp.zeros_like(sq_ref)

    s_ref[...] += jnp.sum(nb, axis=0, keepdims=True)
    sq_ref[...] += jnp.sum(nb * nb, axis=0, keepdims=True)


def _main(g, edge_attr, wlo, whi, sclo, shlo, schi, shhi):
    return pl.pallas_call(
        _main_body,
        grid=(NBLK,),
        in_specs=[
            pl.BlockSpec((BE, CW), lambda i: (i, 0)),
            pl.BlockSpec((BE, NBR), lambda i: (i, 0)),
            pl.BlockSpec((NBR, CW), lambda i: (0, 0)),
            pl.BlockSpec((NBR, NBR), lambda i: (0, 0)),
            pl.BlockSpec((1, CW), lambda i: (0, 0)),
            pl.BlockSpec((1, CW), lambda i: (0, 0)),
            pl.BlockSpec((1, NBR), lambda i: (0, 0)),
            pl.BlockSpec((1, NBR), lambda i: (0, 0)),
        ],
        out_specs=[
            pl.BlockSpec((BN_ROWS, ATOM), lambda i: (i, 0)),
            pl.BlockSpec((BE, NBR), lambda i: (i, 0)),
            pl.BlockSpec((1, ATOM), lambda i: (0, 0)),
            pl.BlockSpec((1, ATOM), lambda i: (0, 0)),
        ],
        out_shape=[
            jax.ShapeDtypeStruct((N, ATOM), jnp.float32),
            jax.ShapeDtypeStruct((E, NBR), jnp.float32),
            jax.ShapeDtypeStruct((1, ATOM), jnp.float32),
            jax.ShapeDtypeStruct((1, ATOM), jnp.float32),
        ],
    )(g, edge_attr, wlo, whi, sclo, shlo, schi, shhi)


def _final_body(x_ref, nb_ref, sc_ref, sh_ref, o_ref):
    o_ref[...] = _softplus(x_ref[...] + nb_ref[...] * sc_ref[...] + sh_ref[...])


def _final(x, nbr, sc4, sh4):
    return pl.pallas_call(
        _final_body,
        grid=(N // XBLK,),
        in_specs=[
            pl.BlockSpec((XBLK, ATOM), lambda i: (i, 0)),
            pl.BlockSpec((XBLK, ATOM), lambda i: (i, 0)),
            pl.BlockSpec((1, ATOM), lambda i: (0, 0)),
            pl.BlockSpec((1, ATOM), lambda i: (0, 0)),
        ],
        out_specs=pl.BlockSpec((XBLK, ATOM), lambda i: (i, 0)),
        out_shape=jax.ShapeDtypeStruct((N, ATOM), jnp.float32),
    )(x, nbr, sc4, sh4)


def kernel(x, edge_index, edge_attr, W_core, b_core, W_filter, b_filter,
           W_bond, b_bond, g1, be1, g2, be2, g3, be3, g4, be4):
    ws = (W_core, W_filter, W_bond)
    pad_w = jnp.zeros((ATOM, CP - C), jnp.float32)
    wdt = jnp.concatenate([w[:, :ATOM].T for w in ws] + [pad_w], axis=1)
    wst = jnp.concatenate([w[:, ATOM:2 * ATOM].T for w in ws] + [pad_w], axis=1)
    wlo = jnp.concatenate([W_core[:, 2 * ATOM:].T,
                           W_filter[:, 2 * ATOM:].T], axis=1)
    whi = W_bond[:, 2 * ATOM:].T
    didx = edge_index[1]
    sidx = edge_index[0]

    p, q = _node_transform(x, wdt, wst)
    p32 = lax.bitcast_convert_type(
        jnp.stack([p[:, :CW], p[:, CW:]], axis=-1), jnp.int32)
    q32 = lax.bitcast_convert_type(
        jnp.stack([q[:, :CW], q[:, CW:]], axis=-1), jnp.int32)
    g = _sc_gather(p32, q32, didx, sidx)

    slo, qlo, shi, qhi = _stats(g, edge_attr, wlo, whi)
    glo = jnp.concatenate([g1, g2])
    blo = jnp.concatenate([be1, be2])
    mlo = slo[0] / E
    vlo = qlo[0] / E - mlo * mlo
    sclo = glo * lax.rsqrt(vlo + 1e-5)
    shlo = blo - mlo * sclo
    mhi = shi[0] / E
    vhi = qhi[0] / E - mhi * mhi
    schi = g3 * lax.rsqrt(vhi + 1e-5)
    shhi = be3 - mhi * schi

    nbr, bond_out, nsum, nsq = _main(g, edge_attr, wlo, whi,
                                     sclo[None, :], shlo[None, :],
                                     schi[None, :], shhi[None, :])
    m4 = nsum[0] / N
    v4 = nsq[0] / N - m4 * m4
    sc4 = g4 * lax.rsqrt(v4 + 1e-5)
    sh4 = be4 - m4 * sc4

    out = _final(x, nbr, sc4[None, :], sh4[None, :])
    return out, bond_out

# --- scband reference (transcript-rebuilt; emitter-appended) ---
"""Pipeline reference for scband-gcn-2-35184372089477 (READ-ONLY COPY).

The authoritative reference and input builder live on the scoring server;
editing this copy changes nothing except your own understanding.
"""

import jax, jax.numpy as jnp
import numpy as np

N = 10000
NUM_NBR = 32
E = N * NUM_NBR
ATOM = 128
NBR = 16
IN_DIM = 2 * ATOM + NBR


def _linear_params(key, out_dim, in_dim):
    k1, k2 = jax.random.split(key)
    bound = 1.0 / np.sqrt(in_dim)
    W = jax.random.uniform(k1, (out_dim, in_dim), jnp.float32, -bound, bound)
    b = jax.random.uniform(k2, (out_dim,), jnp.float32, -bound, bound)
    return W, b


def setup_inputs(seed: int = 0):
    key = jax.random.key(seed)
    ks = jax.random.split(key, 8)
    x = jax.random.normal(ks[0], (N, ATOM), jnp.float32)
    edge_index = jax.random.randint(ks[1], (2, E), 0, N)
    edge_attr = jax.random.normal(ks[2], (E, NBR), jnp.float32)
    W_core, b_core = _linear_params(ks[3], ATOM, IN_DIM)
    W_filter, b_filter = _linear_params(ks[4], ATOM, IN_DIM)
    W_bond, b_bond = _linear_params(ks[5], NBR, IN_DIM)
    return {
        "x": x,
        "edge_index": edge_index,
        "edge_attr": edge_attr,
        "W_core": W_core, "b_core": b_core,
        "W_filter": W_filter, "b_filter": b_filter,
        "W_bond": W_bond, "b_bond": b_bond,
        "g1": jnp.ones((ATOM,), jnp.float32), "be1": jnp.zeros((ATOM,), jnp.float32),
        "g2": jnp.ones((ATOM,), jnp.float32), "be2": jnp.zeros((ATOM,), jnp.float32),
        "g3": jnp.ones((NBR,), jnp.float32), "be3": jnp.zeros((NBR,), jnp.float32),
        "g4": jnp.ones((ATOM,), jnp.float32), "be4": jnp.zeros((ATOM,), jnp.float32),
    }


def _batchnorm(h, gamma, beta, eps=1e-5):
    mean = jnp.mean(h, axis=0)
    var = jnp.var(h, axis=0)
    return gamma * (h - mean) / jnp.sqrt(var + eps) + beta


def reference(x, edge_index, edge_attr, W_core, b_core, W_filter, b_filter, W_bond, b_bond, g1, be1, g2, be2, g3, be3, g4, be4):
    atom_nbr_fea = x[edge_index[1], :]
    atom_init_fea = x[edge_index[0], :]
    Z = jnp.concatenate((atom_nbr_fea, atom_init_fea, edge_attr), axis=1)
    a_filter = _batchnorm(Z @ W_core.T + b_core, g1, be1)
    a_core = _batchnorm(Z @ W_filter.T + b_filter, g2, be2)
    bond = _batchnorm(Z @ W_bond.T + b_bond, g3, be3)
    a_filter = jax.nn.sigmoid(a_filter)
    a_core = jax.nn.softplus(a_core)
    nbr_sumed = (a_filter * a_core).reshape((-1, NUM_NBR, ATOM)).sum(axis=1)
    nbr_sumed = _batchnorm(nbr_sumed, g4, be4)
    out = jax.nn.softplus(x + nbr_sumed)
    bond_out = jax.nn.softplus(edge_attr + bond)
    return (out, bond_out)

if __name__ == "__main__":
    import jax
    _d = setup_inputs()
    print(jax.jit(kernel)(*tuple(_d.values())))

</pallas_src>

<mosaic_0001>
#map = affine_map<(d0, d1) -> (0, 0)>
#map1 = affine_map<(d0, d1) -> (0)>
module attributes {stable_mosaic.version = 14 : i64} {
  func.func @_sc_gather_body(%arg0: i32, %arg1: i32, %arg2: memref<10000x256xi32, #tpu.memory_space<hbm>>, %arg3: memref<10000x256xi32, #tpu.memory_space<hbm>>, %arg4: memref<320000xi32, #tpu.memory_space<hbm>>, %arg5: memref<320000xi32, #tpu.memory_space<hbm>>, %arg6: memref<320000x256xi32, #tpu.memory_space<hbm>>, %arg7: memref<10000xi32, #tpu.memory_space<vmem>>, %arg8: memref<10000xi32, #tpu.memory_space<vmem>>, %arg9: memref<2x40x256xi32, #tpu.memory_space<vmem>>, %arg10: memref<2x40x256xi32, #tpu.memory_space<vmem>>, %arg11: memref<!tpu.dma_semaphore, #tpu.memory_space<semaphore_mem>>, %arg12: memref<!tpu.dma_semaphore, #tpu.memory_space<semaphore_mem>>, %arg13: memref<!tpu.dma_semaphore, #tpu.memory_space<semaphore_mem>>, %arg14: memref<!tpu.dma_semaphore, #tpu.memory_space<semaphore_mem>>, %arg15: memref<!tpu.dma_semaphore, #tpu.memory_space<semaphore_mem>>, %arg16: memref<!tpu.dma_semaphore, #tpu.memory_space<semaphore_mem>>) attributes {dimension_semantics = [#tpu.dimension_semantics<core_parallel>, #tpu.dimension_semantics<subcore_parallel>], iteration_bounds = array<i64: 2, 16>, scalar_prefetch = 0 : i64, scratch_operands = 10 : i64, tpu.core_type = #tpu.core_type<sc_vector_subcore>, window_params = [{transform_indices = #map}, {transform_indices = #map}, {transform_indices = #map1}, {transform_indices = #map1}, {transform_indices = #map}]} {
    %mul3A = arith.constant 2 : i32
    %mul3A_0 = arith.muli %arg1, %mul3A : i32
    %add3A = arith.addi %mul3A_0, %arg0 : i32
    %mul3A_1 = arith.constant 10000 : i32
    %mul3A_2 = arith.muli %add3A, %mul3A_1 : i32
    %multiple_of3A = tpu.assume_multiple %mul3A_2, 8 : i32
    "tpu.region"() ({
      %run_scoped3A = tpu.sem_alloc : memref<!tpu.dma_semaphore, #tpu.memory_space<semaphore_mem>>
      %dma_start3A_56 = tpu.memref_slice %arg4[%multiple_of3A] : memref<320000xi32, #tpu.memory_space<hbm>> -> memref<10000xi32, #tpu.memory_space<hbm>>
      %dma_start3A_57 = tpu.memref_slice %arg4[%multiple_of3A] : memref<320000xi32, #tpu.memory_space<hbm>> -> memref<10000xi32, #tpu.memory_space<hbm>>
      tpu.enqueue_dma source(%dma_start3A_57 : memref<10000xi32, #tpu.memory_space<hbm>>) target(%arg7 : memref<10000xi32, #tpu.memory_space<vmem>>) target_semaphore(%run_scoped3A : memref<!tpu.dma_semaphore, #tpu.memory_space<semaphore_mem>>)
      %dma_wait3A_58 = tpu.memref_slice %arg4[%multiple_of3A] : memref<320000xi32, #tpu.memory_space<hbm>> -> memref<10000xi32, #tpu.memory_space<hbm>>
      %dma_wait3A_59 = tpu.memref_slice %arg4[%multiple_of3A] : memref<320000xi32, #tpu.memory_space<hbm>> -> memref<10000xi32, #tpu.memory_space<hbm>>
      tpu.wait_dma2 semaphore(%run_scoped3A : memref<!tpu.dma_semaphore, #tpu.memory_space<semaphore_mem>>) src(%dma_wait3A_59 : memref<10000xi32, #tpu.memory_space<hbm>>) dst(%arg7 : memref<10000xi32, #tpu.memory_space<vmem>>)
      tpu.yield
    }) : () -> ()
    "tpu.region"() ({
      %run_scoped3A = tpu.sem_alloc : memref<!tpu.dma_semaphore, #tpu.memory_space<semaphore_mem>>
      %dma_start3A_56 = tpu.memref_slice %arg5[%multiple_of3A] : memref<320000xi32, #tpu.memory_space<hbm>> -> memref<10000xi32, #tpu.memory_space<hbm>>
      %dma_start3A_57 = tpu.memref_slice %arg5[%multiple_of3A] : memref<320000xi32, #tpu.memory_space<hbm>> -> memref<10000xi32, #tpu.memory_space<hbm>>
      tpu.enqueue_dma source(%dma_start3A_57 : memref<10000xi32, #tpu.memory_space<hbm>>) target(%arg8 : memref<10000xi32, #tpu.memory_space<vmem>>) target_semaphore(%run_scoped3A : memref<!tpu.dma_semaphore, #tpu.memory_space<semaphore_mem>>)
      %dma_wait3A_58 = tpu.memref_slice %arg5[%multiple_of3A] : memref<320000xi32, #tpu.memory_space<hbm>> -> memref<10000xi32, #tpu.memory_space<hbm>>
      %dma_wait3A_59 = tpu.memref_slice %arg5[%multiple_of3A] : memref<320000xi32, #tpu.memory_space<hbm>> -> memref<10000xi32, #tpu.memory_space<hbm>>
      tpu.wait_dma2 semaphore(%run_scoped3A : memref<!tpu.dma_semaphore, #tpu.memory_space<semaphore_mem>>) src(%dma_wait3A_59 : memref<10000xi32, #tpu.memory_space<hbm>>) dst(%arg8 : memref<10000xi32, #tpu.memory_space<vmem>>)
      tpu.yield
    }) : () -> ()
    %multiple_of3A_3 = arith.constant 0 : i32
    %multiple_of3A_4 = tpu.assume_multiple %multiple_of3A_3, 8 : i32
    %dma_start3A = arith.constant 0 : i32
    %dma_start3A_5 = arith.constant 0 : i32
    %dma_start3A_6 = arith.constant 0 : i32
    %dma_start3A_7 = tpu.memref_slice %arg9[%dma_start3A, %dma_start3A_5, %dma_start3A_6] : memref<2x40x256xi32, #tpu.memory_space<vmem>> -> memref<1x40x256xi32, #tpu.memory_space<vmem>>
    %dma_start3A_8 = tpu.memref_squeeze %dma_start3A_7 : memref<1x40x256xi32, #tpu.memory_space<vmem>> -> memref<40x256xi32, #tpu.memory_space<vmem>>
    %dma_start3A_9 = tpu.memref_slice %arg7[%multiple_of3A_4] : memref<10000xi32, #tpu.memory_space<vmem>> -> memref<40xi32, #tpu.memory_space<vmem>>
    %dma_start3A_10 = arith.constant 0 : i32
    %dma_start3A_11 = arith.constant 0 : i32
    %dma_start3A_12 = tpu.memref_slice %arg2[%dma_start3A_10, %dma_start3A_11] : memref<10000x256xi32, #tpu.memory_space<hbm>> -> memref<10000x256xi32, #tpu.memory_space<hbm>>
    tpu.enqueue_indirect_dma source(%dma_start3A_12 : memref<10000x256xi32, #tpu.memory_space<hbm>>) target(%dma_start3A_8 : memref<40x256xi32, #tpu.memory_space<vmem>>) offsets(%dma_start3A_9 : memref<40xi32, #tpu.memory_space<vmem>>) semaphore(%arg11 : memref<!tpu.dma_semaphore, #tpu.memory_space<semaphore_mem>>)
    %dma_start3A_13 = arith.constant 0 : i32
    %dma_start3A_14 = arith.constant 0 : i32
    %dma_start3A_15 = arith.constant 0 : i32
    %dma_start3A_16 = tpu.memref_slice %arg10[%dma_start3A_13, %dma_start3A_14, %dma_start3A_15] : memref<2x40x256xi32, #tpu.memory_space<vmem>> -> memref<1x40x256xi32, #tpu.memory_space<vmem>>
    %dma_start3A_17 = tpu.memref_squeeze %dma_start3A_16 : memref<1x40x256xi32, #tpu.memory_space<vmem>> -> memref<40x256xi32, #tpu.memory_space<vmem>>
    %dma_start3A_18 = tpu.memref_slice %arg8[%multiple_of3A_4] : memref<10000xi32, #tpu.memory_space<vmem>> -> memref<40xi32, #tpu.memory_space<vmem>>
    %dma_start3A_19 = arith.constant 0 : i32
    %dma_start3A_20 = arith.constant 0 : i32
    %dma_start3A_21 = tpu.memref_slice %arg3[%dma_start3A_19, %dma_start3A_20] : memref<10000x256xi32, #tpu.memory_space<hbm>> -> memref<10000x256xi32, #tpu.memory_space<hbm>>
    tpu.enqueue_indirect_dma source(%dma_start3A_21 : memref<10000x256xi32, #tpu.memory_space<hbm>>) target(%dma_start3A_17 : memref<40x256xi32, #tpu.memory_space<vmem>>) offsets(%dma_start3A_18 : memref<40xi32, #tpu.memory_space<vmem>>) semaphore(%arg13 : memref<!tpu.dma_semaphore, #tpu.memory_space<semaphore_mem>>)
    %scan3A = arith.constant 0 : i32
    %scan3A_22 = arith.constant 0 : i32
    %scan3A_23 = arith.constant 125 : i32
    %scan3A_24 = arith.addi %scan3A_22, %scan3A_23 : i32
    %scan3A_25 = arith.constant 1 : i32
    scf.for %scan3A_56 = %scan3A_22 to %scan3A_24 step %scan3A_25  : i32 {
      %mul3A_57 = arith.constant 2 : i32
      %mul3A_58 = arith.muli %scan3A_56, %mul3A_57 : i32
      %add3A_59 = arith.constant 0 : i32
      %add3A_60 = arith.addi %mul3A_58, %add3A_59 : i32
      %add3A_61 = arith.constant 1 : i32
      %add3A_62 = arith.addi %add3A_60, %add3A_61 : i32
      %lt3A = arith.constant 250 : i32
      %lt3A_63 = arith.cmpi slt, %add3A_62, %lt3A : i32
      %ge3A = arith.constant 1 : i32
      %ge3A_64 = arith.cmpi sge, %add3A_60, %ge3A : i32
      %and3A = arith.andi %lt3A_63, %ge3A_64 : i1
      %convert_element_type3A = arith.extui %and3A : i1 to i32
      %cond3A = arith.constant 0 : i32
      %cond3A_65 = arith.cmpi ne, %convert_element_type3A, %cond3A : i32
      scf.if %cond3A_65 {
        %dma_wait3A_172 = arith.constant 1 : i32
        %dma_wait3A_173 = arith.constant 0 : i32
        %dma_wait3A_174 = arith.constant 0 : i32
        %dma_wait3A_175 = tpu.memref_slice %arg9[%dma_wait3A_172, %dma_wait3A_173, %dma_wait3A_174] : memref<2x40x256xi32, #tpu.memory_space<vmem>> -> memref<1x40x256xi32, #tpu.memory_space<vmem>>
        %dma_wait3A_176 = tpu.memref_squeeze %dma_wait3A_175 : memref<1x40x256xi32, #tpu.memory_space<vmem>> -> memref<40x256xi32, #tpu.memory_space<vmem>>
        %dma_wait3A_177 = arith.constant 0 : i32
        %dma_wait3A_178 = arith.constant 0 : i32
        %dma_wait3A_179 = tpu.memref_slice %arg6[%dma_wait3A_177, %dma_wait3A_178] : memref<320000x256xi32, #tpu.memory_space<hbm>> -> memref<40x256xi32, #tpu.memory_space<hbm>>
        %dma_wait3A_180 = arith.constant 0 : i32
        %dma_wait3A_181 = arith.constant 0 : i32
        %dma_wait3A_182 = tpu.memref_slice %arg6[%dma_wait3A_180, %dma_wait3A_181] : memref<320000x256xi32, #tpu.memory_space<hbm>> -> memref<40x256xi32, #tpu.memory_space<hbm>>
        %dma_wait3A_183 = arith.constant 0 : i32
        %dma_wait3A_184 = arith.constant 0 : i32
        %dma_wait3A_185 = tpu.memref_slice %arg9[%dma_wait3A_172, %dma_wait3A_183, %dma_wait3A_184] : memref<2x40x256xi32, #tpu.memory_space<vmem>> -> memref<1x40x256xi32, #tpu.memory_space<vmem>>
        %dma_wait3A_186 = tpu.memref_squeeze %dma_wait3A_185 : memref<1x40x256xi32, #tpu.memory_space<vmem>> -> memref<40x256xi32, #tpu.memory_space<vmem>>
        tpu.wait_dma2 semaphore(%arg16 : memref<!tpu.dma_semaphore, #tpu.memory_space<semaphore_mem>>) src(%dma_wait3A_186 : memref<40x256xi32, #tpu.memory_space<vmem>>) dst(%dma_wait3A_182 : memref<40x256xi32, #tpu.memory_space<hbm>>)
      } else {
      }
      %convert_element_type3A_66 = arith.extui %lt3A_63 : i1 to i32
      %cond3A_67 = arith.constant 0 : i32
      %cond3A_68 = arith.cmpi ne, %convert_element_type3A_66, %cond3A_67 : i32
      scf.if %cond3A_68 {
        %add3A_172 = arith.constant 1 : i32
        %add3A_173 = arith.addi %add3A_60, %add3A_172 : i32
        %mul3A_174 = arith.constant 40 : i32
        %mul3A_175 = arith.muli %add3A_173, %mul3A_174 : i32
        %multiple_of3A_176 = tpu.assume_multiple %mul3A_175, 8 : i32
        %dma_start3A_177 = arith.constant 1 : i32
        %dma_start3A_178 = arith.constant 0 : i32
        %dma_start3A_179 = arith.constant 0 : i32
        %dma_start3A_180 = tpu.memref_slice %arg9[%dma_start3A_177, %dma_start3A_178, %dma_start3A_179] : memref<2x40x256xi32, #tpu.memory_space<vmem>> -> memref<1x40x256xi32, #tpu.memory_space<vmem>>
        %dma_start3A_181 = tpu.memref_squeeze %dma_start3A_180 : memref<1x40x256xi32, #tpu.memory_space<vmem>> -> memref<40x256xi32, #tpu.memory_space<vmem>>
        %dma_start3A_182 = tpu.memref_slice %arg7[%multiple_of3A_176] : memref<10000xi32, #tpu.memory_space<vmem>> -> memref<40xi32, #tpu.memory_space<vmem>>
        %dma_start3A_183 = arith.constant 0 : i32
        %dma_start3A_184 = arith.constant 0 : i32
        %dma_start3A_185 = tpu.memref_slice %arg2[%dma_start3A_183, %dma_start3A_184] : memref<10000x256xi32, #tpu.memory_space<hbm>> -> memref<10000x256xi32, #tpu.memory_space<hbm>>
        tpu.enqueue_indirect_dma source(%dma_start3A_185 : memref<10000x256xi32, #tpu.memory_space<hbm>>) target(%dma_start3A_181 : memref<40x256xi32, #tpu.memory_space<vmem>>) offsets(%dma_start3A_182 : memref<40xi32, #tpu.memory_space<vmem>>) semaphore(%arg12 : memref<!tpu.dma_semaphore, #tpu.memory_space<semaphore_mem>>)
        %dma_start3A_186 = arith.constant 1 : i32
        %dma_start3A_187 = arith.constant 0 : i32
        %dma_start3A_188 = arith.constant 0 : i32
        %dma_start3A_189 = tpu.memref_slice %arg10[%dma_start3A_186, %dma_start3A_187, %dma_start3A_188] : memref<2x40x256xi32, #tpu.memory_space<vmem>> -> memref<1x40x256xi32, #tpu.memory_space<vmem>>
        %dma_start3A_190 = tpu.memref_squeeze %dma_start3A_189 : memref<1x40x256xi32, #tpu.memory_space<vmem>> -> memref<40x256xi32, #tpu.memory_space<vmem>>
        %dma_start3A_191 = tpu.memref_slice %arg8[%multiple_of3A_176] : memref<10000xi32, #tpu.memory_space<vmem>> -> memref<40xi32, #tpu.memory_space<vmem>>
        %dma_start3A_192 = arith.constant 0 : i32
        %dma_start3A_193 = arith.constant 0 : i32
        %dma_start3A_194 = tpu.memref_slice %arg3[%dma_start3A_192, %dma_start3A_193] : memref<10000x256xi32, #tpu.memory_space<hbm>> -> memref<10000x256xi32, #tpu.memory_space<hbm>>
        tpu.enqueue_indirect_dma source(%dma_start3A_194 : memref<10000x256xi32, #tpu.memory_space<hbm>>) target(%dma_start3A_190 : memref<40x256xi32, #tpu.memory_space<vmem>>) offsets(%dma_start3A_191 : memref<40xi32, #tpu.memory_space<vmem>>) semaphore(%arg14 : memref<!tpu.dma_semaphore, #tpu.memory_space<semaphore_mem>>)
      } else {
      }
      %dma_wait3A_69 = arith.constant 0 : i32
      %dma_wait3A_70 = arith.constant 0 : i32
      %dma_wait3A_71 = arith.constant 0 : i32
      %dma_wait3A_72 = tpu.memref_slice %arg9[%dma_wait3A_69, %dma_wait3A_70, %dma_wait3A_71] : memref<2x40x256xi32, #tpu.memory_space<vmem>> -> memref<1x40x256xi32, #tpu.memory_space<vmem>>
      %dma_wait3A_73 = tpu.memref_squeeze %dma_wait3A_72 : memref<1x40x256xi32, #tpu.memory_space<vmem>> -> memref<40x256xi32, #tpu.memory_space<vmem>>
      %dma_wait3A_74 = arith.constant 0 : i32
      %dma_wait3A_75 = tpu.memref_slice %arg7[%dma_wait3A_74] : memref<10000xi32, #tpu.memory_space<vmem>> -> memref<40xi32, #tpu.memory_space<vmem>>
      %dma_wait3A_76 = arith.constant 0 : i32
      %dma_wait3A_77 = arith.constant 0 : i32
      %dma_wait3A_78 = tpu.memref_slice %arg2[%dma_wait3A_76, %dma_wait3A_77] : memref<10000x256xi32, #tpu.memory_space<hbm>> -> memref<10000x256xi32, #tpu.memory_space<hbm>>
      tpu.wait_indirect_dma semaphore(%arg11 : memref<!tpu.dma_semaphore, #tpu.memory_space<semaphore_mem>>) src(%dma_wait3A_78 : memref<10000x256xi32, #tpu.memory_space<hbm>>) dst(%dma_wait3A_73 : memref<40x256xi32, #tpu.memory_space<vmem>>)
      %dma_wait3A_79 = arith.constant 0 : i32
      %dma_wait3A_80 = arith.constant 0 : i32
      %dma_wait3A_81 = arith.constant 0 : i32
      %dma_wait3A_82 = tpu.memref_slice %arg10[%dma_wait3A_79, %dma_wait3A_80, %dma_wait3A_81] : memref<2x40x256xi32, #tpu.memory_space<vmem>> -> memref<1x40x256xi32, #tpu.memory_space<vmem>>
      %dma_wait3A_83 = tpu.memref_squeeze %dma_wait3A_82 : memref<1x40x256xi32, #tpu.memory_space<vmem>> -> memref<40x256xi32, #tpu.memory_space<vmem>>
      %dma_wait3A_84 = arith.constant 0 : i32
      %dma_wait3A_85 = tpu.memref_slice %arg8[%dma_wait3A_84] : memref<10000xi32, #tpu.memory_space<vmem>> -> memref<40xi32, #tpu.memory_space<vmem>>
      %dma_wait3A_86 = arith.constant 0 : i32
      %dma_wait3A_87 = arith.constant 0 : i32
      %dma_wait3A_88 = tpu.memref_slice %arg3[%dma_wait3A_86, %dma_wait3A_87] : memref<10000x256xi32, #tpu.memory_space<hbm>> -> memref<10000x256xi32, #tpu.memory_space<hbm>>
      tpu.wait_indirect_dma semaphore(%arg13 : memref<!tpu.dma_semaphore, #tpu.memory_space<semaphore_mem>>) src(%dma_wait3A_88 : memref<10000x256xi32, #tpu.memory_space<hbm>>) dst(%dma_wait3A_83 : memref<40x256xi32, #tpu.memory_space<vmem>>)
      %scan3A_89 = arith.constant 0 : i32
      %scan3A_90 = arith.constant 0 : i32
      %scan3A_91 = arith.constant 40 : i32
      %scan3A_92 = arith.addi %scan3A_90, %scan3A_91 : i32
      %scan3A_93 = arith.constant 1 : i32
      scf.for %scan3A_172 = %scan3A_90 to %scan3A_92 step %scan3A_93  : i32 {
        %get3A = arith.constant 0 : i32
        %get3A_173 = arith.index_cast %get3A : i32 to index
        %get3A_174 = arith.index_cast %scan3A_172 : i32 to index
        %get3A_175 = arith.constant 0 : index
        %get3A_176 = tpu.vector_load %arg9[%get3A_173, %get3A_174, %get3A_175] {strides = array<i32>} : memref<2x40x256xi32, #tpu.memory_space<vmem>>, vector<1x1x16xi32>,
        %get3A_177 = vector.shape_cast %get3A_176 : vector<1x1x16xi32> to vector<16xi32>
        %get3A_178 = arith.constant 0 : i32
        %get3A_179 = arith.index_cast %get3A_178 : i32 to index
        %get3A_180 = arith.index_cast %scan3A_172 : i32 to index
        %get3A_181 = arith.constant 0 : index
        %get3A_182 = tpu.vector_load %arg10[%get3A_179, %get3A_180, %get3A_181] {strides = array<i32>} : memref<2x40x256xi32, #tpu.memory_space<vmem>>, vector<1x1x16xi32>,
        %get3A_183 = vector.shape_cast %get3A_182 : vector<1x1x16xi32> to vector<16xi32>
        %shift_left3A = arith.constant 16 : i32
        %shift_left3A_184 = vector.broadcast %shift_left3A : i32 to vector<16xi32>
        %shift_left3A_185 = arith.shli %get3A_177, %shift_left3A_184 : vector<16xi32>
        %bitcast_convert_type3A = tpu.bitcast %shift_left3A_185 : vector<16xi32> -> vector<16xf32>
        %shift_left3A_186 = arith.constant 16 : i32
        %shift_left3A_187 = vector.broadcast %shift_left3A_186 : i32 to vector<16xi32>
        %shift_left3A_188 = arith.shli %get3A_183, %shift_left3A_187 : vector<16xi32>
        %bitcast_convert_type3A_189 = tpu.bitcast %shift_left3A_188 : vector<16xi32> -> vector<16xf32>
        %add3A_190 = arith.addf %bitcast_convert_type3A, %bitcast_convert_type3A_189 : vector<16xf32>
        %bitcast_convert_type3A_191 = tpu.bitcast %add3A_190 : vector<16xf32> -> vector<16xi32>
        %add3A_192 = arith.constant 32768 : i32
        %add3A_193 = vector.broadcast %add3A_192 : i32 to vector<16xi32>
        %add3A_194 = arith.addi %bitcast_convert_type3A_191, %add3A_193 : vector<16xi32>
        %shift_right_logical3A = arith.constant 16 : i32
        %shift_right_logical3A_195 = vector.broadcast %shift_right_logical3A : i32 to vector<16xi32>
        %shift_right_logical3A_196 = arith.shrui %add3A_194, %shift_right_logical3A_195 : vector<16xi32>
        %and3A_197 = arith.constant -65536 : i32
        %and3A_198 = vector.broadcast %and3A_197 : i32 to vector<16xi32>
        %and3A_199 = arith.andi %get3A_177, %and3A_198 : vector<16xi32>
        %bitcast_convert_type3A_200 = tpu.bitcast %and3A_199 : vector<16xi32> -> vector<16xf32>
        %and3A_201 = arith.constant -65536 : i32
        %and3A_202 = vector.broadcast %and3A_201 : i32 to vector<16xi32>
        %and3A_203 = arith.andi %get3A_183, %and3A_202 : vector<16xi32>
        %bitcast_convert_type3A_204 = tpu.bitcast %and3A_203 : vector<16xi32> -> vector<16xf32>
        %add3A_205 = arith.addf %bitcast_convert_type3A_200, %bitcast_convert_type3A_204 : vector<16xf32>
        %bitcast_convert_type3A_206 = tpu.bitcast %add3A_205 : vector<16xf32> -> vector<16xi32>
        %add3A_207 = arith.constant 32768 : i32
        %add3A_208 = vector.broadcast %add3A_207 : i32 to vector<16xi32>
        %add3A_209 = arith.addi %bitcast_convert_type3A_206, %add3A_208 : vector<16xi32>
        %and3A_210 = arith.constant -65536 : i32
        %and3A_211 = vector.broadcast %and3A_210 : i32 to vector<16xi32>
        %and3A_212 = arith.andi %add3A_209, %and3A_211 : vector<16xi32>
        %or3A = arith.ori %and3A_212, %shift_right_logical3A_196 : vector<16xi32>
        %swap3A = arith.constant 0 : i32
        %swap3A_213 = arith.index_cast %swap3A : i32 to index
        %swap3A_214 = arith.index_cast %scan3A_172 : i32 to index
        %swap3A_215 = arith.constant 0 : index
        %swap3A_216 = tpu.vector_load %arg9[%swap3A_213, %swap3A_214, %swap3A_215] {strides = array<i32>} : memref<2x40x256xi32, #tpu.memory_space<vmem>>, vector<1x1x16xi32>,
        %swap3A_217 = vector.shape_cast %swap3A_216 : vector<1x1x16xi32> to vector<16xi32>
        %swap3A_218 = vector.shape_cast %or3A : vector<16xi32> to vector<1x1x16xi32>
        tpu.vector_store %arg9[%swap3A_213, %swap3A_214, %swap3A_215], %swap3A_218 {strides = array<i32>} : memref<2x40x256xi32, #tpu.memory_space<vmem>>, vector<1x1x16xi32>,
        %get3A_219 = arith.constant 0 : i32
        %get3A_220 = arith.index_cast %get3A_219 : i32 to index
        %get3A_221 = arith.index_cast %scan3A_172 : i32 to index
        %get3A_222 = arith.constant 16 : index
        %get3A_223 = tpu.vector_load %arg9[%get3A_220, %get3A_221, %get3A_222] {strides = array<i32>} : memref<2x40x256xi32, #tpu.memory_space<vmem>>, vector<1x1x16xi32>,
        %get3A_224 = vector.shape_cast %get3A_223 : vector<1x1x16xi32> to vector<16xi32>
        %get3A_225 = arith.constant 0 : i32
        %get3A_226 = arith.index_cast %get3A_225 : i32 to index
        %get3A_227 = arith.index_cast %scan3A_172 : i32 to index
        %get3A_228 = arith.constant 16 : index
        %get3A_229 = tpu.vector_load %arg10[%get3A_226, %get3A_227, %get3A_228] {strides = array<i32>} : memref<2x40x256xi32, #tpu.memory_space<vmem>>, vector<1x1x16xi32>,
        %get3A_230 = vector.shape_cast %get3A_229 : vector<1x1x16xi32> to vector<16xi32>
        %shift_left3A_231 = arith.constant 16 : i32
        %shift_left3A_232 = vector.broadcast %shift_left3A_231 : i32 to vector<16xi32>
        %shift_left3A_233 = arith.shli %get3A_224, %shift_left3A_232 : vector<16xi32>
        %bitcast_convert_type3A_234 = tpu.bitcast %shift_left3A_233 : vector<16xi32> -> vector<16xf32>
        %shift_left3A_235 = arith.constant 16 : i32
        %shift_left3A_236 = vector.broadcast %shift_left3A_235 : i32 to vector<16xi32>
        %shift_left3A_237 = arith.shli %get3A_230, %shift_left3A_236 : vector<16xi32>
        %bitcast_convert_type3A_238 = tpu.bitcast %shift_left3A_237 : vector<16xi32> -> vector<16xf32>
        %add3A_239 = arith.addf %bitcast_convert_type3A_234, %bitcast_convert_type3A_238 : vector<16xf32>
        %bitcast_convert_type3A_240 = tpu.bitcast %add3A_239 : vector<16xf32> -> vector<16xi32>
        %add3A_241 = arith.constant 32768 : i32
        %add3A_242 = vector.broadcast %add3A_241 : i32 to vector<16xi32>
        %add3A_243 = arith.addi %bitcast_convert_type3A_240, %add3A_242 : vector<16xi32>
        %shift_right_logical3A_244 = arith.constant 16 : i32
        %shift_right_logical3A_245 = vector.broadcast %shift_right_logical3A_244 : i32 to vector<16xi32>
        %shift_right_logical3A_246 = arith.shrui %add3A_243, %shift_right_logical3A_245 : vector<16xi32>
        %swap3A_247 = arith.constant 0 : i32
        %swap3A_248 = arith.index_cast %swap3A_247 : i32 to index
        %swap3A_249 = arith.index_cast %scan3A_172 : i32 to index
        %swap3A_250 = arith.constant 16 : index
        %swap3A_251 = tpu.vector_load %arg9[%swap3A_248, %swap3A_249, %swap3A_250] {strides = array<i32>} : memref<2x40x256xi32, #tpu.memory_space<vmem>>, vector<1x1x16xi32>,
        %swap3A_252 = vector.shape_cast %swap3A_251 : vector<1x1x16xi32> to vector<16xi32>
        %swap3A_253 = vector.shape_cast %shift_right_logical3A_246 : vector<16xi32> to vector<1x1x16xi32>
        tpu.vector_store %arg9[%swap3A_248, %swap3A_249, %swap3A_250], %swap3A_253 {strides = array<i32>} : memref<2x40x256xi32, #tpu.memory_space<vmem>>, vector<1x1x16xi32>,
        %get3A_254 = arith.constant 0 : i32
        %get3A_255 = arith.index_cast %get3A_254 : i32 to index
        %get3A_256 = arith.index_cast %scan3A_172 : i32 to index
        %get3A_257 = arith.constant 32 : index
        %get3A_258 = tpu.vector_load %arg9[%get3A_255, %get3A_256, %get3A_257] {strides = array<i32>} : memref<2x40x256xi32, #tpu.memory_space<vmem>>, vector<1x1x16xi32>,
        %get3A_259 = vector.shape_cast %get3A_258 : vector<1x1x16xi32> to vector<16xi32>
        %get3A_260 = arith.constant 0 : i32
        %get3A_261 = arith.index_cast %get3A_260 : i32 to index
        %get3A_262 = arith.index_cast %scan3A_172 : i32 to index
        %get3A_263 = arith.constant 32 : index
        %get3A_264 = tpu.vector_load %arg10[%get3A_261, %get3A_262, %get3A_263] {strides = array<i32>} : memref<2x40x256xi32, #tpu.memory_space<vmem>>, vector<1x1x16xi32>,
        %get3A_265 = vector.shape_cast %get3A_264 : vector<1x1x16xi32> to vector<16xi32>
        %shift_left3A_266 = arith.constant 16 : i32
        %shift_left3A_267 = vector.broadcast %shift_left3A_266 : i32 to vector<16xi32>
        %shift_left3A_268 = arith.shli %get3A_259, %shift_left3A_267 : vector<16xi32>
        %bitcast_convert_type3A_269 = tpu.bitcast %shift_left3A_268 : vector<16xi32> -> vector<16xf32>
        %shift_left3A_270 = arith.constant 16 : i32
        %shift_left3A_271 = vector.broadcast %shift_left3A_270 : i32 to vector<16xi32>
        %shift_left3A_272 = arith.shli %get3A_265, %shift_left3A_271 : vector<16xi32>
        %bitcast_convert_type3A_273 = tpu.bitcast %shift_left3A_272 : vector<16xi32> -> vector<16xf32>
        %add3A_274 = arith.addf %bitcast_convert_type3A_269, %bitcast_convert_type3A_273 : vector<16xf32>
        %bitcast_convert_type3A_275 = tpu.bitcast %add3A_274 : vector<16xf32> -> vector<16xi32>
        %add3A_276 = arith.constant 32768 : i32
        %add3A_277 = vector.broadcast %add3A_276 : i32 to vector<16xi32>
        %add3A_278 = arith.addi %bitcast_convert_type3A_275, %add3A_277 : vector<16xi32>
        %shift_right_logical3A_279 = arith.constant 16 : i32
        %shift_right_logical3A_280 = vector.broadcast %shift_right_logical3A_279 : i32 to vector<16xi32>
        %shift_right_logical3A_281 = arith.shrui %add3A_278, %shift_right_logical3A_280 : vector<16xi32>
        %swap3A_282 = arith.constant 0 : i32
        %swap3A_283 = arith.index_cast %swap3A_282 : i32 to index
        %swap3A_284 = arith.index_cast %scan3A_172 : i32 to index
        %swap3A_285 = arith.constant 32 : index
        %swap3A_286 = tpu.vector_load %arg9[%swap3A_283, %swap3A_284, %swap3A_285] {strides = array<i32>} : memref<2x40x256xi32, #tpu.memory_space<vmem>>, vector<1x1x16xi32>,
        %swap3A_287 = vector.shape_cast %swap3A_286 : vector<1x1x16xi32> to vector<16xi32>
        %swap3A_288 = vector.shape_cast %shift_right_logical3A_281 : vector<16xi32> to vector<1x1x16xi32>
        tpu.vector_store %arg9[%swap3A_283, %swap3A_284, %swap3A_285], %swap3A_288 {strides = array<i32>} : memref<2x40x256xi32, #tpu.memory_space<vmem>>, vector<1x1x16xi32>,
        %get3A_289 = arith.constant 0 : i32
        %get3A_290 = arith.index_cast %get3A_289 : i32 to index
        %get3A_291 = arith.index_cast %scan3A_172 : i32 to index
        %get3A_292 = arith.constant 48 : index
        %get3A_293 = tpu.vector_load %arg9[%get3A_290, %get3A_291, %get3A_292] {strides = array<i32>} : memref<2x40x256xi32, #tpu.memory_space<vmem>>, vector<1x1x16xi32>,
        %get3A_294 = vector.shape_cast %get3A_293 : vector<1x1x16xi32> to vector<16xi32>
        %get3A_295 = arith.constant 0 : i32
        %get3A_296 = arith.index_cast %get3A_295 : i32 to index
        %get3A_297 = arith.index_cast %scan3A_172 : i32 to index
        %get3A_298 = arith.constant 48 : index
        %get3A_299 = tpu.vector_load %arg10[%get3A_296, %get3A_297, %get3A_298] {strides = array<i32>} : memref<2x40x256xi32, #tpu.memory_space<vmem>>, vector<1x1x16xi32>,
        %get3A_300 = vector.shape_cast %get3A_299 : vector<1x1x16xi32> to vector<16xi32>
        %shift_left3A_301 = arith.constant 16 : i32
        %shift_left3A_302 = vector.broadcast %shift_left3A_301 : i32 to vector<16xi32>
        %shift_left3A_303 = arith.shli %get3A_294, %shift_left3A_302 : vector<16xi32>
        %bitcast_convert_type3A_304 = tpu.bitcast %shift_left3A_303 : vector<16xi32> -> vector<16xf32>
        %shift_left3A_305 = arith.constant 16 : i32
        %shift_left3A_306 = vector.broadcast %shift_left3A_305 : i32 to vector<16xi32>
        %shift_left3A_307 = arith.shli %get3A_300, %shift_left3A_306 : vector<16xi32>
        %bitcast_convert_type3A_308 = tpu.bitcast %shift_left3A_307 : vector<16xi32> -> vector<16xf32>
        %add3A_309 = arith.addf %bitcast_convert_type3A_304, %bitcast_convert_type3A_308 : vector<16xf32>
        %bitcast_convert_type3A_310 = tpu.bitcast %add3A_309 : vector<16xf32> -> vector<16xi32>
        %add3A_311 = arith.constant 32768 : i32
        %add3A_312 = vector.broadcast %add3A_311 : i32 to vector<16xi32>
        %add3A_313 = arith.addi %bitcast_convert_type3A_310, %add3A_312 : vector<16xi32>
        %shift_right_logical3A_314 = arith.constant 16 : i32
        %shift_right_logical3A_315 = vector.broadcast %shift_right_logical3A_314 : i32 to vector<16xi32>
        %shift_right_logical3A_316 = arith.shrui %add3A_313, %shift_right_logical3A_315 : vector<16xi32>
        %swap3A_317 = arith.constant 0 : i32
        %swap3A_318 = arith.index_cast %swap3A_317 : i32 to index
        %swap3A_319 = arith.index_cast %scan3A_172 : i32 to index
        %swap3A_320 = arith.constant 48 : index
        %swap3A_321 = tpu.vector_load %arg9[%swap3A_318, %swap3A_319, %swap3A_320] {strides = array<i32>} : memref<2x40x256xi32, #tpu.memory_space<vmem>>, vector<1x1x16xi32>,
        %swap3A_322 = vector.shape_cast %swap3A_321 : vector<1x1x16xi32> to vector<16xi32>
        %swap3A_323 = vector.shape_cast %shift_right_logical3A_316 : vector<16xi32> to vector<1x1x16xi32>
        tpu.vector_store %arg9[%swap3A_318, %swap3A_319, %swap3A_320], %swap3A_323 {strides = array<i32>} : memref<2x40x256xi32, #tpu.memory_space<vmem>>, vector<1x1x16xi32>,
        %get3A_324 = arith.constant 0 : i32
        %get3A_325 = arith.index_cast %get3A_324 : i32 to index
        %get3A_326 = arith.index_cast %scan3A_172 : i32 to index
        %get3A_327 = arith.constant 64 : index
        %get3A_328 = tpu.vector_load %arg9[%get3A_325, %get3A_326, %get3A_327] {strides = array<i32>} : memref<2x40x256xi32, #tpu.memory_space<vmem>>, vector<1x1x16xi32>,
        %get3A_329 = vector.shape_cast %get3A_328 : vector<1x1x16xi32> to vector<16xi32>
        %get3A_330 = arith.constant 0 : i32
        %get3A_331 = arith.index_cast %get3A_330 : i32 to index
        %get3A_332 = arith.index_cast %scan3A_172 : i32 to index
        %get3A_333 = arith.constant 64 : index
        %get3A_334 = tpu.vector_load %arg10[%get3A_331, %get3A_332, %get3A_333] {strides = array<i32>} : memref<2x40x256xi32, #tpu.memory_space<vmem>>, vector<1x1x16xi32>,
        %get3A_335 = vector.shape_cast %get3A_334 : vector<1x1x16xi32> to vector<16xi32>
        %shift_left3A_336 = arith.constant 16 : i32
        %shift_left3A_337 = vector.broadcast %shift_left3A_336 : i32 to vector<16xi32>
        %shift_left3A_338 = arith.shli %get3A_329, %shift_left3A_337 : vector<16xi32>
        %bitcast_convert_type3A_339 = tpu.bitcast %shift_left3A_338 : vector<16xi32> -> vector<16xf32>
        %shift_left3A_340 = arith.constant 16 : i32
        %shift_left3A_341 = vector.broadcast %shift_left3A_340 : i32 to vector<16xi32>
        %shift_left3A_342 = arith.shli %get3A_335, %shift_left3A_341 : vector<16xi32>
        %bitcast_convert_type3A_343 = tpu.bitcast %shift_left3A_342 : vector<16xi32> -> vector<16xf32>
        %add3A_344 = arith.addf %bitcast_convert_type3A_339, %bitcast_convert_type3A_343 : vector<16xf32>
        %bitcast_convert_type3A_345 = tpu.bitcast %add3A_344 : vector<16xf32> -> vector<16xi32>
        %add3A_346 = arith.constant 32768 : i32
        %add3A_347 = vector.broadcast %add3A_346 : i32 to vector<16xi32>
        %add3A_348 = arith.addi %bitcast_convert_type3A_345, %add3A_347 : vector<16xi32>
        %shift_right_logical3A_349 = arith.constant 16 : i32
        %shift_right_logical3A_350 = vector.broadcast %shift_right_logical3A_349 : i32 to vector<16xi32>
        %shift_right_logical3A_351 = arith.shrui %add3A_348, %shift_right_logical3A_350 : vector<16xi32>
        %swap3A_352 = arith.constant 0 : i32
        %swap3A_353 = arith.index_cast %swap3A_352 : i32 to index
        %swap3A_354 = arith.index_cast %scan3A_172 : i32 to index
        %swap3A_355 = arith.constant 64 : index
        %swap3A_356 = tpu.vector_load %arg9[%swap3A_353, %swap3A_354, %swap3A_355] {strides = array<i32>} : memref<2x40x256xi32, #tpu.memory_space<vmem>>, vector<1x1x16xi32>,
        %swap3A_357 = vector.shape_cast %swap3A_356 : vector<1x1x16xi32> to vector<16xi32>
        %swap3A_358 = vector.shape_cast %shift_right_logical3A_351 : vector<16xi32> to vector<1x1x16xi32>
        tpu.vector_store %arg9[%swap3A_353, %swap3A_354, %swap3A_355], %swap3A_358 {strides = array<i32>} : memref<2x40x256xi32, #tpu.memory_space<vmem>>, vector<1x1x16xi32>,
        %get3A_359 = arith.constant 0 : i32
        %get3A_360 = arith.index_cast %get3A_359 : i32 to index
        %get3A_361 = arith.index_cast %scan3A_172 : i32 to index
        %get3A_362 = arith.constant 80 : index
        %get3A_363 = tpu.vector_load %arg9[%get3A_360, %get3A_361, %get3A_362] {strides = array<i32>} : memref<2x40x256xi32, #tpu.memory_space<vmem>>, vector<1x1x16xi32>,
        %get3A_364 = vector.shape_cast %get3A_363 : vector<1x1x16xi32> to vector<16xi32>
        %get3A_365 = arith.constant 0 : i32
        %get3A_366 = arith.index_cast %get3A_365 : i32 to index
        %get3A_367 = arith.index_cast %scan3A_172 : i32 to index
        %get3A_368 = arith.constant 80 : index
        %get3A_369 = tpu.vector_load %arg10[%get3A_366, %get3A_367, %get3A_368] {strides = array<i32>} : memref<2x40x256xi32, #tpu.memory_space<vmem>>, vector<1x1x16xi32>,
        %get3A_370 = vector.shape_cast %get3A_369 : vector<1x1x16xi32> to vector<16xi32>
        %shift_left3A_371 = arith.constant 16 : i32
        %shift_left3A_372 = vector.broadcast %shift_left3A_371 : i32 to vector<16xi32>
        %shift_left3A_373 = arith.shli %get3A_364, %shift_left3A_372 : vector<16xi32>
        %bitcast_convert_type3A_374 = tpu.bitcast %shift_left3A_373 : vector<16xi32> -> vector<16xf32>
        %shift_left3A_375 = arith.constant 16 : i32
        %shift_left3A_376 = vector.broadcast %shift_left3A_375 : i32 to vector<16xi32>
        %shift_left3A_377 = arith.shli %get3A_370, %shift_left3A_376 : vector<16xi32>
        %bitcast_convert_type3A_378 = tpu.bitcast %shift_left3A_377 : vector<16xi32> -> vector<16xf32>
        %add3A_379 = arith.addf %bitcast_convert_type3A_374, %bitcast_convert_type3A_378 : vector<16xf32>
        %bitcast_convert_type3A_380 = tpu.bitcast %add3A_379 : vector<16xf32> -> vector<16xi32>
        %add3A_381 = arith.constant 32768 : i32
        %add3A_382 = vector.broadcast %add3A_381 : i32 to vector<16xi32>
        %add3A_383 = arith.addi %bitcast_convert_type3A_380, %add3A_382 : vector<16xi32>
        %shift_right_logical3A_384 = arith.constant 16 : i32
        %shift_right_logical3A_385 = vector.broadcast %shift_right_logical3A_384 : i32 to vector<16xi32>
        %shift_right_logical3A_386 = arith.shrui %add3A_383, %shift_right_logical3A_385 : vector<16xi32>
        %swap3A_387 = arith.constant 0 : i32
        %swap3A_388 = arith.index_cast %swap3A_387 : i32 to index
        %swap3A_389 = arith.index_cast %scan3A_172 : i32 to index
        %swap3A_390 = arith.constant 80 : index
        %swap3A_391 = tpu.vector_load %arg9[%swap3A_388, %swap3A_389, %swap3A_390] {strides = array<i32>} : memref<2x40x256xi32, #tpu.memory_space<vmem>>, vector<1x1x16xi32>,
        %swap3A_392 = vector.shape_cast %swap3A_391 : vector<1x1x16xi32> to vector<16xi32>
        %swap3A_393 = vector.shape_cast %shift_right_logical3A_386 : vector<16xi32> to vector<1x1x16xi32>
        tpu.vector_store %arg9[%swap3A_388, %swap3A_389, %swap3A_390], %swap3A_393 {strides = array<i32>} : memref<2x40x256xi32, #tpu.memory_space<vmem>>, vector<1x1x16xi32>,
        %get3A_394 = arith.constant 0 : i32
        %get3A_395 = arith.index_cast %get3A_394 : i32 to index
        %get3A_396 = arith.index_cast %scan3A_172 : i32 to index
        %get3A_397 = arith.constant 96 : index
        %get3A_398 = tpu.vector_load %arg9[%get3A_395, %get3A_396, %get3A_397] {strides = array<i32>} : memref<2x40x256xi32, #tpu.memory_space<vmem>>, vector<1x1x16xi32>,
        %get3A_399 = vector.shape_cast %get3A_398 : vector<1x1x16xi32> to vector<16xi32>
        %get3A_400 = arith.constant 0 : i32
        %get3A_401 = arith.index_cast %get3A_400 : i32 to index
        %get3A_402 = arith.index_cast %scan3A_172 : i32 to index
        %get3A_403 = arith.constant 96 : index
        %get3A_404 = tpu.vector_load %arg10[%get3A_401, %get3A_402, %get3A_403] {strides = array<i32>} : memref<2x40x256xi32, #tpu.memory_space<vmem>>, vector<1x1x16xi32>,
        %get3A_405 = vector.shape_cast %get3A_404 : vector<1x1x16xi32> to vector<16xi32>
        %shift_left3A_406 = arith.constant 16 : i32
        %shift_left3A_407 = vector.broadcast %shift_left3A_406 : i32 to vector<16xi32>
        %shift_left3A_408 = arith.shli %get3A_399, %shift_left3A_407 : vector<16xi32>
        %bitcast_convert_type3A_409 = tpu.bitcast %shift_left3A_408 : vector<16xi32> -> vector<16xf32>
        %shift_left3A_410 = arith.constant 16 : i32
        %shift_left3A_411 = vector.broadcast %shift_left3A_410 : i32 to vector<16xi32>
        %shift_left3A_412 = arith.shli %get3A_405, %shift_left3A_411 : vector<16xi32>
        %bitcast_convert_type3A_413 = tpu.bitcast %shift_left3A_412 : vector<16xi32> -> vector<16xf32>
        %add3A_414 = arith.addf %bitcast_convert_type3A_409, %bitcast_convert_type3A_413 : vector<16xf32>
        %bitcast_convert_type3A_415 = tpu.bitcast %add3A_414 : vector<16xf32> -> vector<16xi32>
        %add3A_416 = arith.constant 32768 : i32
        %add3A_417 = vector.broadcast %add3A_416 : i32 to vector<16xi32>
        %add3A_418 = arith.addi %bitcast_convert_type3A_415, %add3A_417 : vector<16xi32>
        %shift_right_logical3A_419 = arith.constant 16 : i32
        %shift_right_logical3A_420 = vector.broadcast %shift_right_logical3A_419 : i32 to vector<16xi32>
        %shift_right_logical3A_421 = arith.shrui %add3A_418, %shift_right_logical3A_420 : vector<16xi32>
        %swap3A_422 = arith.constant 0 : i32
        %swap3A_423 = arith.index_cast %swap3A_422 : i32 to index
        %swap3A_424 = arith.index_cast %scan3A_172 : i32 to index
        %swap3A_425 = arith.constant 96 : index
        %swap3A_426 = tpu.vector_load %arg9[%swap3A_423, %swap3A_424, %swap3A_425] {strides = array<i32>} : memref<2x40x256xi32, #tpu.memory_space<vmem>>, vector<1x1x16xi32>,
        %swap3A_427 = vector.shape_cast %swap3A_426 : vector<1x1x16xi32> to vector<16xi32>
        %swap3A_428 = vector.shape_cast %shift_right_logical3A_421 : vector<16xi32> to vector<1x1x16xi32>
        tpu.vector_store %arg9[%swap3A_423, %swap3A_424, %swap3A_425], %swap3A_428 {strides = array<i32>} : memref<2x40x256xi32, #tpu.memory_space<vmem>>, vector<1x1x16xi32>,
        %get3A_429 = arith.constant 0 : i32
        %get3A_430 = arith.index_cast %get3A_429 : i32 to index
        %get3A_431 = arith.index_cast %scan3A_172 : i32 to index
        %get3A_432 = arith.constant 112 : index
        %get3A_433 = tpu.vector_load %arg9[%get3A_430, %get3A_431, %get3A_432] {strides = array<i32>} : memref<2x40x256xi32, #tpu.memory_space<vmem>>, vector<1x1x16xi32>,
        %get3A_434 = vector.shape_cast %get3A_433 : vector<1x1x16xi32> to vector<16xi32>
        %get3A_435 = arith.constant 0 : i32
        %get3A_436 = arith.index_cast %get3A_435 : i32 to index
        %get3A_437 = arith.index_cast %scan3A_172 : i32 to index
        %get3A_438 = arith.constant 112 : index
        %get3A_439 = tpu.vector_load %arg10[%get3A_436, %get3A_437, %get3A_438] {strides = array<i32>} : memref<2x40x256xi32, #tpu.memory_space<vmem>>, vector<1x1x16xi32>,
        %get3A_440 = vector.shape_cast %get3A_439 : vector<1x1x16xi32> to vector<16xi32>
        %shift_left3A_441 = arith.constant 16 : i32
        %shift_left3A_442 = vector.broadcast %shift_left3A_441 : i32 to vector<16xi32>
        %shift_left3A_443 = arith.shli %get3A_434, %shift_left3A_442 : vector<16xi32>
        %bitcast_convert_type3A_444 = tpu.bitcast %shift_left3A_443 : vector<16xi32> -> vector<16xf32>
        %shift_left3A_445 = arith.constant 16 : i32
        %shift_left3A_446 = vector.broadcast %shift_left3A_445 : i32 to vector<16xi32>
        %shift_left3A_447 = arith.shli %get3A_440, %shift_left3A_446 : vector<16xi32>
        %bitcast_convert_type3A_448 = tpu.bitcast %shift_left3A_447 : vector<16xi32> -> vector<16xf32>
        %add3A_449 = arith.addf %bitcast_convert_type3A_444, %bitcast_convert_type3A_448 : vector<16xf32>
        %bitcast_convert_type3A_450 = tpu.bitcast %add3A_449 : vector<16xf32> -> vector<16xi32>
        %add3A_451 = arith.constant 32768 : i32
        %add3A_452 = vector.broadcast %add3A_451 : i32 to vector<16xi32>
        %add3A_453 = arith.addi %bitcast_convert_type3A_450, %add3A_452 : vector<16xi32>
        %shift_right_logical3A_454 = arith.constant 16 : i32
        %shift_right_logical3A_455 = vector.broadcast %shift_right_logical3A_454 : i32 to vector<16xi32>
        %shift_right_logical3A_456 = arith.shrui %add3A_453, %shift_right_logical3A_455 : vector<16xi32>
        %swap3A_457 = arith.constant 0 : i32
        %swap3A_458 = arith.index_cast %swap3A_457 : i32 to index
        %swap3A_459 = arith.index_cast %scan3A_172 : i32 to index
        %swap3A_460 = arith.constant 112 : index
        %swap3A_461 = tpu.vector_load %arg9[%swap3A_458, %swap3A_459, %swap3A_460] {strides = array<i32>} : memref<2x40x256xi32, #tpu.memory_space<vmem>>, vector<1x1x16xi32>,
        %swap3A_462 = vector.shape_cast %swap3A_461 : vector<1x1x16xi32> to vector<16xi32>
        %swap3A_463 = vector.shape_cast %shift_right_logical3A_456 : vector<16xi32> to vector<1x1x16xi32>
        tpu.vector_store %arg9[%swap3A_458, %swap3A_459, %swap3A_460], %swap3A_463 {strides = array<i32>} : memref<2x40x256xi32, #tpu.memory_space<vmem>>, vector<1x1x16xi32>,
        %get3A_464 = arith.constant 0 : i32
        %get3A_465 = arith.index_cast %get3A_464 : i32 to index
        %get3A_466 = arith.index_cast %scan3A_172 : i32 to index
        %get3A_467 = arith.constant 128 : index
        %get3A_468 = tpu.vector_load %arg9[%get3A_465, %get3A_466, %get3A_467] {strides = array<i32>} : memref<2x40x256xi32, #tpu.memory_space<vmem>>, vector<1x1x16xi32>,
        %get3A_469 = vector.shape_cast %get3A_468 : vector<1x1x16xi32> to vector<16xi32>
        %get3A_470 = arith.constant 0 : i32
        %get3A_471 = arith.index_cast %get3A_470 : i32 to index
        %get3A_472 = arith.index_cast %scan3A_172 : i32 to index
        %get3A_473 = arith.constant 128 : index
        %get3A_474 = tpu.vector_load %arg10[%get3A_471, %get3A_472, %get3A_473] {strides = array<i32>} : memref<2x40x256xi32, #tpu.memory_space<vmem>>, vector<1x1x16xi32>,
        %get3A_475 = vector.shape_cast %get3A_474 : vector<1x1x16xi32> to vector<16xi32>
        %shift_left3A_476 = arith.constant 16 : i32
        %shift_left3A_477 = vector.broadcast %shift_left3A_476 : i32 to vector<16xi32>
        %shift_left3A_478 = arith.shli %get3A_469, %shift_left3A_477 : vector<16xi32>
        %bitcast_convert_type3A_479 = tpu.bitcast %shift_left3A_478 : vector<16xi32> -> vector<16xf32>
        %shift_left3A_480 = arith.constant 16 : i32
        %shift_left3A_481 = vector.broadcast %shift_left3A_480 : i32 to vector<16xi32>
        %shift_left3A_482 = arith.shli %get3A_475, %shift_left3A_481 : vector<16xi32>
        %bitcast_convert_type3A_483 = tpu.bitcast %shift_left3A_482 : vector<16xi32> -> vector<16xf32>
        %add3A_484 = arith.addf %bitcast_convert_type3A_479, %bitcast_convert_type3A_483 : vector<16xf32>
        %bitcast_convert_type3A_485 = tpu.bitcast %add3A_484 : vector<16xf32> -> vector<16xi32>
        %add3A_486 = arith.constant 32768 : i32
        %add3A_487 = vector.broadcast %add3A_486 : i32 to vector<16xi32>
        %add3A_488 = arith.addi %bitcast_convert_type3A_485, %add3A_487 : vector<16xi32>
        %shift_right_logical3A_489 = arith.constant 16 : i32
        %shift_right_logical3A_490 = vector.broadcast %shift_right_logical3A_489 : i32 to vector<16xi32>
        %shift_right_logical3A_491 = arith.shrui %add3A_488, %shift_right_logical3A_490 : vector<16xi32>
        %swap3A_492 = arith.constant 0 : i32
        %swap3A_493 = arith.index_cast %swap3A_492 : i32 to index
        %swap3A_494 = arith.index_cast %scan3A_172 : i32 to index
        %swap3A_495 = arith.constant 128 : index
        %swap3A_496 = tpu.vector_load %arg9[%swap3A_493, %swap3A_494, %swap3A_495] {strides = array<i32>} : memref<2x40x256xi32, #tpu.memory_space<vmem>>, vector<1x1x16xi32>,
        %swap3A_497 = vector.shape_cast %swap3A_496 : vector<1x1x16xi32> to vector<16xi32>
        %swap3A_498 = vector.shape_cast %shift_right_logical3A_491 : vector<16xi32> to vector<1x1x16xi32>
        tpu.vector_store %arg9[%swap3A_493, %swap3A_494, %swap3A_495], %swap3A_498 {strides = array<i32>} : memref<2x40x256xi32, #tpu.memory_space<vmem>>, vector<1x1x16xi32>,
        %get3A_499 = arith.constant 0 : i32
        %get3A_500 = arith.index_cast %get3A_499 : i32 to index
        %get3A_501 = arith.index_cast %scan3A_172 : i32 to index
        %get3A_502 = arith.constant 144 : index
        %get3A_503 = tpu.vector_load %arg9[%get3A_500, %get3A_501, %get3A_502] {strides = array<i32>} : memref<2x40x256xi32, #tpu.memory_space<vmem>>, vector<1x1x16xi32>,
        %get3A_504 = vector.shape_cast %get3A_503 : vector<1x1x16xi32> to vector<16xi32>
        %get3A_505 = arith.constant 0 : i32
        %get3A_506 = arith.index_cast %get3A_505 : i32 to index
        %get3A_507 = arith.index_cast %scan3A_172 : i32 to index
        %get3A_508 = arith.constant 144 : index
        %get3A_509 = tpu.vector_load %arg10[%get3A_506, %get3A_507, %get3A_508] {strides = array<i32>} : memref<2x40x256xi32, #tpu.memory_space<vmem>>, vector<1x1x16xi32>,
        %get3A_510 = vector.shape_cast %get3A_509 : vector<1x1x16xi32> to vector<16xi32>
        %shift_left3A_511 = arith.constant 16 : i32
        %shift_left3A_512 = vector.broadcast %shift_left3A_511 : i32 to vector<16xi32>
        %shift_left3A_513 = arith.shli %get3A_504, %shift_left3A_512 : vector<16xi32>
        %bitcast_convert_type3A_514 = tpu.bitcast %shift_left3A_513 : vector<16xi32> -> vector<16xf32>
        %shift_left3A_515 = arith.constant 16 : i32
        %shift_left3A_516 = vector.broadcast %shift_left3A_515 : i32 to vector<16xi32>
        %shift_left3A_517 = arith.shli %get3A_510, %shift_left3A_516 : vector<16xi32>
        %bitcast_convert_type3A_518 = tpu.bitcast %shift_left3A_517 : vector<16xi32> -> vector<16xf32>
        %add3A_519 = arith.addf %bitcast_convert_type3A_514, %bitcast_convert_type3A_518 : vector<16xf32>
        %bitcast_convert_type3A_520 = tpu.bitcast %add3A_519 : vector<16xf32> -> vector<16xi32>
        %add3A_521 = arith.constant 32768 : i32
        %add3A_522 = vector.broadcast %add3A_521 : i32 to vector<16xi32>
        %add3A_523 = arith.addi %bitcast_convert_type3A_520, %add3A_522 : vector<16xi32>
        %shift_right_logical3A_524 = arith.constant 16 : i32
        %shift_right_logical3A_525 = vector.broadcast %shift_right_logical3A_524 : i32 to vector<16xi32>
        %shift_right_logical3A_526 = arith.shrui %add3A_523, %shift_right_logical3A_525 : vector<16xi32>
        %swap3A_527 = arith.constant 0 : i32
        %swap3A_528 = arith.index_cast %swap3A_527 : i32 to index
        %swap3A_529 = arith.index_cast %scan3A_172 : i32 to index
        %swap3A_530 = arith.constant 144 : index
        %swap3A_531 = tpu.vector_load %arg9[%swap3A_528, %swap3A_529, %swap3A_530] {strides = array<i32>} : memref<2x40x256xi32, #tpu.memory_space<vmem>>, vector<1x1x16xi32>,
        %swap3A_532 = vector.shape_cast %swap3A_531 : vector<1x1x16xi32> to vector<16xi32>
        %swap3A_533 = vector.shape_cast %shift_right_logical3A_526 : vector<16xi32> to vector<1x1x16xi32>
        tpu.vector_store %arg9[%swap3A_528, %swap3A_529, %swap3A_530], %swap3A_533 {strides = array<i32>} : memref<2x40x256xi32, #tpu.memory_space<vmem>>, vector<1x1x16xi32>,
        %get3A_534 = arith.constant 0 : i32
        %get3A_535 = arith.index_cast %get3A_534 : i32 to index
        %get3A_536 = arith.index_cast %scan3A_172 : i32 to index
        %get3A_537 = arith.constant 160 : index
        %get3A_538 = tpu.vector_load %arg9[%get3A_535, %get3A_536, %get3A_537] {strides = array<i32>} : memref<2x40x256xi32, #tpu.memory_space<vmem>>, vector<1x1x16xi32>,
        %get3A_539 = vector.shape_cast %get3A_538 : vector<1x1x16xi32> to vector<16xi32>
        %get3A_540 = arith.constant 0 : i32
        %get3A_541 = arith.index_cast %get3A_540 : i32 to index
        %get3A_542 = arith.index_cast %scan3A_172 : i32 to index
        %get3A_543 = arith.constant 160 : index
        %get3A_544 = tpu.vector_load %arg10[%get3A_541, %get3A_542, %get3A_543] {strides = array<i32>} : memref<2x40x256xi32, #tpu.memory_space<vmem>>, vector<1x1x16xi32>,
        %get3A_545 = vector.shape_cast %get3A_544 : vector<1x1x16xi32> to vector<16xi32>
        %shift_left3A_546 = arith.constant 16 : i32
        %shift_left3A_547 = vector.broadcast %shift_left3A_546 : i32 to vector<16xi32>
        %shift_left3A_548 = arith.shli %get3A_539, %shift_left3A_547 : vector<16xi32>
        %bitcast_convert_type3A_549 = tpu.bitcast %shift_left3A_548 : vector<16xi32> -> vector<16xf32>
        %shift_left3A_550 = arith.constant 16 : i32
        %shift_left3A_551 = vector.broadcast %shift_left3A_550 : i32 to vector<16xi32>
        %shift_left3A_552 = arith.shli %get3A_545, %shift_left3A_551 : vector<16xi32>
        %bitcast_convert_type3A_553 = tpu.bitcast %shift_left3A_552 : vector<16xi32> -> vector<16xf32>
        %add3A_554 = arith.addf %bitcast_convert_type3A_549, %bitcast_convert_type3A_553 : vector<16xf32>
        %bitcast_convert_type3A_555 = tpu.bitcast %add3A_554 : vector<16xf32> -> vector<16xi32>
        %add3A_556 = arith.constant 32768 : i32
        %add3A_557 = vector.broadcast %add3A_556 : i32 to vector<16xi32>
        %add3A_558 = arith.addi %bitcast_convert_type3A_555, %add3A_557 : vector<16xi32>
        %shift_right_logical3A_559 = arith.constant 16 : i32
        %shift_right_logical3A_560 = vector.broadcast %shift_right_logical3A_559 : i32 to vector<16xi32>
        %shift_right_logical3A_561 = arith.shrui %add3A_558, %shift_right_logical3A_560 : vector<16xi32>
        %swap3A_562 = arith.constant 0 : i32
        %swap3A_563 = arith.index_cast %swap3A_562 : i32 to index
        %swap3A_564 = arith.index_cast %scan3A_172 : i32 to index
        %swap3A_565 = arith.constant 160 : index
        %swap3A_566 = tpu.vector_load %arg9[%swap3A_563, %swap3A_564, %swap3A_565] {strides = array<i32>} : memref<2x40x256xi32, #tpu.memory_space<vmem>>, vector<1x1x16xi32>,
        %swap3A_567 = vector.shape_cast %swap3A_566 : vector<1x1x16xi32> to vector<16xi32>
        %swap3A_568 = vector.shape_cast %shift_right_logical3A_561 : vector<16xi32> to vector<1x1x16xi32>
        tpu.vector_store %arg9[%swap3A_563, %swap3A_564, %swap3A_565], %swap3A_568 {strides = array<i32>} : memref<2x40x256xi32, #tpu.memory_space<vmem>>, vector<1x1x16xi32>,
        %get3A_569 = arith.constant 0 : i32
        %get3A_570 = arith.index_cast %get3A_569 : i32 to index
        %get3A_571 = arith.index_cast %scan3A_172 : i32 to index
        %get3A_572 = arith.constant 176 : index
        %get3A_573 = tpu.vector_load %arg9[%get3A_570, %get3A_571, %get3A_572] {strides = array<i32>} : memref<2x40x256xi32, #tpu.memory_space<vmem>>, vector<1x1x16xi32>,
        %get3A_574 = vector.shape_cast %get3A_573 : vector<1x1x16xi32> to vector<16xi32>
        %get3A_575 = arith.constant 0 : i32
        %get3A_576 = arith.index_cast %get3A_575 : i32 to index
        %get3A_577 = arith.index_cast %scan3A_172 : i32 to index
        %get3A_578 = arith.constant 176 : index
        %get3A_579 = tpu.vector_load %arg10[%get3A_576, %get3A_577, %get3A_578] {strides = array<i32>} : memref<2x40x256xi32, #tpu.memory_space<vmem>>, vector<1x1x16xi32>,
        %get3A_580 = vector.shape_cast %get3A_579 : vector<1x1x16xi32> to vector<16xi32>
        %shift_left3A_581 = arith.constant 16 : i32
        %shift_left3A_582 = vector.broadcast %shift_left3A_581 : i32 to vector<16xi32>
        %shift_left3A_583 = arith.shli %get3A_574, %shift_left3A_582 : vector<16xi32>
        %bitcast_convert_type3A_584 = tpu.bitcast %shift_left3A_583 : vector<16xi32> -> vector<16xf32>
        %shift_left3A_585 = arith.constant 16 : i32
        %shift_left3A_586 = vector.broadcast %shift_left3A_585 : i32 to vector<16xi32>
        %shift_left3A_587 = arith.shli %get3A_580, %shift_left3A_586 : vector<16xi32>
        %bitcast_convert_type3A_588 = tpu.bitcast %shift_left3A_587 : vector<16xi32> -> vector<16xf32>
        %add3A_589 = arith.addf %bitcast_convert_type3A_584, %bitcast_convert_type3A_588 : vector<16xf32>
        %bitcast_convert_type3A_590 = tpu.bitcast %add3A_589 : vector<16xf32> -> vector<16xi32>
        %add3A_591 = arith.constant 32768 : i32
        %add3A_592 = vector.broadcast %add3A_591 : i32 to vector<16xi32>
        %add3A_593 = arith.addi %bitcast_convert_type3A_590, %add3A_592 : vector<16xi32>
        %shift_right_logical3A_594 = arith.constant 16 : i32
        %shift_right_logical3A_595 = vector.broadcast %shift_right_logical3A_594 : i32 to vector<16xi32>
        %shift_right_logical3A_596 = arith.shrui %add3A_593, %shift_right_logical3A_595 : vector<16xi32>
        %swap3A_597 = arith.constant 0 : i32
        %swap3A_598 = arith.index_cast %swap3A_597 : i32 to index
        %swap3A_599 = arith.index_cast %scan3A_172 : i32 to index
        %swap3A_600 = arith.constant 176 : index
        %swap3A_601 = tpu.vector_load %arg9[%swap3A_598, %swap3A_599, %swap3A_600] {strides = array<i32>} : memref<2x40x256xi32, #tpu.memory_space<vmem>>, vector<1x1x16xi32>,
        %swap3A_602 = vector.shape_cast %swap3A_601 : vector<1x1x16xi32> to vector<16xi32>
        %swap3A_603 = vector.shape_cast %shift_right_logical3A_596 : vector<16xi32> to vector<1x1x16xi32>
        tpu.vector_store %arg9[%swap3A_598, %swap3A_599, %swap3A_600], %swap3A_603 {strides = array<i32>} : memref<2x40x256xi32, #tpu.memory_space<vmem>>, vector<1x1x16xi32>,
        %get3A_604 = arith.constant 0 : i32
        %get3A_605 = arith.index_cast %get3A_604 : i32 to index
        %get3A_606 = arith.index_cast %scan3A_172 : i32 to index
        %get3A_607 = arith.constant 192 : index
        %get3A_608 = tpu.vector_load %arg9[%get3A_605, %get3A_606, %get3A_607] {strides = array<i32>} : memref<2x40x256xi32, #tpu.memory_space<vmem>>, vector<1x1x16xi32>,
        %get3A_609 = vector.shape_cast %get3A_608 : vector<1x1x16xi32> to vector<16xi32>
        %get3A_610 = arith.constant 0 : i32
        %get3A_611 = arith.index_cast %get3A_610 : i32 to index
        %get3A_612 = arith.index_cast %scan3A_172 : i32 to index
        %get3A_613 = arith.constant 192 : index
        %get3A_614 = tpu.vector_load %arg10[%get3A_611, %get3A_612, %get3A_613] {strides = array<i32>} : memref<2x40x256xi32, #tpu.memory_space<vmem>>, vector<1x1x16xi32>,
        %get3A_615 = vector.shape_cast %get3A_614 : vector<1x1x16xi32> to vector<16xi32>
        %shift_left3A_616 = arith.constant 16 : i32
        %shift_left3A_617 = vector.broadcast %shift_left3A_616 : i32 to vector<16xi32>
        %shift_left3A_618 = arith.shli %get3A_609, %shift_left3A_617 : vector<16xi32>
        %bitcast_convert_type3A_619 = tpu.bitcast %shift_left3A_618 : vector<16xi32> -> vector<16xf32>
        %shift_left3A_620 = arith.constant 16 : i32
        %shift_left3A_621 = vector.broadcast %shift_left3A_620 : i32 to vector<16xi32>
        %shift_left3A_622 = arith.shli %get3A_615, %shift_left3A_621 : vector<16xi32>
        %bitcast_convert_type3A_623 = tpu.bitcast %shift_left3A_622 : vector<16xi32> -> vector<16xf32>
        %add3A_624 = arith.addf %bitcast_convert_type3A_619, %bitcast_convert_type3A_623 : vector<16xf32>
        %bitcast_convert_type3A_625 = tpu.bitcast %add3A_624 : vector<16xf32> -> vector<16xi32>
        %add3A_626 = arith.constant 32768 : i32
        %add3A_627 = vector.broadcast %add3A_626 : i32 to vector<16xi32>
        %add3A_628 = arith.addi %bitcast_convert_type3A_625, %add3A_627 : vector<16xi32>
        %shift_right_logical3A_629 = arith.constant 16 : i32
        %shift_right_logical3A_630 = vector.broadcast %shift_right_logical3A_629 : i32 to vector<16xi32>
        %shift_right_logical3A_631 = arith.shrui %add3A_628, %shift_right_logical3A_630 : vector<16xi32>
        %swap3A_632 = arith.constant 0 : i32
        %swap3A_633 = arith.index_cast %swap3A_632 : i32 to index
        %swap3A_634 = arith.index_cast %scan3A_172 : i32 to index
        %swap3A_635 = arith.constant 192 : index
        %swap3A_636 = tpu.vector_load %arg9[%swap3A_633, %swap3A_634, %swap3A_635] {strides = array<i32>} : memref<2x40x256xi32, #tpu.memory_space<vmem>>, vector<1x1x16xi32>,
        %swap3A_637 = vector.shape_cast %swap3A_636 : vector<1x1x16xi32> to vector<16xi32>
        %swap3A_638 = vector.shape_cast %shift_right_logical3A_631 : vector<16xi32> to vector<1x1x16xi32>
        tpu.vector_store %arg9[%swap3A_633, %swap3A_634, %swap3A_635], %swap3A_638 {strides = array<i32>} : memref<2x40x256xi32, #tpu.memory_space<vmem>>, vector<1x1x16xi32>,
        %get3A_639 = arith.constant 0 : i32
        %get3A_640 = arith.index_cast %get3A_639 : i32 to index
        %get3A_641 = arith.index_cast %scan3A_172 : i32 to index
        %get3A_642 = arith.constant 208 : index
        %get3A_643 = tpu.vector_load %arg9[%get3A_640, %get3A_641, %get3A_642] {strides = array<i32>} : memref<2x40x256xi32, #tpu.memory_space<vmem>>, vector<1x1x16xi32>,
        %get3A_644 = vector.shape_cast %get3A_643 : vector<1x1x16xi32> to vector<16xi32>
        %get3A_645 = arith.constant 0 : i32
        %get3A_646 = arith.index_cast %get3A_645 : i32 to index
        %get3A_647 = arith.index_cast %scan3A_172 : i32 to index
        %get3A_648 = arith.constant 208 : index
        %get3A_649 = tpu.vector_load %arg10[%get3A_646, %get3A_647, %get3A_648] {strides = array<i32>} : memref<2x40x256xi32, #tpu.memory_space<vmem>>, vector<1x1x16xi32>,
        %get3A_650 = vector.shape_cast %get3A_649 : vector<1x1x16xi32> to vector<16xi32>
        %shift_left3A_651 = arith.constant 16 : i32
        %shift_left3A_652 = vector.broadcast %shift_left3A_651 : i32 to vector<16xi32>
        %shift_left3A_653 = arith.shli %get3A_644, %shift_left3A_652 : vector<16xi32>
        %bitcast_convert_type3A_654 = tpu.bitcast %shift_left3A_653 : vector<16xi32> -> vector<16xf32>
        %shift_left3A_655 = arith.constant 16 : i32
        %shift_left3A_656 = vector.broadcast %shift_left3A_655 : i32 to vector<16xi32>
        %shift_left3A_657 = arith.shli %get3A_650, %shift_left3A_656 : vector<16xi32>
        %bitcast_convert_type3A_658 = tpu.bitcast %shift_left3A_657 : vector<16xi32> -> vector<16xf32>
        %add3A_659 = arith.addf %bitcast_convert_type3A_654, %bitcast_convert_type3A_658 : vector<16xf32>
        %bitcast_convert_type3A_660 = tpu.bitcast %add3A_659 : vector<16xf32> -> vector<16xi32>
        %add3A_661 = arith.constant 32768 : i32
        %add3A_662 = vector.broadcast %add3A_661 : i32 to vector<16xi32>
        %add3A_663 = arith.addi %bitcast_convert_type3A_660, %add3A_662 : vector<16xi32>
        %shift_right_logical3A_664 = arith.constant 16 : i32
        %shift_right_logical3A_665 = vector.broadcast %shift_right_logical3A_664 : i32 to vector<16xi32>
        %shift_right_logical3A_666 = arith.shrui %add3A_663, %shift_right_logical3A_665 : vector<16xi32>
        %swap3A_667 = arith.constant 0 : i32
        %swap3A_668 = arith.index_cast %swap3A_667 : i32 to index
        %swap3A_669 = arith.index_cast %scan3A_172 : i32 to index
        %swap3A_670 = arith.constant 208 : index
        %swap3A_671 = tpu.vector_load %arg9[%swap3A_668, %swap3A_669, %swap3A_670] {strides = array<i32>} : memref<2x40x256xi32, #tpu.memory_space<vmem>>, vector<1x1x16xi32>,
        %swap3A_672 = vector.shape_cast %swap3A_671 : vector<1x1x16xi32> to vector<16xi32>
        %swap3A_673 = vector.shape_cast %shift_right_logical3A_666 : vector<16xi32> to vector<1x1x16xi32>
        tpu.vector_store %arg9[%swap3A_668, %swap3A_669, %swap3A_670], %swap3A_673 {strides = array<i32>} : memref<2x40x256xi32, #tpu.memory_space<vmem>>, vector<1x1x16xi32>,
        %get3A_674 = arith.constant 0 : i32
        %get3A_675 = arith.index_cast %get3A_674 : i32 to index
        %get3A_676 = arith.index_cast %scan3A_172 : i32 to index
        %get3A_677 = arith.constant 224 : index
        %get3A_678 = tpu.vector_load %arg9[%get3A_675, %get3A_676, %get3A_677] {strides = array<i32>} : memref<2x40x256xi32, #tpu.memory_space<vmem>>, vector<1x1x16xi32>,
        %get3A_679 = vector.shape_cast %get3A_678 : vector<1x1x16xi32> to vector<16xi32>
        %get3A_680 = arith.constant 0 : i32
        %get3A_681 = arith.index_cast %get3A_680 : i32 to index
        %get3A_682 = arith.index_cast %scan3A_172 : i32 to index
        %get3A_683 = arith.constant 224 : index
        %get3A_684 = tpu.vector_load %arg10[%get3A_681, %get3A_682, %get3A_683] {strides = array<i32>} : memref<2x40x256xi32, #tpu.memory_space<vmem>>, vector<1x1x16xi32>,
        %get3A_685 = vector.shape_cast %get3A_684 : vector<1x1x16xi32> to vector<16xi32>
        %shift_left3A_686 = arith.constant 16 : i32
        %shift_left3A_687 = vector.broadcast %shift_left3A_686 : i32 to vector<16xi32>
        %shift_left3A_688 = arith.shli %get3A_679, %shift_left3A_687 : vector<16xi32>
        %bitcast_convert_type3A_689 = tpu.bitcast %shift_left3A_688 : vector<16xi32> -> vector<16xf32>
        %shift_left3A_690 = arith.constant 16 : i32
        %shift_left3A_691 = vector.broadcast %shift_left3A_690 : i32 to vector<16xi32>
        %shift_left3A_692 = arith.shli %get3A_685, %shift_left3A_691 : vector<16xi32>
        %bitcast_convert_type3A_693 = tpu.bitcast %shift_left3A_692 : vector<16xi32> -> vector<16xf32>
        %add3A_694 = arith.addf %bitcast_convert_type3A_689, %bitcast_convert_type3A_693 : vector<16xf32>
        %bitcast_convert_type3A_695 = tpu.bitcast %add3A_694 : vector<16xf32> -> vector<16xi32>
        %add3A_696 = arith.constant 32768 : i32
        %add3A_697 = vector.broadcast %add3A_696 : i32 to vector<16xi32>
        %add3A_698 = arith.addi %bitcast_convert_type3A_695, %add3A_697 : vector<16xi32>
        %shift_right_logical3A_699 = arith.constant 16 : i32
        %shift_right_logical3A_700 = vector.broadcast %shift_right_logical3A_699 : i32 to vector<16xi32>
        %shift_right_logical3A_701 = arith.shrui %add3A_698, %shift_right_logical3A_700 : vector<16xi32>
        %swap3A_702 = arith.constant 0 : i32
        %swap3A_703 = arith.index_cast %swap3A_702 : i32 to index
        %swap3A_704 = arith.index_cast %scan3A_172 : i32 to index
        %swap3A_705 = arith.constant 224 : index
        %swap3A_706 = tpu.vector_load %arg9[%swap3A_703, %swap3A_704, %swap3A_705] {strides = array<i32>} : memref<2x40x256xi32, #tpu.memory_space<vmem>>, vector<1x1x16xi32>,
        %swap3A_707 = vector.shape_cast %swap3A_706 : vector<1x1x16xi32> to vector<16xi32>
        %swap3A_708 = vector.shape_cast %shift_right_logical3A_701 : vector<16xi32> to vector<1x1x16xi32>
        tpu.vector_store %arg9[%swap3A_703, %swap3A_704, %swap3A_705], %swap3A_708 {strides = array<i32>} : memref<2x40x256xi32, #tpu.memory_space<vmem>>, vector<1x1x16xi32>,
        %get3A_709 = arith.constant 0 : i32
        %get3A_710 = arith.index_cast %get3A_709 : i32 to index
        %get3A_711 = arith.index_cast %scan3A_172 : i32 to index
        %get3A_712 = arith.constant 240 : index
        %get3A_713 = tpu.vector_load %arg9[%get3A_710, %get3A_711, %get3A_712] {strides = array<i32>} : memref<2x40x256xi32, #tpu.memory_space<vmem>>, vector<1x1x16xi32>,
        %get3A_714 = vector.shape_cast %get3A_713 : vector<1x1x16xi32> to vector<16xi32>
        %get3A_715 = arith.constant 0 : i32
        %get3A_716 = arith.index_cast %get3A_715 : i32 to index
        %get3A_717 = arith.index_cast %scan3A_172 : i32 to index
        %get3A_718 = arith.constant 240 : index
        %get3A_719 = tpu.vector_load %arg10[%get3A_716, %get3A_717, %get3A_718] {strides = array<i32>} : memref<2x40x256xi32, #tpu.memory_space<vmem>>, vector<1x1x16xi32>,
        %get3A_720 = vector.shape_cast %get3A_719 : vector<1x1x16xi32> to vector<16xi32>
        %shift_left3A_721 = arith.constant 16 : i32
        %shift_left3A_722 = vector.broadcast %shift_left3A_721 : i32 to vector<16xi32>
        %shift_left3A_723 = arith.shli %get3A_714, %shift_left3A_722 : vector<16xi32>
        %bitcast_convert_type3A_724 = tpu.bitcast %shift_left3A_723 : vector<16xi32> -> vector<16xf32>
        %shift_left3A_725 = arith.constant 16 : i32
        %shift_left3A_726 = vector.broadcast %shift_left3A_725 : i32 to vector<16xi32>
        %shift_left3A_727 = arith.shli %get3A_720, %shift_left3A_726 : vector<16xi32>
        %bitcast_convert_type3A_728 = tpu.bitcast %shift_left3A_727 : vector<16xi32> -> vector<16xf32>
        %add3A_729 = arith.addf %bitcast_convert_type3A_724, %bitcast_convert_type3A_728 : vector<16xf32>
        %bitcast_convert_type3A_730 = tpu.bitcast %add3A_729 : vector<16xf32> -> vector<16xi32>
        %add3A_731 = arith.constant 32768 : i32
        %add3A_732 = vector.broadcast %add3A_731 : i32 to vector<16xi32>
        %add3A_733 = arith.addi %bitcast_convert_type3A_730, %add3A_732 : vector<16xi32>
        %shift_right_logical3A_734 = arith.constant 16 : i32
        %shift_right_logical3A_735 = vector.broadcast %shift_right_logical3A_734 : i32 to vector<16xi32>
        %shift_right_logical3A_736 = arith.shrui %add3A_733, %shift_right_logical3A_735 : vector<16xi32>
        %swap3A_737 = arith.constant 0 : i32
        %swap3A_738 = arith.index_cast %swap3A_737 : i32 to index
        %swap3A_739 = arith.index_cast %scan3A_172 : i32 to index
        %swap3A_740 = arith.constant 240 : index
        %swap3A_741 = tpu.vector_load %arg9[%swap3A_738, %swap3A_739, %swap3A_740] {strides = array<i32>} : memref<2x40x256xi32, #tpu.memory_space<vmem>>, vector<1x1x16xi32>,
        %swap3A_742 = vector.shape_cast %swap3A_741 : vector<1x1x16xi32> to vector<16xi32>
        %swap3A_743 = vector.shape_cast %shift_right_logical3A_736 : vector<16xi32> to vector<1x1x16xi32>
        tpu.vector_store %arg9[%swap3A_738, %swap3A_739, %swap3A_740], %swap3A_743 {strides = array<i32>} : memref<2x40x256xi32, #tpu.memory_space<vmem>>, vector<1x1x16xi32>,
      }
      %scan3A_94 = arith.constant 40 : i32
      %mul3A_95 = arith.constant 40 : i32
      %mul3A_96 = arith.muli %add3A_60, %mul3A_95 : i32
      %add3A_97 = arith.addi %multiple_of3A, %mul3A_96 : i32
      %multiple_of3A_98 = tpu.assume_multiple %add3A_97, 8 : i32
      %dma_start3A_99 = arith.constant 0 : i32
      %dma_start3A_100 = arith.constant 0 : i32
      %dma_start3A_101 = arith.constant 0 : i32
      %dma_start3A_102 = tpu.memref_slice %arg9[%dma_start3A_99, %dma_start3A_100, %dma_start3A_101] : memref<2x40x256xi32, #tpu.memory_space<vmem>> -> memref<1x40x256xi32, #tpu.memory_space<vmem>>
      %dma_start3A_103 = tpu.memref_squeeze %dma_start3A_102 : memref<1x40x256xi32, #tpu.memory_space<vmem>> -> memref<40x256xi32, #tpu.memory_space<vmem>>
      %dma_start3A_104 = arith.constant 0 : i32
      %dma_start3A_105 = tpu.memref_slice %arg6[%multiple_of3A_98, %dma_start3A_104] : memref<320000x256xi32, #tpu.memory_space<hbm>> -> memref<40x256xi32, #tpu.memory_space<hbm>>
      %dma_start3A_106 = arith.constant 0 : i32
      %dma_start3A_107 = tpu.memref_slice %arg6[%multiple_of3A_98, %dma_start3A_106] : memref<320000x256xi32, #tpu.memory_space<hbm>> -> memref<40x256xi32, #tpu.memory_space<hbm>>
      %dma_start3A_108 = arith.constant 0 : i32
      %dma_start3A_109 = arith.constant 0 : i32
      %dma_start3A_110 = tpu.memref_slice %arg9[%dma_start3A_99, %dma_start3A_108, %dma_start3A_109] : memref<2x40x256xi32, #tpu.memory_space<vmem>> -> memref<1x40x256xi32, #tpu.memory_space<vmem>>
      %dma_start3A_111 = tpu.memref_squeeze %dma_start3A_110 : memref<1x40x256xi32, #tpu.memory_space<vmem>> -> memref<40x256xi32, #tpu.memory_space<vmem>>
      tpu.enqueue_dma source(%dma_start3A_111 : memref<40x256xi32, #tpu.memory_space<vmem>>) target(%dma_start3A_107 : memref<40x256xi32, #tpu.memory_space<hbm>>) target_semaphore(%arg15 : memref<!tpu.dma_semaphore, #tpu.memory_space<semaphore_mem>>)
      %mul3A_112 = arith.constant 2 : i32
      %mul3A_113 = arith.muli %scan3A_56, %mul3A_112 : i32
      %add3A_114 = arith.constant 1 : i32
      %add3A_115 = arith.addi %mul3A_113, %add3A_114 : i32
      %add3A_116 = arith.constant 1 : i32
      %add3A_117 = arith.addi %add3A_115, %add3A_116 : i32
      %lt3A_118 = arith.constant 250 : i32
      %lt3A_119 = arith.cmpi slt, %add3A_117, %lt3A_118 : i32
      %ge3A_120 = arith.constant 1 : i32
      %ge3A_121 = arith.cmpi sge, %add3A_115, %ge3A_120 : i32
      %and3A_122 = arith.andi %lt3A_119, %ge3A_121 : i1
      %convert_element_type3A_123 = arith.extui %and3A_122 : i1 to i32
      %cond3A_124 = arith.constant 0 : i32
      %cond3A_125 = arith.cmpi ne, %convert_element_type3A_123, %cond3A_124 : i32
      scf.if %cond3A_125 {
        %dma_wait3A_172 = arith.constant 0 : i32
        %dma_wait3A_173 = arith.constant 0 : i32
        %dma_wait3A_174 = arith.constant 0 : i32
        %dma_wait3A_175 = tpu.memref_slice %arg9[%dma_wait3A_172, %dma_wait3A_173, %dma_wait3A_174] : memref<2x40x256xi32, #tpu.memory_space<vmem>> -> memref<1x40x256xi32, #tpu.memory_space<vmem>>
        %dma_wait3A_176 = tpu.memref_squeeze %dma_wait3A_175 : memref<1x40x256xi32, #tpu.memory_space<vmem>> -> memref<40x256xi32, #tpu.memory_space<vmem>>
        %dma_wait3A_177 = arith.constant 0 : i32
        %dma_wait3A_178 = arith.constant 0 : i32
        %dma_wait3A_179 = tpu.memref_slice %arg6[%dma_wait3A_177, %dma_wait3A_178] : memref<320000x256xi32, #tpu.memory_space<hbm>> -> memref<40x256xi32, #tpu.memory_space<hbm>>
        %dma_wait3A_180 = arith.constant 0 : i32
        %dma_wait3A_181 = arith.constant 0 : i32
        %dma_wait3A_182 = tpu.memref_slice %arg6[%dma_wait3A_180, %dma_wait3A_181] : memref<320000x256xi32, #tpu.memory_space<hbm>> -> memref<40x256xi32, #tpu.memory_space<hbm>>
        %dma_wait3A_183 = arith.constant 0 : i32
        %dma_wait3A_184 = arith.constant 0 : i32
        %dma_wait3A_185 = tpu.memref_slice %arg9[%dma_wait3A_172, %dma_wait3A_183, %dma_wait3A_184] : memref<2x40x256xi32, #tpu.memory_space<vmem>> -> memref<1x40x256xi32, #tpu.memory_space<vmem>>
        %dma_wait3A_186 = tpu.memref_squeeze %dma_wait3A_185 : memref<1x40x256xi32, #tpu.memory_space<vmem>> -> memref<40x256xi32, #tpu.memory_space<vmem>>
        tpu.wait_dma2 semaphore(%arg15 : memref<!tpu.dma_semaphore, #tpu.memory_space<semaphore_mem>>) src(%dma_wait3A_186 : memref<40x256xi32, #tpu.memory_space<vmem>>) dst(%dma_wait3A_182 : memref<40x256xi32, #tpu.memory_space<hbm>>)
      } else {
      }
      %convert_element_type3A_126 = arith.extui %lt3A_119 : i1 to i32
      %cond3A_127 = arith.constant 0 : i32
      %cond3A_128 = arith.cmpi ne, %convert_element_type3A_126, %cond3A_127 : i32
      scf.if %cond3A_128 {
        %add3A_172 = arith.constant 1 : i32
        %add3A_173 = arith.addi %add3A_115, %add3A_172 : i32
        %mul3A_174 = arith.constant 40 : i32
        %mul3A_175 = arith.muli %add3A_173, %mul3A_174 : i32
        %multiple_of3A_176 = tpu.assume_multiple %mul3A_175, 8 : i32
        %dma_start3A_177 = arith.constant 0 : i32
        %dma_start3A_178 = arith.constant 0 : i32
        %dma_start3A_179 = arith.constant 0 : i32
        %dma_start3A_180 = tpu.memref_slice %arg9[%dma_start3A_177, %dma_start3A_178, %dma_start3A_179] : memref<2x40x256xi32, #tpu.memory_space<vmem>> -> memref<1x40x256xi32, #tpu.memory_space<vmem>>
        %dma_start3A_181 = tpu.memref_squeeze %dma_start3A_180 : memref<1x40x256xi32, #tpu.memory_space<vmem>> -> memref<40x256xi32, #tpu.memory_space<vmem>>
        %dma_start3A_182 = tpu.memref_slice %arg7[%multiple_of3A_176] : memref<10000xi32, #tpu.memory_space<vmem>> -> memref<40xi32, #tpu.memory_space<vmem>>
        %dma_start3A_183 = arith.constant 0 : i32
        %dma_start3A_184 = arith.constant 0 : i32
        %dma_start3A_185 = tpu.memref_slice %arg2[%dma_start3A_183, %dma_start3A_184] : memref<10000x256xi32, #tpu.memory_space<hbm>> -> memref<10000x256xi32, #tpu.memory_space<hbm>>
        tpu.enqueue_indirect_dma source(%dma_start3A_185 : memref<10000x256xi32, #tpu.memory_space<hbm>>) target(%dma_start3A_181 : memref<40x256xi32, #tpu.memory_space<vmem>>) offsets(%dma_start3A_182 : memref<40xi32, #tpu.memory_space<vmem>>) semaphore(%arg11 : memref<!tpu.dma_semaphore, #tpu.memory_space<semaphore_mem>>)
        %dma_start3A_186 = arith.constant 0 : i32
        %dma_start3A_187 = arith.constant 0 : i32
        %dma_start3A_188 = arith.constant 0 : i32
        %dma_start3A_189 = tpu.memref_slice %arg10[%dma_start3A_186, %dma_start3A_187, %dma_start3A_188] : memref<2x40x256xi32, #tpu.memory_space<vmem>> -> memref<1x40x256xi32, #tpu.memory_space<vmem>>
        %dma_start3A_190 = tpu.memref_squeeze %dma_start3A_189 : memref<1x40x256xi32, #tpu.memory_space<vmem>> -> memref<40x256xi32, #tpu.memory_space<vmem>>
        %dma_start3A_191 = tpu.memref_slice %arg8[%multiple_of3A_176] : memref<10000xi32, #tpu.memory_space<vmem>> -> memref<40xi32, #tpu.memory_space<vmem>>
        %dma_start3A_192 = arith.constant 0 : i32
        %dma_start3A_193 = arith.constant 0 : i32
        %dma_start3A_194 = tpu.memref_slice %arg3[%dma_start3A_192, %dma_start3A_193] : memref<10000x256xi32, #tpu.memory_space<hbm>> -> memref<10000x256xi32, #tpu.memory_space<hbm>>
        tpu.enqueue_indirect_dma source(%dma_start3A_194 : memref<10000x256xi32, #tpu.memory_space<hbm>>) target(%dma_start3A_190 : memref<40x256xi32, #tpu.memory_space<vmem>>) offsets(%dma_start3A_191 : memref<40xi32, #tpu.memory_space<vmem>>) semaphore(%arg13 : memref<!tpu.dma_semaphore, #tpu.memory_space<semaphore_mem>>)
      } else {
      }
      %dma_wait3A_129 = arith.constant 1 : i32
      %dma_wait3A_130 = arith.constant 0 : i32
      %dma_wait3A_131 = arith.constant 0 : i32
      %dma_wait3A_132 = tpu.memref_slice %arg9[%dma_wait3A_129, %dma_wait3A_130, %dma_wait3A_131] : memref<2x40x256xi32, #tpu.memory_space<vmem>> -> memref<1x40x256xi32, #tpu.memory_space<vmem>>
      %dma_wait3A_133 = tpu.memref_squeeze %dma_wait3A_132 : memref<1x40x256xi32, #tpu.memory_space<vmem>> -> memref<40x256xi32, #tpu.memory_space<vmem>>
      %dma_wait3A_134 = arith.constant 0 : i32
      %dma_wait3A_135 = tpu.memref_slice %arg7[%dma_wait3A_134] : memref<10000xi32, #tpu.memory_space<vmem>> -> memref<40xi32, #tpu.memory_space<vmem>>
      %dma_wait3A_136 = arith.constant 0 : i32
      %dma_wait3A_137 = arith.constant 0 : i32
      %dma_wait3A_138 = tpu.memref_slice %arg2[%dma_wait3A_136, %dma_wait3A_137] : memref<10000x256xi32, #tpu.memory_space<hbm>> -> memref<10000x256xi32, #tpu.memory_space<hbm>>
      tpu.wait_indirect_dma semaphore(%arg12 : memref<!tpu.dma_semaphore, #tpu.memory_space<semaphore_mem>>) src(%dma_wait3A_138 : memref<10000x256xi32, #tpu.memory_space<hbm>>) dst(%dma_wait3A_133 : memref<40x256xi32, #tpu.memory_space<vmem>>)
      %dma_wait3A_139 = arith.constant 1 : i32
      %dma_wait3A_140 = arith.constant 0 : i32
      %dma_wait3A_141 = arith.constant 0 : i32
      %dma_wait3A_142 = tpu.memref_slice %arg10[%dma_wait3A_139, %dma_wait3A_140, %dma_wait3A_141] : memref<2x40x256xi32, #tpu.memory_space<vmem>> -> memref<1x40x256xi32, #tpu.memory_space<vmem>>
      %dma_wait3A_143 = tpu.memref_squeeze %dma_wait3A_142 : memref<1x40x256xi32, #tpu.memory_space<vmem>> -> memref<40x256xi32, #tpu.memory_space<vmem>>
      %dma_wait3A_144 = arith.constant 0 : i32
      %dma_wait3A_145 = tpu.memref_slice %arg8[%dma_wait3A_144] : memref<10000xi32, #tpu.memory_space<vmem>> -> memref<40xi32, #tpu.memory_space<vmem>>
      %dma_wait3A_146 = arith.constant 0 : i32
      %dma_wait3A_147 = arith.constant 0 : i32
      %dma_wait3A_148 = tpu.memref_slice %arg3[%dma_wait3A_146, %dma_wait3A_147] : memref<10000x256xi32, #tpu.memory_space<hbm>> -> memref<10000x256xi32, #tpu.memory_space<hbm>>
      tpu.wait_indirect_dma semaphore(%arg14 : memref<!tpu.dma_semaphore, #tpu.memory_space<semaphore_mem>>) src(%dma_wait3A_148 : memref<10000x256xi32, #tpu.memory_space<hbm>>) dst(%dma_wait3A_143 : memref<40x256xi32, #tpu.memory_space<vmem>>)
      %scan3A_149 = arith.constant 0 : i32
      %scan3A_150 = arith.constant 0 : i32
      %scan3A_151 = arith.constant 40 : i32
      %scan3A_152 = arith.addi %scan3A_150, %scan3A_151 : i32
      %scan3A_153 = arith.constant 1 : i32
      scf.for %scan3A_172 = %scan3A_150 to %scan3A_152 step %scan3A_153  : i32 {
        %get3A = arith.constant 1 : i32
        %get3A_173 = arith.index_cast %get3A : i32 to index
        %get3A_174 = arith.index_cast %scan3A_172 : i32 to index
        %get3A_175 = arith.constant 0 : index
        %get3A_176 = tpu.vector_load %arg9[%get3A_173, %get3A_174, %get3A_175] {strides = array<i32>} : memref<2x40x256xi32, #tpu.memory_space<vmem>>, vector<1x1x16xi32>,
        %get3A_177 = vector.shape_cast %get3A_176 : vector<1x1x16xi32> to vector<16xi32>
        %get3A_178 = arith.constant 1 : i32
        %get3A_179 = arith.index_cast %get3A_178 : i32 to index
        %get3A_180 = arith.index_cast %scan3A_172 : i32 to index
        %get3A_181 = arith.constant 0 : index
        %get3A_182 = tpu.vector_load %arg10[%get3A_179, %get3A_180, %get3A_181] {strides = array<i32>} : memref<2x40x256xi32, #tpu.memory_space<vmem>>, vector<1x1x16xi32>,
        %get3A_183 = vector.shape_cast %get3A_182 : vector<1x1x16xi32> to vector<16xi32>
        %shift_left3A = arith.constant 16 : i32
        %shift_left3A_184 = vector.broadcast %shift_left3A : i32 to vector<16xi32>
        %shift_left3A_185 = arith.shli %get3A_177, %shift_left3A_184 : vector<16xi32>
        %bitcast_convert_type3A = tpu.bitcast %shift_left3A_185 : vector<16xi32> -> vector<16xf32>
        %shift_left3A_186 = arith.constant 16 : i32
        %shift_left3A_187 = vector.broadcast %shift_left3A_186 : i32 to vector<16xi32>
        %shift_left3A_188 = arith.shli %get3A_183, %shift_left3A_187 : vector<16xi32>
        %bitcast_convert_type3A_189 = tpu.bitcast %shift_left3A_188 : vector<16xi32> -> vector<16xf32>
        %add3A_190 = arith.addf %bitcast_convert_type3A, %bitcast_convert_type3A_189 : vector<16xf32>
        %bitcast_convert_type3A_191 = tpu.bitcast %add3A_190 : vector<16xf32> -> vector<16xi32>
        %add3A_192 = arith.constant 32768 : i32
        %add3A_193 = vector.broadcast %add3A_192 : i32 to vector<16xi32>
        %add3A_194 = arith.addi %bitcast_convert_type3A_191, %add3A_193 : vector<16xi32>
        %shift_right_logical3A = arith.constant 16 : i32
        %shift_right_logical3A_195 = vector.broadcast %shift_right_logical3A : i32 to vector<16xi32>
        %shift_right_logical3A_196 = arith.shrui %add3A_194, %shift_right_logical3A_195 : vector<16xi32>
        %and3A_197 = arith.constant -65536 : i32
        %and3A_198 = vector.broadcast %and3A_197 : i32 to vector<16xi32>
        %and3A_199 = arith.andi %get3A_177, %and3A_198 : vector<16xi32>
        %bitcast_convert_type3A_200 = tpu.bitcast %and3A_199 : vector<16xi32> -> vector<16xf32>
        %and3A_201 = arith.constant -65536 : i32
        %and3A_202 = vector.broadcast %and3A_201 : i32 to vector<16xi32>
        %and3A_203 = arith.andi %get3A_183, %and3A_202 : vector<16xi32>
        %bitcast_convert_type3A_204 = tpu.bitcast %and3A_203 : vector<16xi32> -> vector<16xf32>
        %add3A_205 = arith.addf %bitcast_convert_type3A_200, %bitcast_convert_type3A_204 : vector<16xf32>
        %bitcast_convert_type3A_206 = tpu.bitcast %add3A_205 : vector<16xf32> -> vector<16xi32>
        %add3A_207 = arith.constant 32768 : i32
        %add3A_208 = vector.broadcast %add3A_207 : i32 to vector<16xi32>
        %add3A_209 = arith.addi %bitcast_convert_type3A_206, %add3A_208 : vector<16xi32>
        %and3A_210 = arith.constant -65536 : i32
        %and3A_211 = vector.broadcast %and3A_210 : i32 to vector<16xi32>
        %and3A_212 = arith.andi %add3A_209, %and3A_211 : vector<16xi32>
        %or3A = arith.ori %and3A_212, %shift_right_logical3A_196 : vector<16xi32>
        %swap3A = arith.constant 1 : i32
        %swap3A_213 = arith.index_cast %swap3A : i32 to index
        %swap3A_214 = arith.index_cast %scan3A_172 : i32 to index
        %swap3A_215 = arith.constant 0 : index
        %swap3A_216 = tpu.vector_load %arg9[%swap3A_213, %swap3A_214, %swap3A_215] {strides = array<i32>} : memref<2x40x256xi32, #tpu.memory_space<vmem>>, vector<1x1x16xi32>,
        %swap3A_217 = vector.shape_cast %swap3A_216 : vector<1x1x16xi32> to vector<16xi32>
        %swap3A_218 = vector.shape_cast %or3A : vector<16xi32> to vector<1x1x16xi32>
        tpu.vector_store %arg9[%swap3A_213, %swap3A_214, %swap3A_215], %swap3A_218 {strides = array<i32>} : memref<2x40x256xi32, #tpu.memory_space<vmem>>, vector<1x1x16xi32>,
        %get3A_219 = arith.constant 1 : i32
        %get3A_220 = arith.index_cast %get3A_219 : i32 to index
        %get3A_221 = arith.index_cast %scan3A_172 : i32 to index
        %get3A_222 = arith.constant 16 : index
        %get3A_223 = tpu.vector_load %arg9[%get3A_220, %get3A_221, %get3A_222] {strides = array<i32>} : memref<2x40x256xi32, #tpu.memory_space<vmem>>, vector<1x1x16xi32>,
        %get3A_224 = vector.shape_cast %get3A_223 : vector<1x1x16xi32> to vector<16xi32>
        %get3A_225 = arith.constant 1 : i32
        %get3A_226 = arith.index_cast %get3A_225 : i32 to index
        %get3A_227 = arith.index_cast %scan3A_172 : i32 to index
        %get3A_228 = arith.constant 16 : index
        %get3A_229 = tpu.vector_load %arg10[%get3A_226, %get3A_227, %get3A_228] {strides = array<i32>} : memref<2x40x256xi32, #tpu.memory_space<vmem>>, vector<1x1x16xi32>,
        %get3A_230 = vector.shape_cast %get3A_229 : vector<1x1x16xi32> to vector<16xi32>
        %shift_left3A_231 = arith.constant 16 : i32
        %shift_left3A_232 = vector.broadcast %shift_left3A_231 : i32 to vector<16xi32>
        %shift_left3A_233 = arith.shli %get3A_224, %shift_left3A_232 : vector<16xi32>
        %bitcast_convert_type3A_234 = tpu.bitcast %shift_left3A_233 : vector<16xi32> -> vector<16xf32>
        %shift_left3A_235 = arith.constant 16 : i32
        %shift_left3A_236 = vector.broadcast %shift_left3A_235 : i32 to vector<16xi32>
        %shift_left3A_237 = arith.shli %get3A_230, %shift_left3A_236 : vector<16xi32>
        %bitcast_convert_type3A_238 = tpu.bitcast %shift_left3A_237 : vector<16xi32> -> vector<16xf32>
        %add3A_239 = arith.addf %bitcast_convert_type3A_234, %bitcast_convert_type3A_238 : vector<16xf32>
        %bitcast_convert_type3A_240 = tpu.bitcast %add3A_239 : vector<16xf32> -> vector<16xi32>
        %add3A_241 = arith.constant 32768 : i32
        %add3A_242 = vector.broadcast %add3A_241 : i32 to vector<16xi32>
        %add3A_243 = arith.addi %bitcast_convert_type3A_240, %add3A_242 : vector<16xi32>
        %shift_right_logical3A_244 = arith.constant 16 : i32
        %shift_right_logical3A_245 = vector.broadcast %shift_right_logical3A_244 : i32 to vector<16xi32>
        %shift_right_logical3A_246 = arith.shrui %add3A_243, %shift_right_logical3A_245 : vector<16xi32>
        %swap3A_247 = arith.constant 1 : i32
        %swap3A_248 = arith.index_cast %swap3A_247 : i32 to index
        %swap3A_249 = arith.index_cast %scan3A_172 : i32 to index
        %swap3A_250 = arith.constant 16 : index
        %swap3A_251 = tpu.vector_load %arg9[%swap3A_248, %swap3A_249, %swap3A_250] {strides = array<i32>} : memref<2x40x256xi32, #tpu.memory_space<vmem>>, vector<1x1x16xi32>,
        %swap3A_252 = vector.shape_cast %swap3A_251 : vector<1x1x16xi32> to vector<16xi32>
        %swap3A_253 = vector.shape_cast %shift_right_logical3A_246 : vector<16xi32> to vector<1x1x16xi32>
        tpu.vector_store %arg9[%swap3A_248, %swap3A_249, %swap3A_250], %swap3A_253 {strides = array<i32>} : memref<2x40x256xi32, #tpu.memory_space<vmem>>, vector<1x1x16xi32>,
        %get3A_254 = arith.constant 1 : i32
        %get3A_255 = arith.index_cast %get3A_254 : i32 to index
        %get3A_256 = arith.index_cast %scan3A_172 : i32 to index
        %get3A_257 = arith.constant 32 : index
        %get3A_258 = tpu.vector_load %arg9[%get3A_255, %get3A_256, %get3A_257] {strides = array<i32>} : memref<2x40x256xi32, #tpu.memory_space<vmem>>, vector<1x1x16xi32>,
        %get3A_259 = vector.shape_cast %get3A_258 : vector<1x1x16xi32> to vector<16xi32>
        %get3A_260 = arith.constant 1 : i32
        %get3A_261 = arith.index_cast %get3A_260 : i32 to index
        %get3A_262 = arith.index_cast %scan3A_172 : i32 to index
        %get3A_263 = arith.constant 32 : index
        %get3A_264 = tpu.vector_load %arg10[%get3A_261, %get3A_262, %get3A_263] {strides = array<i32>} : memref<2x40x256xi32, #tpu.memory_space<vmem>>, vector<1x1x16xi32>,
        %get3A_265 = vector.shape_cast %get3A_264 : vector<1x1x16xi32> to vector<16xi32>
        %shift_left3A_266 = arith.constant 16 : i32
        %shift_left3A_267 = vector.broadcast %shift_left3A_266 : i32 to vector<16xi32>
        %shift_left3A_268 = arith.shli %get3A_259, %shift_left3A_267 : vector<16xi32>
        %bitcast_convert_type3A_269 = tpu.bitcast %shift_left3A_268 : vector<16xi32> -> vector<16xf32>
        %shift_left3A_270 = arith.constant 16 : i32
        %shift_left3A_271 = vector.broadcast %shift_left3A_270 : i32 to vector<16xi32>
        %shift_left3A_272 = arith.shli %get3A_265, %shift_left3A_271 : vector<16xi32>
        %bitcast_convert_type3A_273 = tpu.bitcast %shift_left3A_272 : vector<16xi32> -> vector<16xf32>
        %add3A_274 = arith.addf %bitcast_convert_type3A_269, %bitcast_convert_type3A_273 : vector<16xf32>
        %bitcast_convert_type3A_275 = tpu.bitcast %add3A_274 : vector<16xf32> -> vector<16xi32>
        %add3A_276 = arith.constant 32768 : i32
        %add3A_277 = vector.broadcast %add3A_276 : i32 to vector<16xi32>
        %add3A_278 = arith.addi %bitcast_convert_type3A_275, %add3A_277 : vector<16xi32>
        %shift_right_logical3A_279 = arith.constant 16 : i32
        %shift_right_logical3A_280 = vector.broadcast %shift_right_logical3A_279 : i32 to vector<16xi32>
        %shift_right_logical3A_281 = arith.shrui %add3A_278, %shift_right_logical3A_280 : vector<16xi32>
        %swap3A_282 = arith.constant 1 : i32
        %swap3A_283 = arith.index_cast %swap3A_282 : i32 to index
        %swap3A_284 = arith.index_cast %scan3A_172 : i32 to index
        %swap3A_285 = arith.constant 32 : index
        %swap3A_286 = tpu.vector_load %arg9[%swap3A_283, %swap3A_284, %swap3A_285] {strides = array<i32>} : memref<2x40x256xi32, #tpu.memory_space<vmem>>, vector<1x1x16xi32>,
        %swap3A_287 = vector.shape_cast %swap3A_286 : vector<1x1x16xi32> to vector<16xi32>
        %swap3A_288 = vector.shape_cast %shift_right_logical3A_281 : vector<16xi32> to vector<1x1x16xi32>
        tpu.vector_store %arg9[%swap3A_283, %swap3A_284, %swap3A_285], %swap3A_288 {strides = array<i32>} : memref<2x40x256xi32, #tpu.memory_space<vmem>>, vector<1x1x16xi32>,
        %get3A_289 = arith.constant 1 : i32
        %get3A_290 = arith.index_cast %get3A_289 : i32 to index
        %get3A_291 = arith.index_cast %scan3A_172 : i32 to index
        %get3A_292 = arith.constant 48 : index
        %get3A_293 = tpu.vector_load %arg9[%get3A_290, %get3A_291, %get3A_292] {strides = array<i32>} : memref<2x40x256xi32, #tpu.memory_space<vmem>>, vector<1x1x16xi32>,
        %get3A_294 = vector.shape_cast %get3A_293 : vector<1x1x16xi32> to vector<16xi32>
        %get3A_295 = arith.constant 1 : i32
        %get3A_296 = arith.index_cast %get3A_295 : i32 to index
        %get3A_297 = arith.index_cast %scan3A_172 : i32 to index
        %get3A_298 = arith.constant 48 : index
        %get3A_299 = tpu.vector_load %arg10[%get3A_296, %get3A_297, %get3A_298] {strides = array<i32>} : memref<2x40x256xi32, #tpu.memory_space<vmem>>, vector<1x1x16xi32>,
        %get3A_300 = vector.shape_cast %get3A_299 : vector<1x1x16xi32> to vector<16xi32>
        %shift_left3A_301 = arith.constant 16 : i32
        %shift_left3A_302 = vector.broadcast %shift_left3A_301 : i32 to vector<16xi32>
        %shift_left3A_303 = arith.shli %get3A_294, %shift_left3A_302 : vector<16xi32>
        %bitcast_convert_type3A_304 = tpu.bitcast %shift_left3A_303 : vector<16xi32> -> vector<16xf32>
        %shift_left3A_305 = arith.constant 16 : i32
        %shift_left3A_306 = vector.broadcast %shift_left3A_305 : i32 to vector<16xi32>
        %shift_left3A_307 = arith.shli %get3A_300, %shift_left3A_306 : vector<16xi32>
        %bitcast_convert_type3A_308 = tpu.bitcast %shift_left3A_307 : vector<16xi32> -> vector<16xf32>
        %add3A_309 = arith.addf %bitcast_convert_type3A_304, %bitcast_convert_type3A_308 : vector<16xf32>
        %bitcast_convert_type3A_310 = tpu.bitcast %add3A_309 : vector<16xf32> -> vector<16xi32>
        %add3A_311 = arith.constant 32768 : i32
        %add3A_312 = vector.broadcast %add3A_311 : i32 to vector<16xi32>
        %add3A_313 = arith.addi %bitcast_convert_type3A_310, %add3A_312 : vector<16xi32>
        %shift_right_logical3A_314 = arith.constant 16 : i32
        %shift_right_logical3A_315 = vector.broadcast %shift_right_logical3A_314 : i32 to vector<16xi32>
        %shift_right_logical3A_316 = arith.shrui %add3A_313, %shift_right_logical3A_315 : vector<16xi32>
        %swap3A_317 = arith.constant 1 : i32
        %swap3A_318 = arith.index_cast %swap3A_317 : i32 to index
        %swap3A_319 = arith.index_cast %scan3A_172 : i32 to index
        %swap3A_320 = arith.constant 48 : index
        %swap3A_321 = tpu.vector_load %arg9[%swap3A_318, %swap3A_319, %swap3A_320] {strides = array<i32>} : memref<2x40x256xi32, #tpu.memory_space<vmem>>, vector<1x1x16xi32>,
        %swap3A_322 = vector.shape_cast %swap3A_321 : vector<1x1x16xi32> to vector<16xi32>
        %swap3A_323 = vector.shape_cast %shift_right_logical3A_316 : vector<16xi32> to vector<1x1x16xi32>
        tpu.vector_store %arg9[%swap3A_318, %swap3A_319, %swap3A_320], %swap3A_323 {strides = array<i32>} : memref<2x40x256xi32, #tpu.memory_space<vmem>>, vector<1x1x16xi32>,
        %get3A_324 = arith.constant 1 : i32
        %get3A_325 = arith.index_cast %get3A_324 : i32 to index
        %get3A_326 = arith.index_cast %scan3A_172 : i32 to index
        %get3A_327 = arith.constant 64 : index
        %get3A_328 = tpu.vector_load %arg9[%get3A_325, %get3A_326, %get3A_327] {strides = array<i32>} : memref<2x40x256xi32, #tpu.memory_space<vmem>>, vector<1x1x16xi32>,
        %get3A_329 = vector.shape_cast %get3A_328 : vector<1x1x16xi32> to vector<16xi32>
        %get3A_330 = arith.constant 1 : i32
        %get3A_331 = arith.index_cast %get3A_330 : i32 to index
        %get3A_332 = arith.index_cast %scan3A_172 : i32 to index
        %get3A_333 = arith.constant 64 : index
        %get3A_334 = tpu.vector_load %arg10[%get3A_331, %get3A_332, %get3A_333] {strides = array<i32>} : memref<2x40x256xi32, #tpu.memory_space<vmem>>, vector<1x1x16xi32>,
        %get3A_335 = vector.shape_cast %get3A_334 : vector<1x1x16xi32> to vector<16xi32>
        %shift_left3A_336 = arith.constant 16 : i32
        %shift_left3A_337 = vector.broadcast %shift_left3A_336 : i32 to vector<16xi32>
        %shift_left3A_338 = arith.shli %get3A_329, %shift_left3A_337 : vector<16xi32>
        %bitcast_convert_type3A_339 = tpu.bitcast %shift_left3A_338 : vector<16xi32> -> vector<16xf32>
        %shift_left3A_340 = arith.constant 16 : i32
        %shift_left3A_341 = vector.broadcast %shift_left3A_340 : i32 to vector<16xi32>
        %shift_left3A_342 = arith.shli %get3A_335, %shift_left3A_341 : vector<16xi32>
        %bitcast_convert_type3A_343 = tpu.bitcast %shift_left3A_342 : vector<16xi32> -> vector<16xf32>
        %add3A_344 = arith.addf %bitcast_convert_type3A_339, %bitcast_convert_type3A_343 : vector<16xf32>
        %bitcast_convert_type3A_345 = tpu.bitcast %add3A_344 : vector<16xf32> -> vector<16xi32>
        %add3A_346 = arith.constant 32768 : i32
        %add3A_347 = vector.broadcast %add3A_346 : i32 to vector<16xi32>
        %add3A_348 = arith.addi %bitcast_convert_type3A_345, %add3A_347 : vector<16xi32>
        %shift_right_logical3A_349 = arith.constant 16 : i32
        %shift_right_logical3A_350 = vector.broadcast %shift_right_logical3A_349 : i32 to vector<16xi32>
        %shift_right_logical3A_351 = arith.shrui %add3A_348, %shift_right_logical3A_350 : vector<16xi32>
        %swap3A_352 = arith.constant 1 : i32
        %swap3A_353 = arith.index_cast %swap3A_352 : i32 to index
        %swap3A_354 = arith.index_cast %scan3A_172 : i32 to index
        %swap3A_355 = arith.constant 64 : index
        %swap3A_356 = tpu.vector_load %arg9[%swap3A_353, %swap3A_354, %swap3A_355] {strides = array<i32>} : memref<2x40x256xi32, #tpu.memory_space<vmem>>, vector<1x1x16xi32>,
        %swap3A_357 = vector.shape_cast %swap3A_356 : vector<1x1x16xi32> to vector<16xi32>
        %swap3A_358 = vector.shape_cast %shift_right_logical3A_351 : vector<16xi32> to vector<1x1x16xi32>
        tpu.vector_store %arg9[%swap3A_353, %swap3A_354, %swap3A_355], %swap3A_358 {strides = array<i32>} : memref<2x40x256xi32, #tpu.memory_space<vmem>>, vector<1x1x16xi32>,
        %get3A_359 = arith.constant 1 : i32
        %get3A_360 = arith.index_cast %get3A_359 : i32 to index
        %get3A_361 = arith.index_cast %scan3A_172 : i32 to index
        %get3A_362 = arith.constant 80 : index
        %get3A_363 = tpu.vector_load %arg9[%get3A_360, %get3A_361, %get3A_362] {strides = array<i32>} : memref<2x40x256xi32, #tpu.memory_space<vmem>>, vector<1x1x16xi32>,
        %get3A_364 = vector.shape_cast %get3A_363 : vector<1x1x16xi32> to vector<16xi32>
        %get3A_365 = arith.constant 1 : i32
        %get3A_366 = arith.index_cast %get3A_365 : i32 to index
        %get3A_367 = arith.index_cast %scan3A_172 : i32 to index
        %get3A_368 = arith.constant 80 : index
        %get3A_369 = tpu.vector_load %arg10[%get3A_366, %get3A_367, %get3A_368] {strides = array<i32>} : memref<2x40x256xi32, #tpu.memory_space<vmem>>, vector<1x1x16xi32>,
        %get3A_370 = vector.shape_cast %get3A_369 : vector<1x1x16xi32> to vector<16xi32>
        %shift_left3A_371 = arith.constant 16 : i32
        %shift_left3A_372 = vector.broadcast %shift_left3A_371 : i32 to vector<16xi32>
        %shift_left3A_373 = arith.shli %get3A_364, %shift_left3A_372 : vector<16xi32>
        %bitcast_convert_type3A_374 = tpu.bitcast %shift_left3A_373 : vector<16xi32> -> vector<16xf32>
        %shift_left3A_375 = arith.constant 16 : i32
        %shift_left3A_376 = vector.broadcast %shift_left3A_375 : i32 to vector<16xi32>
        %shift_left3A_377 = arith.shli %get3A_370, %shift_left3A_376 : vector<16xi32>
        %bitcast_convert_type3A_378 = tpu.bitcast %shift_left3A_377 : vector<16xi32> -> vector<16xf32>
        %add3A_379 = arith.addf %bitcast_convert_type3A_374, %bitcast_convert_type3A_378 : vector<16xf32>
        %bitcast_convert_type3A_380 = tpu.bitcast %add3A_379 : vector<16xf32> -> vector<16xi32>
        %add3A_381 = arith.constant 32768 : i32
        %add3A_382 = vector.broadcast %add3A_381 : i32 to vector<16xi32>
        %add3A_383 = arith.addi %bitcast_convert_type3A_380, %add3A_382 : vector<16xi32>
        %shift_right_logical3A_384 = arith.constant 16 : i32
        %shift_right_logical3A_385 = vector.broadcast %shift_right_logical3A_384 : i32 to vector<16xi32>
        %shift_right_logical3A_386 = arith.shrui %add3A_383, %shift_right_logical3A_385 : vector<16xi32>
        %swap3A_387 = arith.constant 1 : i32
        %swap3A_388 = arith.index_cast %swap3A_387 : i32 to index
        %swap3A_389 = arith.index_cast %scan3A_172 : i32 to index
        %swap3A_390 = arith.constant 80 : index
        %swap3A_391 = tpu.vector_load %arg9[%swap3A_388, %swap3A_389, %swap3A_390] {strides = array<i32>} : memref<2x40x256xi32, #tpu.memory_space<vmem>>, vector<1x1x16xi32>,
        %swap3A_392 = vector.shape_cast %swap3A_391 : vector<1x1x16xi32> to vector<16xi32>
        %swap3A_393 = vector.shape_cast %shift_right_logical3A_386 : vector<16xi32> to vector<1x1x16xi32>
        tpu.vector_store %arg9[%swap3A_388, %swap3A_389, %swap3A_390], %swap3A_393 {strides = array<i32>} : memref<2x40x256xi32, #tpu.memory_space<vmem>>, vector<1x1x16xi32>,
        %get3A_394 = arith.constant 1 : i32
        %get3A_395 = arith.index_cast %get3A_394 : i32 to index
        %get3A_396 = arith.index_cast %scan3A_172 : i32 to index
        %get3A_397 = arith.constant 96 : index
        %get3A_398 = tpu.vector_load %arg9[%get3A_395, %get3A_396, %get3A_397] {strides = array<i32>} : memref<2x40x256xi32, #tpu.memory_space<vmem>>, vector<1x1x16xi32>,
        %get3A_399 = vector.shape_cast %get3A_398 : vector<1x1x16xi32> to vector<16xi32>
        %get3A_400 = arith.constant 1 : i32
        %get3A_401 = arith.index_cast %get3A_400 : i32 to index
        %get3A_402 = arith.index_cast %scan3A_172 : i32 to index
        %get3A_403 = arith.constant 96 : index
        %get3A_404 = tpu.vector_load %arg10[%get3A_401, %get3A_402, %get3A_403] {strides = array<i32>} : memref<2x40x256xi32, #tpu.memory_space<vmem>>, vector<1x1x16xi32>,
        %get3A_405 = vector.shape_cast %get3A_404 : vector<1x1x16xi32> to vector<16xi32>
        %shift_left3A_406 = arith.constant 16 : i32
        %shift_left3A_407 = vector.broadcast %shift_left3A_406 : i32 to vector<16xi32>
        %shift_left3A_408 = arith.shli %get3A_399, %shift_left3A_407 : vector<16xi32>
        %bitcast_convert_type3A_409 = tpu.bitcast %shift_left3A_408 : vector<16xi32> -> vector<16xf32>
        %shift_left3A_410 = arith.constant 16 : i32
        %shift_left3A_411 = vector.broadcast %shift_left3A_410 : i32 to vector<16xi32>
        %shift_left3A_412 = arith.shli %get3A_405, %shift_left3A_411 : vector<16xi32>
        %bitcast_convert_type3A_413 = tpu.bitcast %shift_left3A_412 : vector<16xi32> -> vector<16xf32>
        %add3A_414 = arith.addf %bitcast_convert_type3A_409, %bitcast_convert_type3A_413 : vector<16xf32>
        %bitcast_convert_type3A_415 = tpu.bitcast %add3A_414 : vector<16xf32> -> vector<16xi32>
        %add3A_416 = arith.constant 32768 : i32
        %add3A_417 = vector.broadcast %add3A_416 : i32 to vector<16xi32>
        %add3A_418 = arith.addi %bitcast_convert_type3A_415, %add3A_417 : vector<16xi32>
        %shift_right_logical3A_419 = arith.constant 16 : i32
        %shift_right_logical3A_420 = vector.broadcast %shift_right_logical3A_419 : i32 to vector<16xi32>
        %shift_right_logical3A_421 = arith.shrui %add3A_418, %shift_right_logical3A_420 : vector<16xi32>
        %swap3A_422 = arith.constant 1 : i32
        %swap3A_423 = arith.index_cast %swap3A_422 : i32 to index
        %swap3A_424 = arith.index_cast %scan3A_172 : i32 to index
        %swap3A_425 = arith.constant 96 : index
        %swap3A_426 = tpu.vector_load %arg9[%swap3A_423, %swap3A_424, %swap3A_425] {strides = array<i32>} : memref<2x40x256xi32, #tpu.memory_space<vmem>>, vector<1x1x16xi32>,
        %swap3A_427 = vector.shape_cast %swap3A_426 : vector<1x1x16xi32> to vector<16xi32>
        %swap3A_428 = vector.shape_cast %shift_right_logical3A_421 : vector<16xi32> to vector<1x1x16xi32>
        tpu.vector_store %arg9[%swap3A_423, %swap3A_424, %swap3A_425], %swap3A_428 {strides = array<i32>} : memref<2x40x256xi32, #tpu.memory_space<vmem>>, vector<1x1x16xi32>,
        %get3A_429 = arith.constant 1 : i32
        %get3A_430 = arith.index_cast %get3A_429 : i32 to index
        %get3A_431 = arith.index_cast %scan3A_172 : i32 to index
        %get3A_432 = arith.constant 112 : index
        %get3A_433 = tpu.vector_load %arg9[%get3A_430, %get3A_431, %get3A_432] {strides = array<i32>} : memref<2x40x256xi32, #tpu.memory_space<vmem>>, vector<1x1x16xi32>,
        %get3A_434 = vector.shape_cast %get3A_433 : vector<1x1x16xi32> to vector<16xi32>
        %get3A_435 = arith.constant 1 : i32
        %get3A_436 = arith.index_cast %get3A_435 : i32 to index
        %get3A_437 = arith.index_cast %scan3A_172 : i32 to index
        %get3A_438 = arith.constant 112 : index
        %get3A_439 = tpu.vector_load %arg10[%get3A_436, %get3A_437, %get3A_438] {strides = array<i32>} : memref<2x40x256xi32, #tpu.memory_space<vmem>>, vector<1x1x16xi32>,
        %get3A_440 = vector.shape_cast %get3A_439 : vector<1x1x16xi32> to vector<16xi32>
        %shift_left3A_441 = arith.constant 16 : i32
        %shift_left3A_442 = vector.broadcast %shift_left3A_441 : i32 to vector<16xi32>
        %shift_left3A_443 = arith.shli %get3A_434, %shift_left3A_442 : vector<16xi32>
        %bitcast_convert_type3A_444 = tpu.bitcast %shift_left3A_443 : vector<16xi32> -> vector<16xf32>
        %shift_left3A_445 = arith.constant 16 : i32
        %shift_left3A_446 = vector.broadcast %shift_left3A_445 : i32 to vector<16xi32>
        %shift_left3A_447 = arith.shli %get3A_440, %shift_left3A_446 : vector<16xi32>
        %bitcast_convert_type3A_448 = tpu.bitcast %shift_left3A_447 : vector<16xi32> -> vector<16xf32>
        %add3A_449 = arith.addf %bitcast_convert_type3A_444, %bitcast_convert_type3A_448 : vector<16xf32>
        %bitcast_convert_type3A_450 = tpu.bitcast %add3A_449 : vector<16xf32> -> vector<16xi32>
        %add3A_451 = arith.constant 32768 : i32
        %add3A_452 = vector.broadcast %add3A_451 : i32 to vector<16xi32>
        %add3A_453 = arith.addi %bitcast_convert_type3A_450, %add3A_452 : vector<16xi32>
        %shift_right_logical3A_454 = arith.constant 16 : i32
        %shift_right_logical3A_455 = vector.broadcast %shift_right_logical3A_454 : i32 to vector<16xi32>
        %shift_right_logical3A_456 = arith.shrui %add3A_453, %shift_right_logical3A_455 : vector<16xi32>
        %swap3A_457 = arith.constant 1 : i32
        %swap3A_458 = arith.index_cast %swap3A_457 : i32 to index
        %swap3A_459 = arith.index_cast %scan3A_172 : i32 to index
        %swap3A_460 = arith.constant 112 : index
        %swap3A_461 = tpu.vector_load %arg9[%swap3A_458, %swap3A_459, %swap3A_460] {strides = array<i32>} : memref<2x40x256xi32, #tpu.memory_space<vmem>>, vector<1x1x16xi32>,
        %swap3A_462 = vector.shape_cast %swap3A_461 : vector<1x1x16xi32> to vector<16xi32>
        %swap3A_463 = vector.shape_cast %shift_right_logical3A_456 : vector<16xi32> to vector<1x1x16xi32>
        tpu.vector_store %arg9[%swap3A_458, %swap3A_459, %swap3A_460], %swap3A_463 {strides = array<i32>} : memref<2x40x256xi32, #tpu.memory_space<vmem>>, vector<1x1x16xi32>,
        %get3A_464 = arith.constant 1 : i32
        %get3A_465 = arith.index_cast %get3A_464 : i32 to index
        %get3A_466 = arith.index_cast %scan3A_172 : i32 to index
        %get3A_467 = arith.constant 128 : index
        %get3A_468 = tpu.vector_load %arg9[%get3A_465, %get3A_466, %get3A_467] {strides = array<i32>} : memref<2x40x256xi32, #tpu.memory_space<vmem>>, vector<1x1x16xi32>,
        %get3A_469 = vector.shape_cast %get3A_468 : vector<1x1x16xi32> to vector<16xi32>
        %get3A_470 = arith.constant 1 : i32
        %get3A_471 = arith.index_cast %get3A_470 : i32 to index
        %get3A_472 = arith.index_cast %scan3A_172 : i32 to index
        %get3A_473 = arith.constant 128 : index
        %get3A_474 = tpu.vector_load %arg10[%get3A_471, %get3A_472, %get3A_473] {strides = array<i32>} : memref<2x40x256xi32, #tpu.memory_space<vmem>>, vector<1x1x16xi32>,
        %get3A_475 = vector.shape_cast %get3A_474 : vector<1x1x16xi32> to vector<16xi32>
        %shift_left3A_476 = arith.constant 16 : i32
        %shift_left3A_477 = vector.broadcast %shift_left3A_476 : i32 to vector<16xi32>
        %shift_left3A_478 = arith.shli %get3A_469, %shift_left3A_477 : vector<16xi32>
        %bitcast_convert_type3A_479 = tpu.bitcast %shift_left3A_478 : vector<16xi32> -> vector<16xf32>
        %shift_left3A_480 = arith.constant 16 : i32
        %shift_left3A_481 = vector.broadcast %shift_left3A_480 : i32 to vector<16xi32>
        %shift_left3A_482 = arith.shli %get3A_475, %shift_left3A_481 : vector<16xi32>
        %bitcast_convert_type3A_483 = tpu.bitcast %shift_left3A_482 : vector<16xi32> -> vector<16xf32>
        %add3A_484 = arith.addf %bitcast_convert_type3A_479, %bitcast_convert_type3A_483 : vector<16xf32>
        %bitcast_convert_type3A_485 = tpu.bitcast %add3A_484 : vector<16xf32> -> vector<16xi32>
        %add3A_486 = arith.constant 32768 : i32
        %add3A_487 = vector.broadcast %add3A_486 : i32 to vector<16xi32>
        %add3A_488 = arith.addi %bitcast_convert_type3A_485, %add3A_487 : vector<16xi32>
        %shift_right_logical3A_489 = arith.constant 16 : i32
        %shift_right_logical3A_490 = vector.broadcast %shift_right_logical3A_489 : i32 to vector<16xi32>
        %shift_right_logical3A_491 = arith.shrui %add3A_488, %shift_right_logical3A_490 : vector<16xi32>
        %swap3A_492 = arith.constant 1 : i32
        %swap3A_493 = arith.index_cast %swap3A_492 : i32 to index
        %swap3A_494 = arith.index_cast %scan3A_172 : i32 to index
        %swap3A_495 = arith.constant 128 : index
        %swap3A_496 = tpu.vector_load %arg9[%swap3A_493, %swap3A_494, %swap3A_495] {strides = array<i32>} : memref<2x40x256xi32, #tpu.memory_space<vmem>>, vector<1x1x16xi32>,
        %swap3A_497 = vector.shape_cast %swap3A_496 : vector<1x1x16xi32> to vector<16xi32>
        %swap3A_498 = vector.shape_cast %shift_right_logical3A_491 : vector<16xi32> to vector<1x1x16xi32>
        tpu.vector_store %arg9[%swap3A_493, %swap3A_494, %swap3A_495], %swap3A_498 {strides = array<i32>} : memref<2x40x256xi32, #tpu.memory_space<vmem>>, vector<1x1x16xi32>,
        %get3A_499 = arith.constant 1 : i32
        %get3A_500 = arith.index_cast %get3A_499 : i32 to index
        %get3A_501 = arith.index_cast %scan3A_172 : i32 to index
        %get3A_502 = arith.constant 144 : index
        %get3A_503 = tpu.vector_load %arg9[%get3A_500, %get3A_501, %get3A_502] {strides = array<i32>} : memref<2x40x256xi32, #tpu.memory_space<vmem>>, vector<1x1x16xi32>,
        %get3A_504 = vector.shape_cast %get3A_503 : vector<1x1x16xi32> to vector<16xi32>
        %get3A_505 = arith.constant 1 : i32
        %get3A_506 = arith.index_cast %get3A_505 : i32 to index
        %get3A_507 = arith.index_cast %scan3A_172 : i32 to index
        %get3A_508 = arith.constant 144 : index
        %get3A_509 = tpu.vector_load %arg10[%get3A_506, %get3A_507, %get3A_508] {strides = array<i32>} : memref<2x40x256xi32, #tpu.memory_space<vmem>>, vector<1x1x16xi32>,
        %get3A_510 = vector.shape_cast %get3A_509 : vector<1x1x16xi32> to vector<16xi32>
        %shift_left3A_511 = arith.constant 16 : i32
        %shift_left3A_512 = vector.broadcast %shift_left3A_511 : i32 to vector<16xi32>
        %shift_left3A_513 = arith.shli %get3A_504, %shift_left3A_512 : vector<16xi32>
        %bitcast_convert_type3A_514 = tpu.bitcast %shift_left3A_513 : vector<16xi32> -> vector<16xf32>
        %shift_left3A_515 = arith.constant 16 : i32
        %shift_left3A_516 = vector.broadcast %shift_left3A_515 : i32 to vector<16xi32>
        %shift_left3A_517 = arith.shli %get3A_510, %shift_left3A_516 : vector<16xi32>
        %bitcast_convert_type3A_518 = tpu.bitcast %shift_left3A_517 : vector<16xi32> -> vector<16xf32>
        %add3A_519 = arith.addf %bitcast_convert_type3A_514, %bitcast_convert_type3A_518 : vector<16xf32>
        %bitcast_convert_type3A_520 = tpu.bitcast %add3A_519 : vector<16xf32> -> vector<16xi32>
        %add3A_521 = arith.constant 32768 : i32
        %add3A_522 = vector.broadcast %add3A_521 : i32 to vector<16xi32>
        %add3A_523 = arith.addi %bitcast_convert_type3A_520, %add3A_522 : vector<16xi32>
        %shift_right_logical3A_524 = arith.constant 16 : i32
        %shift_right_logical3A_525 = vector.broadcast %shift_right_logical3A_524 : i32 to vector<16xi32>
        %shift_right_logical3A_526 = arith.shrui %add3A_523, %shift_right_logical3A_525 : vector<16xi32>
        %swap3A_527 = arith.constant 1 : i32
        %swap3A_528 = arith.index_cast %swap3A_527 : i32 to index
        %swap3A_529 = arith.index_cast %scan3A_172 : i32 to index
        %swap3A_530 = arith.constant 144 : index
        %swap3A_531 = tpu.vector_load %arg9[%swap3A_528, %swap3A_529, %swap3A_530] {strides = array<i32>} : memref<2x40x256xi32, #tpu.memory_space<vmem>>, vector<1x1x16xi32>,
        %swap3A_532 = vector.shape_cast %swap3A_531 : vector<1x1x16xi32> to vector<16xi32>
        %swap3A_533 = vector.shape_cast %shift_right_logical3A_526 : vector<16xi32> to vector<1x1x16xi32>
        tpu.vector_store %arg9[%swap3A_528, %swap3A_529, %swap3A_530], %swap3A_533 {strides = array<i32>} : memref<2x40x256xi32, #tpu.memory_space<vmem>>, vector<1x1x16xi32>,
        %get3A_534 = arith.constant 1 : i32
        %get3A_535 = arith.index_cast %get3A_534 : i32 to index
        %get3A_536 = arith.index_cast %scan3A_172 : i32 to index
        %get3A_537 = arith.constant 160 : index
        %get3A_538 = tpu.vector_load %arg9[%get3A_535, %get3A_536, %get3A_537] {strides = array<i32>} : memref<2x40x256xi32, #tpu.memory_space<vmem>>, vector<1x1x16xi32>,
        %get3A_539 = vector.shape_cast %get3A_538 : vector<1x1x16xi32> to vector<16xi32>
        %get3A_540 = arith.constant 1 : i32
        %get3A_541 = arith.index_cast %get3A_540 : i32 to index
        %get3A_542 = arith.index_cast %scan3A_172 : i32 to index
        %get3A_543 = arith.constant 160 : index
        %get3A_544 = tpu.vector_load %arg10[%get3A_541, %get3A_542, %get3A_543] {strides = array<i32>} : memref<2x40x256xi32, #tpu.memory_space<vmem>>, vector<1x1x16xi32>,
        %get3A_545 = vector.shape_cast %get3A_544 : vector<1x1x16xi32> to vector<16xi32>
        %shift_left3A_546 = arith.constant 16 : i32
        %shift_left3A_547 = vector.broadcast %shift_left3A_546 : i32 to vector<16xi32>
        %shift_left3A_548 = arith.shli %get3A_539, %shift_left3A_547 : vector<16xi32>
        %bitcast_convert_type3A_549 = tpu.bitcast %shift_left3A_548 : vector<16xi32> -> vector<16xf32>
        %shift_left3A_550 = arith.constant 16 : i32
        %shift_left3A_551 = vector.broadcast %shift_left3A_550 : i32 to vector<16xi32>
        %shift_left3A_552 = arith.shli %get3A_545, %shift_left3A_551 : vector<16xi32>
        %bitcast_convert_type3A_553 = tpu.bitcast %shift_left3A_552 : vector<16xi32> -> vector<16xf32>
        %add3A_554 = arith.addf %bitcast_convert_type3A_549, %bitcast_convert_type3A_553 : vector<16xf32>
        %bitcast_convert_type3A_555 = tpu.bitcast %add3A_554 : vector<16xf32> -> vector<16xi32>
        %add3A_556 = arith.constant 32768 : i32
        %add3A_557 = vector.broadcast %add3A_556 : i32 to vector<16xi32>
        %add3A_558 = arith.addi %bitcast_convert_type3A_555, %add3A_557 : vector<16xi32>
        %shift_right_logical3A_559 = arith.constant 16 : i32
        %shift_right_logical3A_560 = vector.broadcast %shift_right_logical3A_559 : i32 to vector<16xi32>
        %shift_right_logical3A_561 = arith.shrui %add3A_558, %shift_right_logical3A_560 : vector<16xi32>
        %swap3A_562 = arith.constant 1 : i32
        %swap3A_563 = arith.index_cast %swap3A_562 : i32 to index
        %swap3A_564 = arith.index_cast %scan3A_172 : i32 to index
        %swap3A_565 = arith.constant 160 : index
        %swap3A_566 = tpu.vector_load %arg9[%swap3A_563, %swap3A_564, %swap3A_565] {strides = array<i32>} : memref<2x40x256xi32, #tpu.memory_space<vmem>>, vector<1x1x16xi32>,
        %swap3A_567 = vector.shape_cast %swap3A_566 : vector<1x1x16xi32> to vector<16xi32>
        %swap3A_568 = vector.shape_cast %shift_right_logical3A_561 : vector<16xi32> to vector<1x1x16xi32>
        tpu.vector_store %arg9[%swap3A_563, %swap3A_564, %swap3A_565], %swap3A_568 {strides = array<i32>} : memref<2x40x256xi32, #tpu.memory_space<vmem>>, vector<1x1x16xi32>,
        %get3A_569 = arith.constant 1 : i32
        %get3A_570 = arith.index_cast %get3A_569 : i32 to index
        %get3A_571 = arith.index_cast %scan3A_172 : i32 to index
        %get3A_572 = arith.constant 176 : index
        %get3A_573 = tpu.vector_load %arg9[%get3A_570, %get3A_571, %get3A_572] {strides = array<i32>} : memref<2x40x256xi32, #tpu.memory_space<vmem>>, vector<1x1x16xi32>,
        %get3A_574 = vector.shape_cast %get3A_573 : vector<1x1x16xi32> to vector<16xi32>
        %get3A_575 = arith.constant 1 : i32
        %get3A_576 = arith.index_cast %get3A_575 : i32 to index
        %get3A_577 = arith.index_cast %scan3A_172 : i32 to index
        %get3A_578 = arith.constant 176 : index
        %get3A_579 = tpu.vector_load %arg10[%get3A_576, %get3A_577, %get3A_578] {strides = array<i32>} : memref<2x40x256xi32, #tpu.memory_space<vmem>>, vector<1x1x16xi32>,
        %get3A_580 = vector.shape_cast %get3A_579 : vector<1x1x16xi32> to vector<16xi32>
        %shift_left3A_581 = arith.constant 16 : i32
        %shift_left3A_582 = vector.broadcast %shift_left3A_581 : i32 to vector<16xi32>
        %shift_left3A_583 = arith.shli %get3A_574, %shift_left3A_582 : vector<16xi32>
        %bitcast_convert_type3A_584 = tpu.bitcast %shift_left3A_583 : vector<16xi32> -> vector<16xf32>
        %shift_left3A_585 = arith.constant 16 : i32
        %shift_left3A_586 = vector.broadcast %shift_left3A_585 : i32 to vector<16xi32>
        %shift_left3A_587 = arith.shli %get3A_580, %shift_left3A_586 : vector<16xi32>
        %bitcast_convert_type3A_588 = tpu.bitcast %shift_left3A_587 : vector<16xi32> -> vector<16xf32>
        %add3A_589 = arith.addf %bitcast_convert_type3A_584, %bitcast_convert_type3A_588 : vector<16xf32>
        %bitcast_convert_type3A_590 = tpu.bitcast %add3A_589 : vector<16xf32> -> vector<16xi32>
        %add3A_591 = arith.constant 32768 : i32
        %add3A_592 = vector.broadcast %add3A_591 : i32 to vector<16xi32>
        %add3A_593 = arith.addi %bitcast_convert_type3A_590, %add3A_592 : vector<16xi32>
        %shift_right_logical3A_594 = arith.constant 16 : i32
        %shift_right_logical3A_595 = vector.broadcast %shift_right_logical3A_594 : i32 to vector<16xi32>
        %shift_right_logical3A_596 = arith.shrui %add3A_593, %shift_right_logical3A_595 : vector<16xi32>
        %swap3A_597 = arith.constant 1 : i32
        %swap3A_598 = arith.index_cast %swap3A_597 : i32 to index
        %swap3A_599 = arith.index_cast %scan3A_172 : i32 to index
        %swap3A_600 = arith.constant 176 : index
        %swap3A_601 = tpu.vector_load %arg9[%swap3A_598, %swap3A_599, %swap3A_600] {strides = array<i32>} : memref<2x40x256xi32, #tpu.memory_space<vmem>>, vector<1x1x16xi32>,
        %swap3A_602 = vector.shape_cast %swap3A_601 : vector<1x1x16xi32> to vector<16xi32>
        %swap3A_603 = vector.shape_cast %shift_right_logical3A_596 : vector<16xi32> to vector<1x1x16xi32>
        tpu.vector_store %arg9[%swap3A_598, %swap3A_599, %swap3A_600], %swap3A_603 {strides = array<i32>} : memref<2x40x256xi32, #tpu.memory_space<vmem>>, vector<1x1x16xi32>,
        %get3A_604 = arith.constant 1 : i32
        %get3A_605 = arith.index_cast %get3A_604 : i32 to index
        %get3A_606 = arith.index_cast %scan3A_172 : i32 to index
        %get3A_607 = arith.constant 192 : index
        %get3A_608 = tpu.vector_load %arg9[%get3A_605, %get3A_606, %get3A_607] {strides = array<i32>} : memref<2x40x256xi32, #tpu.memory_space<vmem>>, vector<1x1x16xi32>,
        %get3A_609 = vector.shape_cast %get3A_608 : vector<1x1x16xi32> to vector<16xi32>
        %get3A_610 = arith.constant 1 : i32
        %get3A_611 = arith.index_cast %get3A_610 : i32 to index
        %get3A_612 = arith.index_cast %scan3A_172 : i32 to index
        %get3A_613 = arith.constant 192 : index
        %get3A_614 = tpu.vector_load %arg10[%get3A_611, %get3A_612, %get3A_613] {strides = array<i32>} : memref<2x40x256xi32, #tpu.memory_space<vmem>>, vector<1x1x16xi32>,
        %get3A_615 = vector.shape_cast %get3A_614 : vector<1x1x16xi32> to vector<16xi32>
        %shift_left3A_616 = arith.constant 16 : i32
        %shift_left3A_617 = vector.broadcast %shift_left3A_616 : i32 to vector<16xi32>
        %shift_left3A_618 = arith.shli %get3A_609, %shift_left3A_617 : vector<16xi32>
        %bitcast_convert_type3A_619 = tpu.bitcast %shift_left3A_618 : vector<16xi32> -> vector<16xf32>
        %shift_left3A_620 = arith.constant 16 : i32
        %shift_left3A_621 = vector.broadcast %shift_left3A_620 : i32 to vector<16xi32>
        %shift_left3A_622 = arith.shli %get3A_615, %shift_left3A_621 : vector<16xi32>
        %bitcast_convert_type3A_623 = tpu.bitcast %shift_left3A_622 : vector<16xi32> -> vector<16xf32>
        %add3A_624 = arith.addf %bitcast_convert_type3A_619, %bitcast_convert_type3A_623 : vector<16xf32>
        %bitcast_convert_type3A_625 = tpu.bitcast %add3A_624 : vector<16xf32> -> vector<16xi32>
        %add3A_626 = arith.constant 32768 : i32
        %add3A_627 = vector.broadcast %add3A_626 : i32 to vector<16xi32>
        %add3A_628 = arith.addi %bitcast_convert_type3A_625, %add3A_627 : vector<16xi32>
        %shift_right_logical3A_629 = arith.constant 16 : i32
        %shift_right_logical3A_630 = vector.broadcast %shift_right_logical3A_629 : i32 to vector<16xi32>
        %shift_right_logical3A_631 = arith.shrui %add3A_628, %shift_right_logical3A_630 : vector<16xi32>
        %swap3A_632 = arith.constant 1 : i32
        %swap3A_633 = arith.index_cast %swap3A_632 : i32 to index
        %swap3A_634 = arith.index_cast %scan3A_172 : i32 to index
        %swap3A_635 = arith.constant 192 : index
        %swap3A_636 = tpu.vector_load %arg9[%swap3A_633, %swap3A_634, %swap3A_635] {strides = array<i32>} : memref<2x40x256xi32, #tpu.memory_space<vmem>>, vector<1x1x16xi32>,
        %swap3A_637 = vector.shape_cast %swap3A_636 : vector<1x1x16xi32> to vector<16xi32>
        %swap3A_638 = vector.shape_cast %shift_right_logical3A_631 : vector<16xi32> to vector<1x1x16xi32>
        tpu.vector_store %arg9[%swap3A_633, %swap3A_634, %swap3A_635], %swap3A_638 {strides = array<i32>} : memref<2x40x256xi32, #tpu.memory_space<vmem>>, vector<1x1x16xi32>,
        %get3A_639 = arith.constant 1 : i32
        %get3A_640 = arith.index_cast %get3A_639 : i32 to index
        %get3A_641 = arith.index_cast %scan3A_172 : i32 to index
        %get3A_642 = arith.constant 208 : index
        %get3A_643 = tpu.vector_load %arg9[%get3A_640, %get3A_641, %get3A_642] {strides = array<i32>} : memref<2x40x256xi32, #tpu.memory_space<vmem>>, vector<1x1x16xi32>,
        %get3A_644 = vector.shape_cast %get3A_643 : vector<1x1x16xi32> to vector<16xi32>
        %get3A_645 = arith.constant 1 : i32
        %get3A_646 = arith.index_cast %get3A_645 : i32 to index
        %get3A_647 = arith.index_cast %scan3A_172 : i32 to index
        %get3A_648 = arith.constant 208 : index
        %get3A_649 = tpu.vector_load %arg10[%get3A_646, %get3A_647, %get3A_648] {strides = array<i32>} : memref<2x40x256xi32, #tpu.memory_space<vmem>>, vector<1x1x16xi32>,
        %get3A_650 = vector.shape_cast %get3A_649 : vector<1x1x16xi32> to vector<16xi32>
        %shift_left3A_651 = arith.constant 16 : i32
        %shift_left3A_652 = vector.broadcast %shift_left3A_651 : i32 to vector<16xi32>
        %shift_left3A_653 = arith.shli %get3A_644, %shift_left3A_652 : vector<16xi32>
        %bitcast_convert_type3A_654 = tpu.bitcast %shift_left3A_653 : vector<16xi32> -> vector<16xf32>
        %shift_left3A_655 = arith.constant 16 : i32
        %shift_left3A_656 = vector.broadcast %shift_left3A_655 : i32 to vector<16xi32>
        %shift_left3A_657 = arith.shli %get3A_650, %shift_left3A_656 : vector<16xi32>
        %bitcast_convert_type3A_658 = tpu.bitcast %shift_left3A_657 : vector<16xi32> -> vector<16xf32>
        %add3A_659 = arith.addf %bitcast_convert_type3A_654, %bitcast_convert_type3A_658 : vector<16xf32>
        %bitcast_convert_type3A_660 = tpu.bitcast %add3A_659 : vector<16xf32> -> vector<16xi32>
        %add3A_661 = arith.constant 32768 : i32
        %add3A_662 = vector.broadcast %add3A_661 : i32 to vector<16xi32>
        %add3A_663 = arith.addi %bitcast_convert_type3A_660, %add3A_662 : vector<16xi32>
        %shift_right_logical3A_664 = arith.constant 16 : i32
        %shift_right_logical3A_665 = vector.broadcast %shift_right_logical3A_664 : i32 to vector<16xi32>
        %shift_right_logical3A_666 = arith.shrui %add3A_663, %shift_right_logical3A_665 : vector<16xi32>
        %swap3A_667 = arith.constant 1 : i32
        %swap3A_668 = arith.index_cast %swap3A_667 : i32 to index
        %swap3A_669 = arith.index_cast %scan3A_172 : i32 to index
        %swap3A_670 = arith.constant 208 : index
        %swap3A_671 = tpu.vector_load %arg9[%swap3A_668, %swap3A_669, %swap3A_670] {strides = array<i32>} : memref<2x40x256xi32, #tpu.memory_space<vmem>>, vector<1x1x16xi32>,
        %swap3A_672 = vector.shape_cast %swap3A_671 : vector<1x1x16xi32> to vector<16xi32>
        %swap3A_673 = vector.shape_cast %shift_right_logical3A_666 : vector<16xi32> to vector<1x1x16xi32>
        tpu.vector_store %arg9[%swap3A_668, %swap3A_669, %swap3A_670], %swap3A_673 {strides = array<i32>} : memref<2x40x256xi32, #tpu.memory_space<vmem>>, vector<1x1x16xi32>,
        %get3A_674 = arith.constant 1 : i32
        %get3A_675 = arith.index_cast %get3A_674 : i32 to index
        %get3A_676 = arith.index_cast %scan3A_172 : i32 to index
        %get3A_677 = arith.constant 224 : index
        %get3A_678 = tpu.vector_load %arg9[%get3A_675, %get3A_676, %get3A_677] {strides = array<i32>} : memref<2x40x256xi32, #tpu.memory_space<vmem>>, vector<1x1x16xi32>,
        %get3A_679 = vector.shape_cast %get3A_678 : vector<1x1x16xi32> to vector<16xi32>
        %get3A_680 = arith.constant 1 : i32
        %get3A_681 = arith.index_cast %get3A_680 : i32 to index
        %get3A_682 = arith.index_cast %scan3A_172 : i32 to index
        %get3A_683 = arith.constant 224 : index
        %get3A_684 = tpu.vector_load %arg10[%get3A_681, %get3A_682, %get3A_683] {strides = array<i32>} : memref<2x40x256xi32, #tpu.memory_space<vmem>>, vector<1x1x16xi32>,
        %get3A_685 = vector.shape_cast %get3A_684 : vector<1x1x16xi32> to vector<16xi32>
        %shift_left3A_686 = arith.constant 16 : i32
        %shift_left3A_687 = vector.broadcast %shift_left3A_686 : i32 to vector<16xi32>
        %shift_left3A_688 = arith.shli %get3A_679, %shift_left3A_687 : vector<16xi32>
        %bitcast_convert_type3A_689 = tpu.bitcast %shift_left3A_688 : vector<16xi32> -> vector<16xf32>
        %shift_left3A_690 = arith.constant 16 : i32
        %shift_left3A_691 = vector.broadcast %shift_left3A_690 : i32 to vector<16xi32>
        %shift_left3A_692 = arith.shli %get3A_685, %shift_left3A_691 : vector<16xi32>
        %bitcast_convert_type3A_693 = tpu.bitcast %shift_left3A_692 : vector<16xi32> -> vector<16xf32>
        %add3A_694 = arith.addf %bitcast_convert_type3A_689, %bitcast_convert_type3A_693 : vector<16xf32>
        %bitcast_convert_type3A_695 = tpu.bitcast %add3A_694 : vector<16xf32> -> vector<16xi32>
        %add3A_696 = arith.constant 32768 : i32
        %add3A_697 = vector.broadcast %add3A_696 : i32 to vector<16xi32>
        %add3A_698 = arith.addi %bitcast_convert_type3A_695, %add3A_697 : vector<16xi32>
        %shift_right_logical3A_699 = arith.constant 16 : i32
        %shift_right_logical3A_700 = vector.broadcast %shift_right_logical3A_699 : i32 to vector<16xi32>
        %shift_right_logical3A_701 = arith.shrui %add3A_698, %shift_right_logical3A_700 : vector<16xi32>
        %swap3A_702 = arith.constant 1 : i32
        %swap3A_703 = arith.index_cast %swap3A_702 : i32 to index
        %swap3A_704 = arith.index_cast %scan3A_172 : i32 to index
        %swap3A_705 = arith.constant 224 : index
        %swap3A_706 = tpu.vector_load %arg9[%swap3A_703, %swap3A_704, %swap3A_705] {strides = array<i32>} : memref<2x40x256xi32, #tpu.memory_space<vmem>>, vector<1x1x16xi32>,
        %swap3A_707 = vector.shape_cast %swap3A_706 : vector<1x1x16xi32> to vector<16xi32>
        %swap3A_708 = vector.shape_cast %shift_right_logical3A_701 : vector<16xi32> to vector<1x1x16xi32>
        tpu.vector_store %arg9[%swap3A_703, %swap3A_704, %swap3A_705], %swap3A_708 {strides = array<i32>} : memref<2x40x256xi32, #tpu.memory_space<vmem>>, vector<1x1x16xi32>,
        %get3A_709 = arith.constant 1 : i32
        %get3A_710 = arith.index_cast %get3A_709 : i32 to index
        %get3A_711 = arith.index_cast %scan3A_172 : i32 to index
        %get3A_712 = arith.constant 240 : index
        %get3A_713 = tpu.vector_load %arg9[%get3A_710, %get3A_711, %get3A_712] {strides = array<i32>} : memref<2x40x256xi32, #tpu.memory_space<vmem>>, vector<1x1x16xi32>,
        %get3A_714 = vector.shape_cast %get3A_713 : vector<1x1x16xi32> to vector<16xi32>
        %get3A_715 = arith.constant 1 : i32
        %get3A_716 = arith.index_cast %get3A_715 : i32 to index
        %get3A_717 = arith.index_cast %scan3A_172 : i32 to index
        %get3A_718 = arith.constant 240 : index
        %get3A_719 = tpu.vector_load %arg10[%get3A_716, %get3A_717, %get3A_718] {strides = array<i32>} : memref<2x40x256xi32, #tpu.memory_space<vmem>>, vector<1x1x16xi32>,
        %get3A_720 = vector.shape_cast %get3A_719 : vector<1x1x16xi32> to vector<16xi32>
        %shift_left3A_721 = arith.constant 16 : i32
        %shift_left3A_722 = vector.broadcast %shift_left3A_721 : i32 to vector<16xi32>
        %shift_left3A_723 = arith.shli %get3A_714, %shift_left3A_722 : vector<16xi32>
        %bitcast_convert_type3A_724 = tpu.bitcast %shift_left3A_723 : vector<16xi32> -> vector<16xf32>
        %shift_left3A_725 = arith.constant 16 : i32
        %shift_left3A_726 = vector.broadcast %shift_left3A_725 : i32 to vector<16xi32>
        %shift_left3A_727 = arith.shli %get3A_720, %shift_left3A_726 : vector<16xi32>
        %bitcast_convert_type3A_728 = tpu.bitcast %shift_left3A_727 : vector<16xi32> -> vector<16xf32>
        %add3A_729 = arith.addf %bitcast_convert_type3A_724, %bitcast_convert_type3A_728 : vector<16xf32>
        %bitcast_convert_type3A_730 = tpu.bitcast %add3A_729 : vector<16xf32> -> vector<16xi32>
        %add3A_731 = arith.constant 32768 : i32
        %add3A_732 = vector.broadcast %add3A_731 : i32 to vector<16xi32>
        %add3A_733 = arith.addi %bitcast_convert_type3A_730, %add3A_732 : vector<16xi32>
        %shift_right_logical3A_734 = arith.constant 16 : i32
        %shift_right_logical3A_735 = vector.broadcast %shift_right_logical3A_734 : i32 to vector<16xi32>
        %shift_right_logical3A_736 = arith.shrui %add3A_733, %shift_right_logical3A_735 : vector<16xi32>
        %swap3A_737 = arith.constant 1 : i32
        %swap3A_738 = arith.index_cast %swap3A_737 : i32 to index
        %swap3A_739 = arith.index_cast %scan3A_172 : i32 to index
        %swap3A_740 = arith.constant 240 : index
        %swap3A_741 = tpu.vector_load %arg9[%swap3A_738, %swap3A_739, %swap3A_740] {strides = array<i32>} : memref<2x40x256xi32, #tpu.memory_space<vmem>>, vector<1x1x16xi32>,
        %swap3A_742 = vector.shape_cast %swap3A_741 : vector<1x1x16xi32> to vector<16xi32>
        %swap3A_743 = vector.shape_cast %shift_right_logical3A_736 : vector<16xi32> to vector<1x1x16xi32>
        tpu.vector_store %arg9[%swap3A_738, %swap3A_739, %swap3A_740], %swap3A_743 {strides = array<i32>} : memref<2x40x256xi32, #tpu.memory_space<vmem>>, vector<1x1x16xi32>,
      }
      %scan3A_154 = arith.constant 40 : i32
      %mul3A_155 = arith.constant 40 : i32
      %mul3A_156 = arith.muli %add3A_115, %mul3A_155 : i32
      %add3A_157 = arith.addi %multiple_of3A, %mul3A_156 : i32
      %multiple_of3A_158 = tpu.assume_multiple %add3A_157, 8 : i32
      %dma_start3A_159 = arith.constant 1 : i32
      %dma_start3A_160 = arith.constant 0 : i32
      %dma_start3A_161 = arith.constant 0 : i32
      %dma_start3A_162 = tpu.memref_slice %arg9[%dma_start3A_159, %dma_start3A_160, %dma_start3A_161] : memref<2x40x256xi32, #tpu.memory_space<vmem>> -> memref<1x40x256xi32, #tpu.memory_space<vmem>>
      %dma_start3A_163 = tpu.memref_squeeze %dma_start3A_162 : memref<1x40x256xi32, #tpu.memory_space<vmem>> -> memref<40x256xi32, #tpu.memory_space<vmem>>
      %dma_start3A_164 = arith.constant 0 : i32
      %dma_start3A_165 = tpu.memref_slice %arg6[%multiple_of3A_158, %dma_start3A_164] : memref<320000x256xi32, #tpu.memory_space<hbm>> -> memref<40x256xi32, #tpu.memory_space<hbm>>
      %dma_start3A_166 = arith.constant 0 : i32
      %dma_start3A_167 = tpu.memref_slice %arg6[%multiple_of3A_158, %dma_start3A_166] : memref<320000x256xi32, #tpu.memory_space<hbm>> -> memref<40x256xi32, #tpu.memory_space<hbm>>
      %dma_start3A_168 = arith.constant 0 : i32
      %dma_start3A_169 = arith.constant 0 : i32
      %dma_start3A_170 = tpu.memref_slice %arg9[%dma_start3A_159, %dma_start3A_168, %dma_start3A_169] : memref<2x40x256xi32, #tpu.memory_space<vmem>> -> memref<1x40x256xi32, #tpu.memory_space<vmem>>
      %dma_start3A_171 = tpu.memref_squeeze %dma_start3A_170 : memref<1x40x256xi32, #tpu.memory_space<vmem>> -> memref<40x256xi32, #tpu.memory_space<vmem>>
      tpu.enqueue_dma source(%dma_start3A_171 : memref<40x256xi32, #tpu.memory_space<vmem>>) target(%dma_start3A_167 : memref<40x256xi32, #tpu.memory_space<hbm>>) target_semaphore(%arg16 : memref<!tpu.dma_semaphore, #tpu.memory_space<semaphore_mem>>)
    }
    %scan3A_26 = arith.constant 125 : i32
    %dma_wait3A = arith.constant 0 : i32
    %dma_wait3A_27 = arith.constant 0 : i32
    %dma_wait3A_28 = arith.constant 0 : i32
    %dma_wait3A_29 = tpu.memref_slice %arg9[%dma_wait3A, %dma_wait3A_27, %dma_wait3A_28] : memref<2x40x256xi32, #tpu.memory_space<vmem>> -> memref<1x40x256xi32, #tpu.memory_space<vmem>>
    %dma_wait3A_30 = tpu.memref_squeeze %dma_wait3A_29 : memref<1x40x256xi32, #tpu.memory_space<vmem>> -> memref<40x256xi32, #tpu.memory_space<vmem>>
    %dma_wait3A_31 = arith.constant 0 : i32
    %dma_wait3A_32 = arith.constant 0 : i32
    %dma_wait3A_33 = tpu.memref_slice %arg6[%dma_wait3A_31, %dma_wait3A_32] : memref<320000x256xi32, #tpu.memory_space<hbm>> -> memref<40x256xi32, #tpu.memory_space<hbm>>
    %dma_wait3A_34 = arith.constant 0 : i32
    %dma_wait3A_35 = arith.constant 0 : i32
    %dma_wait3A_36 = tpu.memref_slice %arg6[%dma_wait3A_34, %dma_wait3A_35] : memref<320000x256xi32, #tpu.memory_space<hbm>> -> memref<40x256xi32, #tpu.memory_space<hbm>>
    %dma_wait3A_37 = arith.constant 0 : i32
    %dma_wait3A_38 = arith.constant 0 : i32
    %dma_wait3A_39 = tpu.memref_slice %arg9[%dma_wait3A, %dma_wait3A_37, %dma_wait3A_38] : memref<2x40x256xi32, #tpu.memory_space<vmem>> -> memref<1x40x256xi32, #tpu.memory_space<vmem>>
    %dma_wait3A_40 = tpu.memref_squeeze %dma_wait3A_39 : memref<1x40x256xi32, #tpu.memory_space<vmem>> -> memref<40x256xi32, #tpu.memory_space<vmem>>
    tpu.wait_dma2 semaphore(%arg15 : memref<!tpu.dma_semaphore, #tpu.memory_space<semaphore_mem>>) src(%dma_wait3A_40 : memref<40x256xi32, #tpu.memory_space<vmem>>) dst(%dma_wait3A_36 : memref<40x256xi32, #tpu.memory_space<hbm>>)
    %dma_wait3A_41 = arith.constant 1 : i32
    %dma_wait3A_42 = arith.constant 0 : i32
    %dma_wait3A_43 = arith.constant 0 : i32
    %dma_wait3A_44 = tpu.memref_slice %arg9[%dma_wait3A_41, %dma_wait3A_42, %dma_wait3A_43] : memref<2x40x256xi32, #tpu.memory_space<vmem>> -> memref<1x40x256xi32, #tpu.memory_space<vmem>>
    %dma_wait3A_45 = tpu.memref_squeeze %dma_wait3A_44 : memref<1x40x256xi32, #tpu.memory_space<vmem>> -> memref<40x256xi32, #tpu.memory_space<vmem>>
    %dma_wait3A_46 = arith.constant 0 : i32
    %dma_wait3A_47 = arith.constant 0 : i32
    %dma_wait3A_48 = tpu.memref_slice %arg6[%dma_wait3A_46, %dma_wait3A_47] : memref<320000x256xi32, #tpu.memory_space<hbm>> -> memref<40x256xi32, #tpu.memory_space<hbm>>
    %dma_wait3A_49 = arith.constant 0 : i32
    %dma_wait3A_50 = arith.constant 0 : i32
    %dma_wait3A_51 = tpu.memref_slice %arg6[%dma_wait3A_49, %dma_wait3A_50] : memref<320000x256xi32, #tpu.memory_space<hbm>> -> memref<40x256xi32, #tpu.memory_space<hbm>>
    %dma_wait3A_52 = arith.constant 0 : i32
    %dma_wait3A_53 = arith.constant 0 : i32
    %dma_wait3A_54 = tpu.memref_slice %arg9[%dma_wait3A_41, %dma_wait3A_52, %dma_wait3A_53] : memref<2x40x256xi32, #tpu.memory_space<vmem>> -> memref<1x40x256xi32, #tpu.memory_space<vmem>>
    %dma_wait3A_55 = tpu.memref_squeeze %dma_wait3A_54 : memref<1x40x256xi32, #tpu.memory_space<vmem>> -> memref<40x256xi32, #tpu.memory_space<vmem>>
    tpu.wait_dma2 semaphore(%arg16 : memref<!tpu.dma_semaphore, #tpu.memory_space<semaphore_mem>>) src(%dma_wait3A_55 : memref<40x256xi32, #tpu.memory_space<vmem>>) dst(%dma_wait3A_51 : memref<40x256xi32, #tpu.memory_space<hbm>>)
    return
  }
}

module attributes {stable_mosaic.version = 14 : i64} {
  func.func @_node_transform_body(%arg0: i32, %arg1: memref<2000x128xf32, #tpu.memory_space<vmem>>, %arg2: memref<128x512xf32, #tpu.memory_space<vmem>>, %arg3: memref<128x512xf32, #tpu.memory_space<vmem>>, %arg4: memref<2000x512xbf16, #tpu.memory_space<vmem>>, %arg5: memref<2000x512xbf16, #tpu.memory_space<vmem>>) attributes {dimension_semantics = [#tpu.dimension_semantics<arbitrary>], iteration_bounds = array<i64: 5>, scalar_prefetch = 0 : i64, scratch_operands = 0 : i64, tpu.core_type = #tpu.core_type<tc>, window_params = [{transform_indices = @transform_0, window_bounds = array<i64: 2000, 128>}, {pipeline_mode = #tpu.pipeline_mode<synchronous>, transform_indices = @transform_1, window_bounds = array<i64: 128, 512>}, {pipeline_mode = #tpu.pipeline_mode<synchronous>, transform_indices = @transform_2, window_bounds = array<i64: 128, 512>}, {transform_indices = @transform_3, window_bounds = array<i64: 2000, 512>}, {transform_indices = @transform_4, window_bounds = array<i64: 2000, 512>}]} {
    %get3A = arith.constant 0 : index
    %get3A_0 = arith.constant 0 : index
    %get3A_1 = vector.load %arg1[%get3A, %get3A_0] : memref<2000x128xf32, #tpu.memory_space<vmem>>, vector<2000x128xf32>
    %get3A_2 = arith.constant 0 : index
    %get3A_3 = arith.constant 0 : index
    %get3A_4 = vector.load %arg2[%get3A_2, %get3A_3] : memref<128x512xf32, #tpu.memory_space<vmem>>, vector<128x512xf32>
    %dot_general3A = arith.constant dense<0.000000e+00> : vector<2000x512xf32>
    %dot_general3A_5 = tpu.matmul %get3A_1, %get3A_4, %dot_general3A {dimension_numbers = #tpu.dot_dimension_numbers<[1], [0], [0], [1], [0, 0, 1, 1], [], []>, transpose_lhs_hint = false} : vector<2000x128xf32>, vector<128x512xf32>, vector<2000x512xf32> -> vector<2000x512xf32>
    %convert_element_type3A = arith.truncf %dot_general3A_5 : vector<2000x512xf32> to vector<2000x512xbf16>
    %swap3A = arith.constant 0 : index
    %swap3A_6 = arith.constant 0 : index
    %swap3A_7 = vector.load %arg4[%swap3A, %swap3A_6] : memref<2000x512xbf16, #tpu.memory_space<vmem>>, vector<2000x512xbf16>
    tpu.vector_store %arg4[%swap3A, %swap3A_6], %convert_element_type3A {strides = array<i32>} : memref<2000x512xbf16, #tpu.memory_space<vmem>>, vector<2000x512xbf16>,
    %get3A_8 = arith.constant 0 : index
    %get3A_9 = arith.constant 0 : index
    %get3A_10 = vector.load %arg3[%get3A_8, %get3A_9] : memref<128x512xf32, #tpu.memory_space<vmem>>, vector<128x512xf32>
    %dot_general3A_11 = arith.constant dense<0.000000e+00> : vector<2000x512xf32>
    %dot_general3A_12 = tpu.matmul %get3A_1, %get3A_10, %dot_general3A_11 {dimension_numbers = #tpu.dot_dimension_numbers<[1], [0], [0], [1], [0, 0, 1, 1], [], []>, transpose_lhs_hint = false} : vector<2000x128xf32>, vector<128x512xf32>, vector<2000x512xf32> -> vector<2000x512xf32>
    %convert_element_type3A_13 = arith.truncf %dot_general3A_12 : vector<2000x512xf32> to vector<2000x512xbf16>
    %swap3A_14 = arith.constant 0 : index
    %swap3A_15 = arith.constant 0 : index
    %swap3A_16 = vector.load %arg5[%swap3A_14, %swap3A_15] : memref<2000x512xbf16, #tpu.memory_space<vmem>>, vector<2000x512xbf16>
    tpu.vector_store %arg5[%swap3A_14, %swap3A_15], %convert_element_type3A_13 {strides = array<i32>} : memref<2000x512xbf16, #tpu.memory_space<vmem>>, vector<2000x512xbf16>,
    return
  }
  func.func @transform_0(%arg0: i32) -> (i32, i32) {
    %c0_i32 = arith.constant 0 : i32
    %c0_i32_0 = arith.constant 0 : i32
    return %arg0, %c0_i32 : i32, i32
  }
  func.func @transform_1(%arg0: i32) -> (i32, i32) {
    %c0_i32 = arith.constant 0 : i32
    %c0_i32_0 = arith.constant 0 : i32
    %c0_i32_1 = arith.constant 0 : i32
    return %c0_i32, %c0_i32_0 : i32, i32
  }
  func.func @transform_2(%arg0: i32) -> (i32, i32) {
    %c0_i32 = arith.constant 0 : i32
    %c0_i32_0 = arith.constant 0 : i32
    %c0_i32_1 = arith.constant 0 : i32
    return %c0_i32, %c0_i32_0 : i32, i32
  }
  func.func @transform_3(%arg0: i32) -> (i32, i32) {
    %c0_i32 = arith.constant 0 : i32
    %c0_i32_0 = arith.constant 0 : i32
    return %arg0, %c0_i32 : i32, i32
  }
  func.func @transform_4(%arg0: i32) -> (i32, i32) {
    %c0_i32 = arith.constant 0 : i32
    %c0_i32_0 = arith.constant 0 : i32
    return %arg0, %c0_i32 : i32, i32
  }
}

module attributes {stable_mosaic.version = 14 : i64} {
  func.func @_stats_body(%arg0: i32, %arg1: memref<6400x256xi32, #tpu.memory_space<vmem>>, %arg2: memref<6400x16xf32, #tpu.memory_space<vmem>>, %arg3: memref<16x256xf32, #tpu.memory_space<vmem>>, %arg4: memref<16x16xf32, #tpu.memory_space<vmem>>, %arg5: memref<1x256xf32, #tpu.memory_space<vmem>>, %arg6: memref<1x256xf32, #tpu.memory_space<vmem>>, %arg7: memref<1x16xf32, #tpu.memory_space<vmem>>, %arg8: memref<1x16xf32, #tpu.memory_space<vmem>>) attributes {dimension_semantics = [#tpu.dimension_semantics<arbitrary>], iteration_bounds = array<i64: 50>, scalar_prefetch = 0 : i64, scratch_operands = 0 : i64, tpu.core_type = #tpu.core_type<tc>, window_params = [{transform_indices = @transform_0, window_bounds = array<i64: 6400, 256>}, {transform_indices = @transform_1, window_bounds = array<i64: 6400, 16>}, {pipeline_mode = #tpu.pipeline_mode<synchronous>, transform_indices = @transform_2, window_bounds = array<i64: 16, 256>}, {pipeline_mode = #tpu.pipeline_mode<synchronous>, transform_indices = @transform_3, window_bounds = array<i64: 16, 16>}, {pipeline_mode = #tpu.pipeline_mode<synchronous>, transform_indices = @transform_4, window_bounds = array<i64: 1, 256>}, {pipeline_mode = #tpu.pipeline_mode<synchronous>, transform_indices = @transform_5, window_bounds = array<i64: 1, 256>}, {pipeline_mode = #tpu.pipeline_mode<synchronous>, transform_indices = @transform_6, window_bounds = array<i64: 1, 16>}, {pipeline_mode = #tpu.pipeline_mode<synchronous>, transform_indices = @transform_7, window_bounds = array<i64: 1, 16>}]} {
    %get3A = arith.constant 0 : index
    %get3A_0 = arith.constant 0 : index
    %get3A_1 = vector.load %arg2[%get3A, %get3A_0] : memref<6400x16xf32, #tpu.memory_space<vmem>>, vector<6400x16xf32>
    %get3A_2 = arith.constant 0 : index
    %get3A_3 = arith.constant 0 : index
    %get3A_4 = vector.load %arg1[%get3A_2, %get3A_3] : memref<6400x256xi32, #tpu.memory_space<vmem>>, vector<6400x256xi32>
    %shift_left3A = arith.constant 16 : i32
    %shift_left3A_5 = vector.broadcast %shift_left3A : i32 to vector<6400x256xi32>
    %shift_left3A_6 = arith.shli %get3A_4, %shift_left3A_5 : vector<6400x256xi32>
    %bitcast_convert_type3A = tpu.bitcast %shift_left3A_6 : vector<6400x256xi32> -> vector<6400x256xf32>
    %slice3A = vector.extract_strided_slice %get3A_4 {offsets = [0, 0], sizes = [6400, 16], strides = [1, 1]} : vector<6400x256xi32> to vector<6400x16xi32>
    %and3A = arith.constant -65536 : i32
    %and3A_7 = vector.broadcast %and3A : i32 to vector<6400x16xi32>
    %and3A_8 = arith.andi %slice3A, %and3A_7 : vector<6400x16xi32>
    %bitcast_convert_type3A_9 = tpu.bitcast %and3A_8 : vector<6400x16xi32> -> vector<6400x16xf32>
    %get3A_10 = arith.constant 0 : index
    %get3A_11 = arith.constant 0 : index
    %get3A_12 = vector.load %arg3[%get3A_10, %get3A_11] : memref<16x256xf32, #tpu.memory_space<vmem>>, vector<16x256xf32>
    %dot_general3A = arith.constant dense<0.000000e+00> : vector<6400x256xf32>
    %dot_general3A_13 = tpu.matmul %get3A_1, %get3A_12, %dot_general3A {dimension_numbers = #tpu.dot_dimension_numbers<[1], [0], [0], [1], [0, 0, 1, 1], [], []>, transpose_lhs_hint = false} : vector<6400x16xf32>, vector<16x256xf32>, vector<6400x256xf32> -> vector<6400x256xf32>
    %add3A = arith.addf %bitcast_convert_type3A, %dot_general3A_13 : vector<6400x256xf32>
    %get3A_14 = arith.constant 0 : index
    %get3A_15 = arith.constant 0 : index
    %get3A_16 = vector.load %arg4[%get3A_14, %get3A_15] : memref<16x16xf32, #tpu.memory_space<vmem>>, vector<16x16xf32>
    %dot_general3A_17 = arith.constant dense<0.000000e+00> : vector<6400x16xf32>
    %dot_general3A_18 = tpu.matmul %get3A_1, %get3A_16, %dot_general3A_17 {dimension_numbers = #tpu.dot_dimension_numbers<[1], [0], [0], [1], [0, 0, 1, 1], [], []>, transpose_lhs_hint = false} : vector<6400x16xf32>, vector<16x16xf32>, vector<6400x16xf32> -> vector<6400x16xf32>
    %add3A_19 = arith.addf %bitcast_convert_type3A_9, %dot_general3A_18 : vector<6400x16xf32>
    %eq3A = arith.constant 0 : i32
    %eq3A_20 = arith.cmpi eq, %arg0, %eq3A : i32
    %convert_element_type3A = arith.extui %eq3A_20 : i1 to i32
    %cond3A = arith.constant 0 : i32
    %cond3A_21 = arith.cmpi ne, %convert_element_type3A, %cond3A : i32
    scf.if %cond3A_21 {
      %broadcast_in_dim3A_60 = arith.constant 0.000000e+00 : f32
      %broadcast_in_dim3A_61 = vector.broadcast %broadcast_in_dim3A_60 : f32 to vector<1x256xf32>
      %swap3A_62 = arith.constant 0 : index
      %swap3A_63 = arith.constant 0 : index
      %swap3A_64 = vector.load %arg5[%swap3A_62, %swap3A_63] : memref<1x256xf32, #tpu.memory_space<vmem>>, vector<1x256xf32>
      tpu.vector_store %arg5[%swap3A_62, %swap3A_63], %broadcast_in_dim3A_61 {strides = array<i32>} : memref<1x256xf32, #tpu.memory_space<vmem>>, vector<1x256xf32>,
      %broadcast_in_dim3A_65 = arith.constant 0.000000e+00 : f32
      %broadcast_in_dim3A_66 = vector.broadcast %broadcast_in_dim3A_65 : f32 to vector<1x256xf32>
      %swap3A_67 = arith.constant 0 : index
      %swap3A_68 = arith.constant 0 : index
      %swap3A_69 = vector.load %arg6[%swap3A_67, %swap3A_68] : memref<1x256xf32, #tpu.memory_space<vmem>>, vector<1x256xf32>
      tpu.vector_store %arg6[%swap3A_67, %swap3A_68], %broadcast_in_dim3A_66 {strides = array<i32>} : memref<1x256xf32, #tpu.memory_space<vmem>>, vector<1x256xf32>,
      %broadcast_in_dim3A_70 = arith.constant 0.000000e+00 : f32
      %broadcast_in_dim3A_71 = vector.broadcast %broadcast_in_dim3A_70 : f32 to vector<1x16xf32>
      %swap3A_72 = arith.constant 0 : index
      %swap3A_73 = arith.constant 0 : index
      %swap3A_74 = vector.load %arg7[%swap3A_72, %swap3A_73] : memref<1x16xf32, #tpu.memory_space<vmem>>, vector<1x16xf32>
      tpu.vector_store %arg7[%swap3A_72, %swap3A_73], %broadcast_in_dim3A_71 {strides = array<i32>} : memref<1x16xf32, #tpu.memory_space<vmem>>, vector<1x16xf32>,
      %broadcast_in_dim3A_75 = arith.constant 0.000000e+00 : f32
      %broadcast_in_dim3A_76 = vector.broadcast %broadcast_in_dim3A_75 : f32 to vector<1x16xf32>
      %swap3A_77 = arith.constant 0 : index
      %swap3A_78 = arith.constant 0 : index
      %swap3A_79 = vector.load %arg8[%swap3A_77, %swap3A_78] : memref<1x16xf32, #tpu.memory_space<vmem>>, vector<1x16xf32>
      tpu.vector_store %arg8[%swap3A_77, %swap3A_78], %broadcast_in_dim3A_76 {strides = array<i32>} : memref<1x16xf32, #tpu.memory_space<vmem>>, vector<1x16xf32>,
    } else {
    }
    %get3A_22 = arith.constant 0 : index
    %get3A_23 = arith.constant 0 : index
    %get3A_24 = vector.load %arg5[%get3A_22, %get3A_23] : memref<1x256xf32, #tpu.memory_space<vmem>>, vector<1x256xf32>
    %reduce_sum3A = arith.constant dense<0.000000e+00> : vector<256xf32>
    %reduce_sum3A_25 = vector.multi_reduction <add>, %add3A, %reduce_sum3A [0] : vector<6400x256xf32> to vector<256xf32>
    %broadcast_in_dim3A = vector.shape_cast %reduce_sum3A_25 : vector<256xf32> to vector<1x256xf32>
    %add3A_26 = arith.addf %get3A_24, %broadcast_in_dim3A : vector<1x256xf32>
    %swap3A = arith.constant 0 : index
    %swap3A_27 = arith.constant 0 : index
    %swap3A_28 = vector.load %arg5[%swap3A, %swap3A_27] : memref<1x256xf32, #tpu.memory_space<vmem>>, vector<1x256xf32>
    tpu.vector_store %arg5[%swap3A, %swap3A_27], %add3A_26 {strides = array<i32>} : memref<1x256xf32, #tpu.memory_space<vmem>>, vector<1x256xf32>,
    %get3A_29 = arith.constant 0 : index
    %get3A_30 = arith.constant 0 : index
    %get3A_31 = vector.load %arg6[%get3A_29, %get3A_30] : memref<1x256xf32, #tpu.memory_space<vmem>>, vector<1x256xf32>
    %mul3A = arith.mulf %add3A, %add3A : vector<6400x256xf32>
    %reduce_sum3A_32 = arith.constant dense<0.000000e+00> : vector<256xf32>
    %reduce_sum3A_33 = vector.multi_reduction <add>, %mul3A, %reduce_sum3A_32 [0] : vector<6400x256xf32> to vector<256xf32>
    %broadcast_in_dim3A_34 = vector.shape_cast %reduce_sum3A_33 : vector<256xf32> to vector<1x256xf32>
    %add3A_35 = arith.addf %get3A_31, %broadcast_in_dim3A_34 : vector<1x256xf32>
    %swap3A_36 = arith.constant 0 : index
    %swap3A_37 = arith.constant 0 : index
    %swap3A_38 = vector.load %arg6[%swap3A_36, %swap3A_37] : memref<1x256xf32, #tpu.memory_space<vmem>>, vector<1x256xf32>
    tpu.vector_store %arg6[%swap3A_36, %swap3A_37], %add3A_35 {strides = array<i32>} : memref<1x256xf32, #tpu.memory_space<vmem>>, vector<1x256xf32>,
    %get3A_39 = arith.constant 0 : index
    %get3A_40 = arith.constant 0 : index
    %get3A_41 = vector.load %arg7[%get3A_39, %get3A_40] : memref<1x16xf32, #tpu.memory_space<vmem>>, vector<1x16xf32>
    %reduce_sum3A_42 = arith.constant dense<0.000000e+00> : vector<16xf32>
    %reduce_sum3A_43 = vector.multi_reduction <add>, %add3A_19, %reduce_sum3A_42 [0] : vector<6400x16xf32> to vector<16xf32>
    %broadcast_in_dim3A_44 = vector.shape_cast %reduce_sum3A_43 : vector<16xf32> to vector<1x16xf32>
    %add3A_45 = arith.addf %get3A_41, %broadcast_in_dim3A_44 : vector<1x16xf32>
    %swap3A_46 = arith.constant 0 : index
    %swap3A_47 = arith.constant 0 : index
    %swap3A_48 = vector.load %arg7[%swap3A_46, %swap3A_47] : memref<1x16xf32, #tpu.memory_space<vmem>>, vector<1x16xf32>
    tpu.vector_store %arg7[%swap3A_46, %swap3A_47], %add3A_45 {strides = array<i32>} : memref<1x16xf32, #tpu.memory_space<vmem>>, vector<1x16xf32>,
    %get3A_49 = arith.constant 0 : index
    %get3A_50 = arith.constant 0 : index
    %get3A_51 = vector.load %arg8[%get3A_49, %get3A_50] : memref<1x16xf32, #tpu.memory_space<vmem>>, vector<1x16xf32>
    %mul3A_52 = arith.mulf %add3A_19, %add3A_19 : vector<6400x16xf32>
    %reduce_sum3A_53 = arith.constant dense<0.000000e+00> : vector<16xf32>
    %reduce_sum3A_54 = vector.multi_reduction <add>, %mul3A_52, %reduce_sum3A_53 [0] : vector<6400x16xf32> to vector<16xf32>
    %broadcast_in_dim3A_55 = vector.shape_cast %reduce_sum3A_54 : vector<16xf32> to vector<1x16xf32>
    %add3A_56 = arith.addf %get3A_51, %broadcast_in_dim3A_55 : vector<1x16xf32>
    %swap3A_57 = arith.constant 0 : index
    %swap3A_58 = arith.constant 0 : index
    %swap3A_59 = vector.load %arg8[%swap3A_57, %swap3A_58] : memref<1x16xf32, #tpu.memory_space<vmem>>, vector<1x16xf32>
    tpu.vector_store %arg8[%swap3A_57, %swap3A_58], %add3A_56 {strides = array<i32>} : memref<1x16xf32, #tpu.memory_space<vmem>>, vector<1x16xf32>,
    return
  }
  func.func @transform_0(%arg0: i32) -> (i32, i32) {
    %c0_i32 = arith.constant 0 : i32
    %c0_i32_0 = arith.constant 0 : i32
    return %arg0, %c0_i32 : i32, i32
  }
  func.func @transform_1(%arg0: i32) -> (i32, i32) {
    %c0_i32 = arith.constant 0 : i32
    %c0_i32_0 = arith.constant 0 : i32
    return %arg0, %c0_i32 : i32, i32
  }
  func.func @transform_2(%arg0: i32) -> (i32, i32) {
    %c0_i32 = arith.constant 0 : i32
    %c0_i32_0 = arith.constant 0 : i32
    %c0_i32_1 = arith.constant 0 : i32
    return %c0_i32, %c0_i32_0 : i32, i32
  }
  func.func @transform_3(%arg0: i32) -> (i32, i32) {
    %c0_i32 = arith.constant 0 : i32
    %c0_i32_0 = arith.constant 0 : i32
    %c0_i32_1 = arith.constant 0 : i32
    return %c0_i32, %c0_i32_0 : i32, i32
  }
  func.func @transform_4(%arg0: i32) -> (i32, i32) {
    %c0_i32 = arith.constant 0 : i32
    %c0_i32_0 = arith.constant 0 : i32
    %c0_i32_1 = arith.constant 0 : i32
    return %c0_i32, %c0_i32_0 : i32, i32
  }
  func.func @transform_5(%arg0: i32) -> (i32, i32) {
    %c0_i32 = arith.constant 0 : i32
    %c0_i32_0 = arith.constant 0 : i32
    %c0_i32_1 = arith.constant 0 : i32
    return %c0_i32, %c0_i32_0 : i32, i32
  }
  func.func @transform_6(%arg0: i32) -> (i32, i32) {
    %c0_i32 = arith.constant 0 : i32
    %c0_i32_0 = arith.constant 0 : i32
    %c0_i32_1 = arith.constant 0 : i32
    return %c0_i32, %c0_i32_0 : i32, i32
  }
  func.func @transform_7(%arg0: i32) -> (i32, i32) {
    %c0_i32 = arith.constant 0 : i32
    %c0_i32_0 = arith.constant 0 : i32
    %c0_i32_1 = arith.constant 0 : i32
    return %c0_i32, %c0_i32_0 : i32, i32
  }
}

module attributes {stable_mosaic.version = 14 : i64} {
  func.func @_main_body(%arg0: i32, %arg1: memref<6400x256xi32, #tpu.memory_space<vmem>>, %arg2: memref<6400x16xf32, #tpu.memory_space<vmem>>, %arg3: memref<16x256xf32, #tpu.memory_space<vmem>>, %arg4: memref<16x16xf32, #tpu.memory_space<vmem>>, %arg5: memref<1x256xf32, #tpu.memory_space<vmem>>, %arg6: memref<1x256xf32, #tpu.memory_space<vmem>>, %arg7: memref<1x16xf32, #tpu.memory_space<vmem>>, %arg8: memref<1x16xf32, #tpu.memory_space<vmem>>, %arg9: memref<200x128xf32, #tpu.memory_space<vmem>>, %arg10: memref<6400x16xf32, #tpu.memory_space<vmem>>, %arg11: memref<1x128xf32, #tpu.memory_space<vmem>>, %arg12: memref<1x128xf32, #tpu.memory_space<vmem>>) attributes {dimension_semantics = [#tpu.dimension_semantics<arbitrary>], iteration_bounds = array<i64: 50>, scalar_prefetch = 0 : i64, scratch_operands = 0 : i64, tpu.core_type = #tpu.core_type<tc>, window_params = [{transform_indices = @transform_0, window_bounds = array<i64: 6400, 256>}, {transform_indices = @transform_1, window_bounds = array<i64: 6400, 16>}, {pipeline_mode = #tpu.pipeline_mode<synchronous>, transform_indices = @transform_2, window_bounds = array<i64: 16, 256>}, {pipeline_mode = #tpu.pipeline_mode<synchronous>, transform_indices = @transform_3, window_bounds = array<i64: 16, 16>}, {pipeline_mode = #tpu.pipeline_mode<synchronous>, transform_indices = @transform_4, window_bounds = array<i64: 1, 256>}, {pipeline_mode = #tpu.pipeline_mode<synchronous>, transform_indices = @transform_5, window_bounds = array<i64: 1, 256>}, {pipeline_mode = #tpu.pipeline_mode<synchronous>, transform_indices = @transform_6, window_bounds = array<i64: 1, 16>}, {pipeline_mode = #tpu.pipeline_mode<synchronous>, transform_indices = @transform_7, window_bounds = array<i64: 1, 16>}, {transform_indices = @transform_8, window_bounds = array<i64: 200, 128>}, {transform_indices = @transform_9, window_bounds = array<i64: 6400, 16>}, {pipeline_mode = #tpu.pipeline_mode<synchronous>, transform_indices = @transform_10, window_bounds = array<i64: 1, 128>}, {pipeline_mode = #tpu.pipeline_mode<synchronous>, transform_indices = @transform_11, window_bounds = array<i64: 1, 128>}]} {
    %get3A = arith.constant 0 : index
    %get3A_0 = arith.constant 0 : index
    %get3A_1 = vector.load %arg2[%get3A, %get3A_0] : memref<6400x16xf32, #tpu.memory_space<vmem>>, vector<6400x16xf32>
    %get3A_2 = arith.constant 0 : index
    %get3A_3 = arith.constant 0 : index
    %get3A_4 = vector.load %arg1[%get3A_2, %get3A_3] : memref<6400x256xi32, #tpu.memory_space<vmem>>, vector<6400x256xi32>
    %shift_left3A = arith.constant 16 : i32
    %shift_left3A_5 = vector.broadcast %shift_left3A : i32 to vector<6400x256xi32>
    %shift_left3A_6 = arith.shli %get3A_4, %shift_left3A_5 : vector<6400x256xi32>
    %bitcast_convert_type3A = tpu.bitcast %shift_left3A_6 : vector<6400x256xi32> -> vector<6400x256xf32>
    %slice3A = vector.extract_strided_slice %get3A_4 {offsets = [0, 0], sizes = [6400, 16], strides = [1, 1]} : vector<6400x256xi32> to vector<6400x16xi32>
    %and3A = arith.constant -65536 : i32
    %and3A_7 = vector.broadcast %and3A : i32 to vector<6400x16xi32>
    %and3A_8 = arith.andi %slice3A, %and3A_7 : vector<6400x16xi32>
    %bitcast_convert_type3A_9 = tpu.bitcast %and3A_8 : vector<6400x16xi32> -> vector<6400x16xf32>
    %get3A_10 = arith.constant 0 : index
    %get3A_11 = arith.constant 0 : index
    %get3A_12 = vector.load %arg3[%get3A_10, %get3A_11] : memref<16x256xf32, #tpu.memory_space<vmem>>, vector<16x256xf32>
    %dot_general3A = arith.constant dense<0.000000e+00> : vector<6400x256xf32>
    %dot_general3A_13 = tpu.matmul %get3A_1, %get3A_12, %dot_general3A {dimension_numbers = #tpu.dot_dimension_numbers<[1], [0], [0], [1], [0, 0, 1, 1], [], []>, transpose_lhs_hint = false} : vector<6400x16xf32>, vector<16x256xf32>, vector<6400x256xf32> -> vector<6400x256xf32>
    %add3A = arith.addf %bitcast_convert_type3A, %dot_general3A_13 : vector<6400x256xf32>
    %get3A_14 = arith.constant 0 : index
    %get3A_15 = arith.constant 0 : index
    %get3A_16 = vector.load %arg4[%get3A_14, %get3A_15] : memref<16x16xf32, #tpu.memory_space<vmem>>, vector<16x16xf32>
    %dot_general3A_17 = arith.constant dense<0.000000e+00> : vector<6400x16xf32>
    %dot_general3A_18 = tpu.matmul %get3A_1, %get3A_16, %dot_general3A_17 {dimension_numbers = #tpu.dot_dimension_numbers<[1], [0], [0], [1], [0, 0, 1, 1], [], []>, transpose_lhs_hint = false} : vector<6400x16xf32>, vector<16x16xf32>, vector<6400x16xf32> -> vector<6400x16xf32>
    %add3A_19 = arith.addf %bitcast_convert_type3A_9, %dot_general3A_18 : vector<6400x16xf32>
    %get3A_20 = arith.constant 0 : index
    %get3A_21 = arith.constant 0 : index
    %get3A_22 = vector.load %arg5[%get3A_20, %get3A_21] : memref<1x256xf32, #tpu.memory_space<vmem>>, vector<1x256xf32>
    %mul3A = vector.broadcast %get3A_22 : vector<1x256xf32> to vector<6400x256xf32>
    %mul3A_23 = arith.mulf %add3A, %mul3A : vector<6400x256xf32>
    %get3A_24 = arith.constant 0 : index
    %get3A_25 = arith.constant 0 : index
    %get3A_26 = vector.load %arg6[%get3A_24, %get3A_25] : memref<1x256xf32, #tpu.memory_space<vmem>>, vector<1x256xf32>
    %add3A_27 = vector.broadcast %get3A_26 : vector<1x256xf32> to vector<6400x256xf32>
    %add3A_28 = arith.addf %mul3A_23, %add3A_27 : vector<6400x256xf32>
    %slice3A_29 = vector.extract_strided_slice %add3A_28 {offsets = [0, 0], sizes = [6400, 128], strides = [1, 1]} : vector<6400x256xf32> to vector<6400x128xf32>
    %neg3A = arith.constant 0.000000e+00 : f32
    %neg3A_30 = vector.broadcast %neg3A : f32 to vector<6400x128xf32>
    %neg3A_31 = arith.subf %neg3A_30, %slice3A_29 : vector<6400x128xf32>
    %exp3A = math.exp %neg3A_31 : vector<6400x128xf32>
    %add3A_32 = arith.constant 1.000000e+00 : f32
    %add3A_33 = vector.broadcast %add3A_32 : f32 to vector<6400x128xf32>
    %add3A_34 = arith.addf %add3A_33, %exp3A : vector<6400x128xf32>
    %div3A = arith.constant 1.000000e+00 : f32
    %div3A_35 = vector.broadcast %div3A : f32 to vector<6400x128xf32>
    %div3A_36 = arith.divf %div3A_35, %add3A_34 : vector<6400x128xf32>
    %slice3A_37 = vector.extract_strided_slice %add3A_28 {offsets = [0, 128], sizes = [6400, 128], strides = [1, 1]} : vector<6400x256xf32> to vector<6400x128xf32>
    %max3A = arith.constant 0.000000e+00 : f32
    %max3A_38 = vector.broadcast %max3A : f32 to vector<6400x128xf32>
    %max3A_39 = arith.maximumf %slice3A_37, %max3A_38 : vector<6400x128xf32>
    %abs3A = math.absf %slice3A_37 : vector<6400x128xf32>
    %neg3A_40 = arith.constant 0.000000e+00 : f32
    %neg3A_41 = vector.broadcast %neg3A_40 : f32 to vector<6400x128xf32>
    %neg3A_42 = arith.subf %neg3A_41, %abs3A : vector<6400x128xf32>
    %exp3A_43 = math.exp %neg3A_42 : vector<6400x128xf32>
    %log1p3A = math.log1p %exp3A_43 : vector<6400x128xf32>
    %add3A_44 = arith.addf %max3A_39, %log1p3A : vector<6400x128xf32>
    %mul3A_45 = arith.mulf %div3A_36, %add3A_44 : vector<6400x128xf32>
    %reshape3A = vector.shape_cast %mul3A_45 : vector<6400x128xf32> to vector<200x32x128xf32>
    %reduce_sum3A = arith.constant dense<0.000000e+00> : vector<200x128xf32>
    %reduce_sum3A_46 = vector.multi_reduction <add>, %reshape3A, %reduce_sum3A [1] : vector<200x32x128xf32> to vector<200x128xf32>
    %swap3A = arith.constant 0 : index
    %swap3A_47 = arith.constant 0 : index
    %swap3A_48 = vector.load %arg9[%swap3A, %swap3A_47] : memref<200x128xf32, #tpu.memory_space<vmem>>, vector<200x128xf32>
    tpu.vector_store %arg9[%swap3A, %swap3A_47], %reduce_sum3A_46 {strides = array<i32>} : memref<200x128xf32, #tpu.memory_space<vmem>>, vector<200x128xf32>,
    %get3A_49 = arith.constant 0 : index
    %get3A_50 = arith.constant 0 : index
    %get3A_51 = vector.load %arg7[%get3A_49, %get3A_50] : memref<1x16xf32, #tpu.memory_space<vmem>>, vector<1x16xf32>
    %mul3A_52 = vector.broadcast %get3A_51 : vector<1x16xf32> to vector<6400x16xf32>
    %mul3A_53 = arith.mulf %add3A_19, %mul3A_52 : vector<6400x16xf32>
    %get3A_54 = arith.constant 0 : index
    %get3A_55 = arith.constant 0 : index
    %get3A_56 = vector.load %arg8[%get3A_54, %get3A_55] : memref<1x16xf32, #tpu.memory_space<vmem>>, vector<1x16xf32>
    %add3A_57 = vector.broadcast %get3A_56 : vector<1x16xf32> to vector<6400x16xf32>
    %add3A_58 = arith.addf %mul3A_53, %add3A_57 : vector<6400x16xf32>
    %add3A_59 = arith.addf %get3A_1, %add3A_58 : vector<6400x16xf32>
    %max3A_60 = arith.constant 0.000000e+00 : f32
    %max3A_61 = vector.broadcast %max3A_60 : f32 to vector<6400x16xf32>
    %max3A_62 = arith.maximumf %add3A_59, %max3A_61 : vector<6400x16xf32>
    %abs3A_63 = math.absf %add3A_59 : vector<6400x16xf32>
    %neg3A_64 = arith.constant 0.000000e+00 : f32
    %neg3A_65 = vector.broadcast %neg3A_64 : f32 to vector<6400x16xf32>
    %neg3A_66 = arith.subf %neg3A_65, %abs3A_63 : vector<6400x16xf32>
    %exp3A_67 = math.exp %neg3A_66 : vector<6400x16xf32>
    %log1p3A_68 = math.log1p %exp3A_67 : vector<6400x16xf32>
    %add3A_69 = arith.addf %max3A_62, %log1p3A_68 : vector<6400x16xf32>
    %swap3A_70 = arith.constant 0 : index
    %swap3A_71 = arith.constant 0 : index
    %swap3A_72 = vector.load %arg10[%swap3A_70, %swap3A_71] : memref<6400x16xf32, #tpu.memory_space<vmem>>, vector<6400x16xf32>
    tpu.vector_store %arg10[%swap3A_70, %swap3A_71], %add3A_69 {strides = array<i32>} : memref<6400x16xf32, #tpu.memory_space<vmem>>, vector<6400x16xf32>,
    %eq3A = arith.constant 0 : i32
    %eq3A_73 = arith.cmpi eq, %arg0, %eq3A : i32
    %convert_element_type3A = arith.extui %eq3A_73 : i1 to i32
    %cond3A = arith.constant 0 : i32
    %cond3A_74 = arith.cmpi ne, %convert_element_type3A, %cond3A : i32
    scf.if %cond3A_74 {
      %broadcast_in_dim3A_95 = arith.constant 0.000000e+00 : f32
      %broadcast_in_dim3A_96 = vector.broadcast %broadcast_in_dim3A_95 : f32 to vector<1x128xf32>
      %swap3A_97 = arith.constant 0 : index
      %swap3A_98 = arith.constant 0 : index
      %swap3A_99 = vector.load %arg11[%swap3A_97, %swap3A_98] : memref<1x128xf32, #tpu.memory_space<vmem>>, vector<1x128xf32>
      tpu.vector_store %arg11[%swap3A_97, %swap3A_98], %broadcast_in_dim3A_96 {strides = array<i32>} : memref<1x128xf32, #tpu.memory_space<vmem>>, vector<1x128xf32>,
      %broadcast_in_dim3A_100 = arith.constant 0.000000e+00 : f32
      %broadcast_in_dim3A_101 = vector.broadcast %broadcast_in_dim3A_100 : f32 to vector<1x128xf32>
      %swap3A_102 = arith.constant 0 : index
      %swap3A_103 = arith.constant 0 : index
      %swap3A_104 = vector.load %arg12[%swap3A_102, %swap3A_103] : memref<1x128xf32, #tpu.memory_space<vmem>>, vector<1x128xf32>
      tpu.vector_store %arg12[%swap3A_102, %swap3A_103], %broadcast_in_dim3A_101 {strides = array<i32>} : memref<1x128xf32, #tpu.memory_space<vmem>>, vector<1x128xf32>,
    } else {
    }
    %get3A_75 = arith.constant 0 : index
    %get3A_76 = arith.constant 0 : index
    %get3A_77 = vector.load %arg11[%get3A_75, %get3A_76] : memref<1x128xf32, #tpu.memory_space<vmem>>, vector<1x128xf32>
    %reduce_sum3A_78 = arith.constant dense<0.000000e+00> : vector<128xf32>
    %reduce_sum3A_79 = vector.multi_reduction <add>, %reduce_sum3A_46, %reduce_sum3A_78 [0] : vector<200x128xf32> to vector<128xf32>
    %broadcast_in_dim3A = vector.shape_cast %reduce_sum3A_79 : vector<128xf32> to vector<1x128xf32>
    %add3A_80 = arith.addf %get3A_77, %broadcast_in_dim3A : vector<1x128xf32>
    %swap3A_81 = arith.constant 0 : index
    %swap3A_82 = arith.constant 0 : index
    %swap3A_83 = vector.load %arg11[%swap3A_81, %swap3A_82] : memref<1x128xf32, #tpu.memory_space<vmem>>, vector<1x128xf32>
    tpu.vector_store %arg11[%swap3A_81, %swap3A_82], %add3A_80 {strides = array<i32>} : memref<1x128xf32, #tpu.memory_space<vmem>>, vector<1x128xf32>,
    %get3A_84 = arith.constant 0 : index
    %get3A_85 = arith.constant 0 : index
    %get3A_86 = vector.load %arg12[%get3A_84, %get3A_85] : memref<1x128xf32, #tpu.memory_space<vmem>>, vector<1x128xf32>
    %mul3A_87 = arith.mulf %reduce_sum3A_46, %reduce_sum3A_46 : vector<200x128xf32>
    %reduce_sum3A_88 = arith.constant dense<0.000000e+00> : vector<128xf32>
    %reduce_sum3A_89 = vector.multi_reduction <add>, %mul3A_87, %reduce_sum3A_88 [0] : vector<200x128xf32> to vector<128xf32>
    %broadcast_in_dim3A_90 = vector.shape_cast %reduce_sum3A_89 : vector<128xf32> to vector<1x128xf32>
    %add3A_91 = arith.addf %get3A_86, %broadcast_in_dim3A_90 : vector<1x128xf32>
    %swap3A_92 = arith.constant 0 : index
    %swap3A_93 = arith.constant 0 : index
    %swap3A_94 = vector.load %arg12[%swap3A_92, %swap3A_93] : memref<1x128xf32, #tpu.memory_space<vmem>>, vector<1x128xf32>
    tpu.vector_store %arg12[%swap3A_92, %swap3A_93], %add3A_91 {strides = array<i32>} : memref<1x128xf32, #tpu.memory_space<vmem>>, vector<1x128xf32>,
    return
  }
  func.func @transform_0(%arg0: i32) -> (i32, i32) {
    %c0_i32 = arith.constant 0 : i32
    %c0_i32_0 = arith.constant 0 : i32
    return %arg0, %c0_i32 : i32, i32
  }
  func.func @transform_1(%arg0: i32) -> (i32, i32) {
    %c0_i32 = arith.constant 0 : i32
    %c0_i32_0 = arith.constant 0 : i32
    return %arg0, %c0_i32 : i32, i32
  }
  func.func @transform_2(%arg0: i32) -> (i32, i32) {
    %c0_i32 = arith.constant 0 : i32
    %c0_i32_0 = arith.constant 0 : i32
    %c0_i32_1 = arith.constant 0 : i32
    return %c0_i32, %c0_i32_0 : i32, i32
  }
  func.func @transform_3(%arg0: i32) -> (i32, i32) {
    %c0_i32 = arith.constant 0 : i32
    %c0_i32_0 = arith.constant 0 : i32
    %c0_i32_1 = arith.constant 0 : i32
    return %c0_i32, %c0_i32_0 : i32, i32
  }
  func.func @transform_4(%arg0: i32) -> (i32, i32) {
    %c0_i32 = arith.constant 0 : i32
    %c0_i32_0 = arith.constant 0 : i32
    %c0_i32_1 = arith.constant 0 : i32
    return %c0_i32, %c0_i32_0 : i32, i32
  }
  func.func @transform_5(%arg0: i32) -> (i32, i32) {
    %c0_i32 = arith.constant 0 : i32
    %c0_i32_0 = arith.constant 0 : i32
    %c0_i32_1 = arith.constant 0 : i32
    return %c0_i32, %c0_i32_0 : i32, i32
  }
  func.func @transform_6(%arg0: i32) -> (i32, i32) {
    %c0_i32 = arith.constant 0 : i32
    %c0_i32_0 = arith.constant 0 : i32
    %c0_i32_1 = arith.constant 0 : i32
    return %c0_i32, %c0_i32_0 : i32, i32
  }
  func.func @transform_7(%arg0: i32) -> (i32, i32) {
    %c0_i32 = arith.constant 0 : i32
    %c0_i32_0 = arith.constant 0 : i32
    %c0_i32_1 = arith.constant 0 : i32
    return %c0_i32, %c0_i32_0 : i32, i32
  }
  func.func @transform_8(%arg0: i32) -> (i32, i32) {
    %c0_i32 = arith.constant 0 : i32
    %c0_i32_0 = arith.constant 0 : i32
    return %arg0, %c0_i32 : i32, i32
  }
  func.func @transform_9(%arg0: i32) -> (i32, i32) {
    %c0_i32 = arith.constant 0 : i32
    %c0_i32_0 = arith.constant 0 : i32
    return %arg0, %c0_i32 : i32, i32
  }
  func.func @transform_10(%arg0: i32) -> (i32, i32) {
    %c0_i32 = arith.constant 0 : i32
    %c0_i32_0 = arith.constant 0 : i32
    %c0_i32_1 = arith.constant 0 : i32
    return %c0_i32, %c0_i32_0 : i32, i32
  }
  func.func @transform_11(%arg0: i32) -> (i32, i32) {
    %c0_i32 = arith.constant 0 : i32
    %c0_i32_0 = arith.constant 0 : i32
    %c0_i32_1 = arith.constant 0 : i32
    return %c0_i32, %c0_i32_0 : i32, i32
  }
}

module attributes {stable_mosaic.version = 14 : i64} {
  func.func @_final_body(%arg0: i32, %arg1: memref<2000x128xf32, #tpu.memory_space<vmem>>, %arg2: memref<2000x128xf32, #tpu.memory_space<vmem>>, %arg3: memref<1x128xf32, #tpu.memory_space<vmem>>, %arg4: memref<1x128xf32, #tpu.memory_space<vmem>>, %arg5: memref<2000x128xf32, #tpu.memory_space<vmem>>) attributes {dimension_semantics = [#tpu.dimension_semantics<arbitrary>], iteration_bounds = array<i64: 5>, scalar_prefetch = 0 : i64, scratch_operands = 0 : i64, tpu.core_type = #tpu.core_type<tc>, window_params = [{transform_indices = @transform_0, window_bounds = array<i64: 2000, 128>}, {transform_indices = @transform_1, window_bounds = array<i64: 2000, 128>}, {pipeline_mode = #tpu.pipeline_mode<synchronous>, transform_indices = @transform_2, window_bounds = array<i64: 1, 128>}, {pipeline_mode = #tpu.pipeline_mode<synchronous>, transform_indices = @transform_3, window_bounds = array<i64: 1, 128>}, {transform_indices = @transform_4, window_bounds = array<i64: 2000, 128>}]} {
    %get3A = arith.constant 0 : index
    %get3A_0 = arith.constant 0 : index
    %get3A_1 = vector.load %arg1[%get3A, %get3A_0] : memref<2000x128xf32, #tpu.memory_space<vmem>>, vector<2000x128xf32>
    %get3A_2 = arith.constant 0 : index
    %get3A_3 = arith.constant 0 : index
    %get3A_4 = vector.load %arg2[%get3A_2, %get3A_3] : memref<2000x128xf32, #tpu.memory_space<vmem>>, vector<2000x128xf32>
    %get3A_5 = arith.constant 0 : index
    %get3A_6 = arith.constant 0 : index
    %get3A_7 = vector.load %arg3[%get3A_5, %get3A_6] : memref<1x128xf32, #tpu.memory_space<vmem>>, vector<1x128xf32>
    %mul3A = vector.broadcast %get3A_7 : vector<1x128xf32> to vector<2000x128xf32>
    %mul3A_8 = arith.mulf %get3A_4, %mul3A : vector<2000x128xf32>
    %add3A = arith.addf %get3A_1, %mul3A_8 : vector<2000x128xf32>
    %get3A_9 = arith.constant 0 : index
    %get3A_10 = arith.constant 0 : index
    %get3A_11 = vector.load %arg4[%get3A_9, %get3A_10] : memref<1x128xf32, #tpu.memory_space<vmem>>, vector<1x128xf32>
    %add3A_12 = vector.broadcast %get3A_11 : vector<1x128xf32> to vector<2000x128xf32>
    %add3A_13 = arith.addf %add3A, %add3A_12 : vector<2000x128xf32>
    %max3A = arith.constant 0.000000e+00 : f32
    %max3A_14 = vector.broadcast %max3A : f32 to vector<2000x128xf32>
    %max3A_15 = arith.maximumf %add3A_13, %max3A_14 : vector<2000x128xf32>
    %abs3A = math.absf %add3A_13 : vector<2000x128xf32>
    %neg3A = arith.constant 0.000000e+00 : f32
    %neg3A_16 = vector.broadcast %neg3A : f32 to vector<2000x128xf32>
    %neg3A_17 = arith.subf %neg3A_16, %abs3A : vector<2000x128xf32>
    %exp3A = math.exp %neg3A_17 : vector<2000x128xf32>
    %log1p3A = math.log1p %exp3A : vector<2000x128xf32>
    %add3A_18 = arith.addf %max3A_15, %log1p3A : vector<2000x128xf32>
    %swap3A = arith.constant 0 : index
    %swap3A_19 = arith.constant 0 : index
    %swap3A_20 = vector.load %arg5[%swap3A, %swap3A_19] : memref<2000x128xf32, #tpu.memory_space<vmem>>, vector<2000x128xf32>
    tpu.vector_store %arg5[%swap3A, %swap3A_19], %add3A_18 {strides = array<i32>} : memref<2000x128xf32, #tpu.memory_space<vmem>>, vector<2000x128xf32>,
    return
  }
  func.func @transform_0(%arg0: i32) -> (i32, i32) {
    %c0_i32 = arith.constant 0 : i32
    %c0_i32_0 = arith.constant 0 : i32
    return %arg0, %c0_i32 : i32, i32
  }
  func.func @transform_1(%arg0: i32) -> (i32, i32) {
    %c0_i32 = arith.constant 0 : i32
    %c0_i32_0 = arith.constant 0 : i32
    return %arg0, %c0_i32 : i32, i32
  }
  func.func @transform_2(%arg0: i32) -> (i32, i32) {
    %c0_i32 = arith.constant 0 : i32
    %c0_i32_0 = arith.constant 0 : i32
    %c0_i32_1 = arith.constant 0 : i32
    return %c0_i32, %c0_i32_0 : i32, i32
  }
  func.func @transform_3(%arg0: i32) -> (i32, i32) {
    %c0_i32 = arith.constant 0 : i32
    %c0_i32_0 = arith.constant 0 : i32
    %c0_i32_1 = arith.constant 0 : i32
    return %c0_i32, %c0_i32_0 : i32, i32
  }
  func.func @transform_4(%arg0: i32) -> (i32, i32) {
    %c0_i32 = arith.constant 0 : i32
    %c0_i32_0 = arith.constant 0 : i32
    return %arg0, %c0_i32 : i32, i32
  }
}

</mosaic_0001>

<sc_bundles>
// kernel: kernel.7.cloned.1.call-start
scs
__scs_entry_jumppad:
0x0: {  	(pc) =	sbr.rel $0x88, $3  }
0x1: {  	(tag) =	ssettag $0x0;
	lr =	simm.s32 $0x1  }
0x2: {  	[smem:$0x3F93] =	sst lr;
	_ =	strace $0xD0000000  }
0x3: {  	_ = 	snop  }
0x4: {  	_ = 	snop  }
0x5: {  	_ = 	snop  }
0x6: {  	_ = 	snop  }
0x7: {  	_ = 	snop  }
__scs_overlays_trampoline_lowered:
0x8: {  	[smem:$0x3FA2] =	sst s0  }
0x9: {  	[smem:$0x3FA3] =	sst s1  }
0xa: {  	[smem:$0x3FA4] =	sst s2  }
0xb: {  	[smem:$0x3FA5] =	sst s3  }
0xc: {  	[smem:$0x3FA6] =	sst s4  }
0xd: {  	[smem:$0x3FA7] =	sst s5  }
0xe: {  	[smem:$0x3FA8] =	sst s6  }
0xf: {  	[smem:$0x3FA9] =	sst s7  }
0x10: {  	[smem:$0x3FAA] =	sst s8  }
0x11: {  	[smem:$0x3FAB] =	sst s9;
	s0 =	simm.s32 @!p0 $0x0  }
0x12: {  	s1 =	sld [smem:$0x3F91];
	s0 =	simm.s32 @p0 $0x1  }
0x13: {  	[smem:$0x3FAC] =	sst s0;
	s0 =	simm.s32 @!p1 $0x0  }
0x14: {  	s2 =	sld [smem:$0x3F90];
	s0 =	simm.s32 @p1 $0x1  }
0x15: {  	[smem:$0x3FAD] =	sst s0;
	s0 =	simm.s32 @!p2 $0x0  }
0x16: {  	s3 =	sld [smem:$0x3FDB];
	s0 =	simm.s32 @p2 $0x1  }
0x17: {  	s4 =	simm.s32 $0x1BF5;
	[smem:$0x3FAF] =	sst s0  }
0x18: {  	s0 =	sld [smem:$0x3F92];
	_ =	swait.ge [sflag:s4], $0x0  }
0x19: {  	s7 =	sld [smem:$0x3F93]  }
0x1a: {  	s8 =	sadd.s32 $0xFFFFE003, lr  }
0x1b: {  	s9 =	sadd.s32 $0xFFFFFEF7, lr;
	s5 =	simm.s32 $0xFFFFFFFF;
	p2 =	slt.u32 s8, $0xFFFFF086  }
0x1c: {  	p1 =	slt.u32 s9, $0xF7A;
	s5 =	simm.s32 @!p2 $0x0  }
0x1d: {  	s5 =	simm.s32 @p1 $0x1;
	p0 =	seq.s32 s7, s2  }
0x1e: {  	s7 =	smul.u32 @!p0 $0xF7A, s2;
	p2 =	seq.s32 @!p0 s5, $0x0  }
0x1f: {  	s9 =	smul.u32 $0xF7A, s1;
	s8 =	simm.s32 @!p0 $0x1BF5;
	p2 =	por !p2, p0  }
0x20: {  	[sflag:s8] =	ssyncset.s32 @!p0 $0xFFFFF086;
	s6 =	sadd.s32 @!p0 s3, s7;
	s7 =	simm.s32 @!p0 $0x108  }
0x21: {  	s3 =	sadd.s32 s3, s9;
	s6 =	sadd.s32 @!p0 $0x88, s6;
	s7 =	simm.s32 @p2 $0x1082  }
0x22: {  	[simem:s7], [sflag:s8] =	dma.local @!p0 [hbm:s6], $0xF7A  }
0x23: {  	s9 =	sor.u32 $0xD0000000, s2;
	s6 =	simm.s32 $0x108;
	_ =	swait.ge @!p0 [sflag:s8], $0x0  }
0x24: {  	s3 =	sadd.s32 $0x88, s3;
	s6 =	simm.s32 @!p1 $0x1082;
	[sflag:s4] =	ssyncset.s32 $0xFFFFF086  }
0x25: {  	[simem:s6], [sflag:s4] =	dma.local [hbm:s3], $0xF7A  }
0x26: {  	[smem:$0x3F93] =	sst s1;
	(tag) =	ssettag s2;
	_ =	strace s9  }
0x27: {  	s1 =	sld [smem:$0x3FA3]  }
0x28: {  	s2 =	sld [smem:$0x3FA4]  }
0x29: {  	s4 =	sld [smem:$0x3FA6]  }
0x2a: {  	p0 =	seq.s32 s5, $0x0;
	s5 =	sld [smem:$0x3FA7]  }
0x2b: {  	s6 =	sld [smem:$0x3FA8]  }
0x2c: {  	s7 =	sld [smem:$0x3FA9]  }
0x2d: {  	s3 =	simm.s32 $0x108;
	s8 =	sld [smem:$0x3FAA]  }
0x2e: {  	s3 =	simm.s32 @!p0 $0x1082;
	s9 =	sld [smem:$0x3FAB]  }
0x2f: {  	lr =	sadd.s32 s0, s3;
	s0 =	sld [smem:$0x3FA2]  }
0x30: {  	s3 =	sld [smem:$0x3FA5]  }
0x31: {  	[smem:$0x3FAE] =	sst s10  }
0x32: {  	s10 =	sld [smem:$0x3FAC];
	_ =	sdelay $0x3  }
0x33: {  	p0 =	seq.s32 s10, $0x1;
	s10 =	sld [smem:$0x3FAE];
	_ =	sdelay $0x3  }
0x34: {  	[smem:$0x3FAE] =	sst s10  }
0x35: {  	s10 =	sld [smem:$0x3FAD];
	_ =	sdelay $0x3  }
0x36: {  	p1 =	seq.s32 s10, $0x1;
	s10 =	sld [smem:$0x3FAE];
	_ =	sdelay $0x3  }
0x37: {  	[smem:$0x3FAE] =	sst s10  }
0x38: {  	s10 =	sld [smem:$0x3FAF]  }
0x39: {  	_ = 	snop;
	(pc) =	sbr.ind lr, $3  }
0x3a: {  	_ = 	snop  }
0x3b: {  	_ = 	snop  }
0x3c: {  	p2 =	seq.s32 s10, $0x1;
	s10 =	sld [smem:$0x3FAE]  }
0x3d: {  	_ =	shalt  }
0x3e: {  	_ =	shalt  }
0x3f: {  	_ =	shalt  }
0x40: {  	_ =	shalt  }
0x41: {  	_ =	shalt  }
0x42: {  	_ =	shalt  }
0x43: {  	_ =	shalt  }
0x44: {  	_ =	shalt  }
0x45: {  	_ =	shalt  }
0x46: {  	_ =	shalt  }
0x47: {  	_ =	shalt  }
0x48: {  	_ =	shalt  }
0x49: {  	_ =	shalt  }
0x4a: {  	_ =	shalt  }
0x4b: {  	_ =	shalt  }
0x4c: {  	_ =	shalt  }
0x4d: {  	_ =	shalt  }
0x4e: {  	_ =	shalt  }
0x4f: {  	_ =	shalt  }
0x50: {  	_ =	shalt  }
0x51: {  	_ =	shalt  }
0x52: {  	_ =	shalt  }
0x53: {  	_ =	shalt  }
0x54: {  	_ =	shalt  }
0x55: {  	_ =	shalt  }
0x56: {  	_ =	shalt  }
0x57: {  	_ =	shalt  }
0x58: {  	_ =	shalt  }
0x59: {  	_ =	shalt  }
0x5a: {  	_ =	shalt  }
0x5b: {  	_ =	shalt  }
0x5c: {  	_ =	shalt  }
0x5d: {  	_ =	shalt  }
0x5e: {  	_ =	shalt  }
0x5f: {  	_ =	shalt  }
0x60: {  	_ =	shalt  }
0x61: {  	_ =	shalt  }
0x62: {  	_ =	shalt  }
0x63: {  	_ =	shalt  }
0x64: {  	_ =	shalt  }
0x65: {  	_ =	shalt  }
0x66: {  	_ =	shalt  }
0x67: {  	_ =	shalt  }
0x68: {  	_ =	shalt  }
0x69: {  	_ =	shalt  }
0x6a: {  	_ =	shalt  }
0x6b: {  	_ =	shalt  }
0x6c: {  	_ =	shalt  }
0x6d: {  	_ =	shalt  }
0x6e: {  	_ =	shalt  }
0x6f: {  	_ =	shalt  }
0x70: {  	_ =	shalt  }
0x71: {  	_ =	shalt  }
0x72: {  	_ =	shalt  }
0x73: {  	_ =	shalt  }
0x74: {  	_ =	shalt  }
0x75: {  	_ =	shalt  }
0x76: {  	_ =	shalt  }
0x77: {  	_ =	shalt  }
0x78: {  	_ =	shalt  }
0x79: {  	_ =	shalt  }
0x7a: {  	_ =	shalt  }
0x7b: {  	_ =	shalt  }
0x7c: {  	_ =	shalt  }
0x7d: {  	_ =	shalt  }
0x7e: {  	_ =	shalt  }
0x7f: {  	_ =	shalt  }
0x80: {  	_ =	shalt  }
0x81: {  	_ =	shalt  }
0x82: {  	_ =	shalt  }
0x83: {  	_ =	shalt  }
0x84: {  	_ =	shalt  }
0x85: {  	_ =	shalt  }
0x86: {  	_ =	shalt  }
0x87: {  	_ =	shalt  }
.Lfunc_end0:
.L_simem_size_0:
called_computation_lowered:
.L_overlay_start_0:
0x88: {  	s2 =	sld [smem:$0x3FD9]  }
0x89: {  	s3 =	sld [smem:$0x3FFE];
	_ =	sdelay $0x1  }
0x8a: {  	s1 =	srdreg.scid  }
0x8b: {  	s0 =	sand.u32 $0x1, s1  }
0x8c: {  	s14 =	sshll.u32 s0, $0xA;
	s2 =	sadd.s32 s3, s2  }
0x8d: {  	s2 =	sadd.s32 s2, s14  }
0x8e: {  	[smem:$0x3FBA] =	sst s2  }
0x8f: {  	_ = 	snop  }
0x90: {  	s2 =	sld [smem:$0x3FD0];
	_ =	sdelay $0x2  }
0x91: {  	s15 =	simm.s32 $0xA;
	s4 =	simm.s32 $0x10  }
0x92: {  	[smem:s4], [sflag:s15] =	dma.local [hbm:s2], $0x1  }
0x93: {  	_ =	swait.eq [sflag:s15], $0x1  }
0x94: {  	[sflag:s15] =	ssyncset.done $0x0  }
0x95: {  	s16 =	sld [smem:$0x10];
	[sflag:s15] =	ssyncadd.s32 $0xFFFFFFFF  }
0x96: {  	s17 =	sld [smem:$0x11];
	(tm) =	ssettm $0x1  }
0x97: {  	s18 =	sld [smem:$0x3FFB];
	_ =	sdelay $0x3  }
0x98: {  	_ =	strace s18  }
0x99: {  	s4 =	sld [smem:$0x3FFC];
	_ =	sdelay $0x3  }
0x9a: {  	_ =	strace s4  }
0x9b: {  	s4 =	sld [smem:$0x3FFD];
	_ =	sdelay $0x3  }
0x9c: {  	_ =	strace s4  }
0x9d: {  	_ =	strace $0x8FFFFFFF  }
0x9e: {  	s19 =	sld [smem:$0x3FDB];
	_ =	sdelay $0x1  }
0x9f: {  	s5 =	simm.s32 $_scs_section_size  }
0xa0: {  	s6 =	simm.s32 $_size__tile_overlayer_lowered;
	s7 =	simm.s32 $_tile_overlayer_lowered  }
0xa1: {  	s22 =	simm.s32 $0x1BFF;
	s21 =	sshll.u32 s7, $0x1;
	s4 =	sadd.s32 s5, s19  }
0xa2: {  	s8 =	simm.s32 $0x0;
	s20 =	sshll.u32 s6, $0x1;
	s6 =	sadd.s32 s21, s4  }
0xa3: {  	[timem:s8], [sflag:s22] =	dma.local [hbm:s6], s20  }
0xa4: {  	_ =	swait.ge [sflag:s22], s20  }
0xa5: {  	s5 =	ssub.s32 $0x0, s20;
	[sflag:s22] =	ssyncset.done $0x0  }
0xa6: {  	[sflag:s22] =	ssyncadd.s32 s5;
	_ =	sdelay $0x1  }
0xa7: {  	s23 =	simm.s32 $0x1B8B  }
0xa8: {  	_ =	swait.ge [sflag:s23], $0x1  }
0xa9: {  	[sflag:s23] =	ssyncset.done $0x0  }
0xaa: {  	s25 =	simm.s32 $0x1B8E;
	s24 =	sld [smem:$0x3FFE];
	[sflag:s23] =	ssyncadd.s32 $0xFFFFFFFF  }
0xab: {  	s26 =	simm.s32 $execute0_lowered;
	[smem:$0x3FD2] =	sst s25  }
0xac: {  	s6 =	sshll.u32 s26, $0x1;
	_ =	strace $0x80000046;
	[dreg:$0x1] =	wrdreg $0xFFFFFFFF  }
0xad: {  	s28 =	simm.s32 $_size_execute0_lowered;
	s4 =	sadd.s32 s4, s6;
	[dreg:$0x0] =	wrdreg $0x0  }
0xae: {  	s6 =	sshll.u32 s28, $0x1;
	[dreg:$0x2] =	wrdreg s4  }
0xaf: {  	[dreg:$0x3] =	wrdreg s6  }
0xb0: {  	[dreg:$0x4] =	wrdreg $0xC0  }
0xb1: {  	_ =	task [dreg:s8], $0x5FFFF  }
0xb2: {  	[dreg:$0x1] =	wrdreg $0xFFFFFFFF  }
0xb3: {  	[dreg:$0x0] =	wrdreg $0x60  }
0xb4: {  	[dreg:$0x2] =	wrdreg s24  }
0xb5: {  	[dreg:$0x3] =	wrdreg s17  }
0xb6: {  	[dreg:$0x4] =	wrdreg s16  }
0xb7: {  	[dreg:$0x5] =	wrdreg $0x9  }
0xb8: {  	_ =	task.clear_ibuf [dreg:s8], $0x6FFFF;
	_ =	strace $0x90000046  }
0xb9: {  	s29 =	simm.s32 $0x9;
	_ =	strace $0x80000048  }
0xba: {  	_ =	swait.ge [sflag:s29], $0x1  }
0xbb: {  	[sflag:s29] =	ssyncadd.s32 $0xFFFFFFFF  }
0xbc: {  	_ =	strace $0x90000048  }
0xbd: {  	_ =	sfence  }
0xbe: {  	s30 =	sld [smem:$0x0];
	_ =	sdelay $0x2  }
0xbf: {  	s31 =	sshll.u32 s1, $0xD;
	s1 =	sshrl.u32 s1, $0x2  }
0xc0: {  	s3 =	sand.u32 $0x4000, s31;
	s1 =	sadd.s32 s1, s30  }
0xc1: {  	s0 =	sor.u32 s3, s0;
	s1 =	sshll.u32 s1, $0x11  }
0xc2: {  	s0 =	sor.u32 s1, s0  }
0xc3: {  	s0 =	sadd.s32 $0x8F2B, s0  }
0xc4: {  	[sflag:s0] =	ssyncadd.remote.s32 $0x1  }
0xc5: {  	_ =	sfence.sel $0xFFFF  }
0xc6: {  	[dreg:$0x0] =	wrdreg $0xFFFFFFFF;
	(pc) =	sbr.abs _section_cstart, $3  }
0xc7: {  	[dreg:$0x1] =	wrdreg $0xFFFFFFFF  }
0xc8: {  	_ =	task.clear_ibuf [dreg:s8], $0x2FFFF;
	_ =	strace $0x9FFFFFFF  }
0xc9: {  	(tm) =	ssettm $0x7FFFFFFF  }
tec
execute0_lowered:
.L_overlay_start_1:
0x0: {  	(tag) =	ssettag $0x1  }
0x1: {  	s0 =	rddreg [dreg:$0x0]  }
0x2: {  	s2 =	rddreg [dreg:$0x1]  }
0x3: {  	s1 =	srdreg.scid;
	s3 =	stileid.u32  }
0x4: {  	s7 =	rddreg [dreg:$0x2];
	s12 =	simm.s32 $0x4F00;
	s21 =	simm.s32 $0xBF00  }
0x5: {  	s22 =	simm.s32 $0x7700;
	s23 =	simm.s32 $0x7F00;
	s28 =	simm.s32 $0xC700  }
0x6: {  	s29 =	simm.s32 $0xCF00;
	s1 =	sand.u32 $0x1, s1;
	s4 =	sshll.u32 s3, $0x1  }
0x7: {  	s30 =	simm.s32 $0xD700;
	s31 =	simm.s32 $0xDF00;
	s4 =	sor.u32 s1, s4  }
0x8: {  	s11 =	simm.s32 $0x3;
	s14 =	simm.s32 $0x0;
	s4 =	smul.u32 $0x2710, s4  }
0x9: {  	s3 =	simm.s32 $0x0;
	s5 =	sadd.s32 $0xCA00, s0;
	s6 =	sadd.s32 $0x5AC00, s0  }
0xa: {  	[smem:$0x7FF] =	sst s3;
	s1 =	ssub.s32 $0x2, s1;
	s8 =	sshrl.u32 s4, $0x3  }
0xb: {  	_ =	strace $0x80000047;
	s24 =	sshrl.u32 s1, $0x1;
	s9 =	sadd.s32 s8, s0  }
0xc: {  	s0 =	ssub.s32 s1, s24;
	s26 =	sadd.s32 s7, s8;
	s24 =	simm.s32 $0x8700  }
0xd: {  	s1 =	simm.s32 $0xE700;
	s7 =	simm.s32 $0x2;
	s8 =	simm.s32 $0x4  }
0xe: {  	v2 =	vlaneseq.u32;
	s25 =	sadd.s32 $0x2C00, s9;
	[dreg:$0x5] =	wrdreg s26;
	s0 =	smax.u32 s0, $0x1  }
0xf: {  	vm0 =	vmmov $0xffff;
	v1 =	vshrl.u32 v2, $0x3;
	s26 =	simm.s32 $0x9700;
	s9 =	simm.s32 $0x5;
	[dreg:$0x4] =	wrdreg s25  }
0x10: {  	v0 =	vand.u32 $0x7, v2;
	v2 =	vor.u32 $0x8, v2;
	v1 =	vmul.u32 $0x8, v1;
	[dreg:$0x6] =	wrdreg s0;
	s25 =	simm.s32 $0x8F00;
	s0 =	simm.s32 $0x1  }
.LBB2_1:
0x11: {  	[dreg:$0x7] =	wrdreg s14  }
0x12: {  	s10 =	rddreg [dreg:$0x4];
	s13 =	simm.s32 $0x7  }
0x13: {  	[tilespmem:s3], [sflag:$0x7] =	stream.linear.gather [hbm4b:s10+s3], $0x2710, $0x38;
	[tilespmem:$0xEF00] =	vst v63  }
0x14: {  	_ =	swait.ge [sflag:s13], $0x2710  }
0x15: {  	[sflag:s13] =	ssyncset.done $0x0  }
0x16: {  	s20 =	simm.s32 $0x2780;
	s19 =	rddreg [dreg:$0x5];
	[sflag:s13] =	ssyncadd.s32 $0xFFFFD8F0  }
0x17: {  	[tilespmem:s20], [sflag:$0x7] =	stream.linear.gather [hbm4b:s19+s3], $0x2710, $0x38;
	[tilespmem:$0xEF00] =	vst v63  }
0x18: {  	_ =	swait.ge [sflag:s13], $0x2710  }
0x19: {  	[sflag:s13] =	ssyncset.done $0x0  }
0x1a: {  	[sflag:s13] =	ssyncadd.s32 $0xFFFFD8F0  }
0x1b: {  	v3 =	vld [tilespmem:$0x0];
	_ =	sdelay $0x4  }
0x1c: {  	v4 =	vshll.u32 v3, $0x1  }
0x1d: {  	v3 =	vand.u32 $0x7, v3;
	v4 =	vand.u32 $0xFFFFFFF0, v4  }
0x1e: {  	v3 =	vor.u32 v3, v4  }
0x1f: {  	v4 =	vperm.xlane v3, v0;
	_ =	sdelay $0x1  }
0x20: {  	v3 =	vperm.xlane v3, v2;
	v4 =	vadd.s32 v1, v4;
	_ =	sdelay $0x1  }
0x21: {  	v3 =	vadd.s32 v1, v3;
	_ =	sdelay $0x2  }
0x22: {  	[tilespmem:s12], [sflag:$0x1] =	stream.indirect_vreg.gather [hbm4b:s5+s3], $0x80, v4, vm0, $0xb8;
	[tilespmem:$0xEF00] =	vst v63  }
0x23: {  	s13 =	simm.s32 $0x5700  }
0x24: {  	[tilespmem:s13], [sflag:$0x1] =	stream.indirect_vreg.gather [hbm4b:s5+s3], $0x80, v3, vm0, $0xb8;
	[tilespmem:$0xEF00] =	vst v63  }
0x25: {  	v3 =	vld [tilespmem:$0x10];
	_ =	sdelay $0x4  }
0x26: {  	v59 =	vshll.u32 v3, $0x1  }
0x27: {  	v3 =	vand.u32 $0x7, v3;
	v4 =	vand.u32 $0xFFFFFFF0, v59  }
0x28: {  	v3 =	vor.u32 v3, v4  }
0x29: {  	v4 =	vperm.xlane v3, v0;
	_ =	sdelay $0x1  }
0x2a: {  	v3 =	vperm.xlane v3, v2;
	v4 =	vadd.s32 v1, v4;
	_ =	sdelay $0x1  }
0x2b: {  	v3 =	vadd.s32 v1, v3;
	_ =	sdelay $0x1  }
0x2c: {  	s14 =	simm.s32 $0x5F00  }
0x2d: {  	[tilespmem:s14], [sflag:$0x1] =	stream.indirect_vreg.gather [hbm4b:s5+s3], $0x80, v4, vm0, $0xb8;
	[tilespmem:$0xEF00] =	vst v63  }
0x2e: {  	s15 =	simm.s32 $0x6700  }
0x2f: {  	[tilespmem:s15], [sflag:$0x1] =	stream.indirect_vreg.gather [hbm4b:s5+s3], $0x80, v3, vm0, $0xb8;
	[tilespmem:$0xEF00] =	vst v63  }
0x30: {  	v3 =	vld.msk [tilespmem:$0x20], $0xff;
	_ =	sdelay $0x4  }
0x31: {  	v60 =	vshll.u32 v3, $0x1  }
0x32: {  	v3 =	vand.u32 $0x7, v3;
	v4 =	vand.u32 $0xFFFFFFF0, v60  }
0x33: {  	v3 =	vor.u32 v3, v4  }
0x34: {  	v3 =	vperm.xlane v3, v0;
	_ =	sdelay $0x1  }
0x35: {  	v3 =	vadd.s32 v1, v3;
	_ =	sdelay $0x3  }
0x36: {  	s16 =	simm.s32 $0x6F00  }
0x37: {  	[tilespmem:s16], [sflag:$0x1] =	stream.indirect_vreg.gather [hbm4b:s5+s3], $0x80, v3, vm0, $0xb8;
	[tilespmem:$0xEF00] =	vst v63  }
0x38: {  	v3 =	vld [tilespmem:$0x2780];
	_ =	sdelay $0x4  }
0x39: {  	v61 =	vshll.u32 v3, $0x1  }
0x3a: {  	v3 =	vand.u32 $0x7, v3;
	v4 =	vand.u32 $0xFFFFFFF0, v61  }
0x3b: {  	v3 =	vor.u32 v3, v4  }
0x3c: {  	v4 =	vperm.xlane v3, v0;
	_ =	sdelay $0x1  }
0x3d: {  	v3 =	vperm.xlane v3, v2;
	v4 =	vadd.s32 v1, v4;
	_ =	sdelay $0x1  }
0x3e: {  	v3 =	vadd.s32 v1, v3;
	_ =	sdelay $0x1  }
0x3f: {  	s17 =	simm.s32 $0x9F00  }
0x40: {  	[tilespmem:s17], [sflag:$0x3] =	stream.indirect_vreg.gather [hbm4b:s2+s3], $0x80, v4, vm0, $0xb8;
	[tilespmem:$0xEF00] =	vst v63  }
0x41: {  	s18 =	simm.s32 $0xA700  }
0x42: {  	[tilespmem:s18], [sflag:$0x3] =	stream.indirect_vreg.gather [hbm4b:s2+s3], $0x80, v3, vm0, $0xb8;
	[tilespmem:$0xEF00] =	vst v63  }
0x43: {  	v3 =	vld [tilespmem:$0x2790];
	_ =	sdelay $0x4  }
0x44: {  	v62 =	vshll.u32 v3, $0x1  }
0x45: {  	v3 =	vand.u32 $0x7, v3;
	v4 =	vand.u32 $0xFFFFFFF0, v62  }
0x46: {  	v3 =	vor.u32 v3, v4  }
0x47: {  	v4 =	vperm.xlane v3, v0;
	_ =	sdelay $0x1  }
0x48: {  	v3 =	vperm.xlane v3, v2;
	v4 =	vadd.s32 v1, v4;
	_ =	sdelay $0x1  }
0x49: {  	v3 =	vadd.s32 v1, v3;
	_ =	sdelay $0x1  }
0x4a: {  	s19 =	simm.s32 $0xAF00  }
0x4b: {  	[tilespmem:s19], [sflag:$0x3] =	stream.indirect_vreg.gather [hbm4b:s2+s3], $0x80, v4, vm0, $0xb8;
	[tilespmem:$0xEF00] =	vst v63  }
0x4c: {  	s20 =	simm.s32 $0xB700  }
0x4d: {  	[tilespmem:s20], [sflag:$0x3] =	stream.indirect_vreg.gather [hbm4b:s2+s3], $0x80, v3, vm0, $0xb8;
	[tilespmem:$0xEF00] =	vst v63  }
0x4e: {  	v3 =	vld.msk [tilespmem:$0x27A0], $0xff;
	_ =	sdelay $0x4  }
0x4f: {  	v63 =	vshll.u32 v3, $0x1  }
0x50: {  	v3 =	vand.u32 $0x7, v3;
	v4 =	vand.u32 $0xFFFFFFF0, v63  }
0x51: {  	v3 =	vor.u32 v3, v4  }
0x52: {  	v3 =	vperm.xlane v3, v0;
	_ =	sdelay $0x1  }
0x53: {  	v3 =	vadd.s32 v1, v3;
	_ =	sdelay $0x3  }
0x54: {  	s10 =	simm.s32 $0x0  }
0x55: {  	[tilespmem:s21], [sflag:$0x3] =	stream.indirect_vreg.gather [hbm4b:s2+s3], $0x80, v3, vm0, $0xb8;
	[tilespmem:$0xEF00] =	vst v63  }
.LBB2_2:
0x56: {  	p0 =	seq.s32 s10, $0x0  }
0x57: {  	s13 =	simm.s32 @!p0 $0x6  }
0x58: {  	_ =	swait.ge @!p0 [sflag:s13], $0x2800  }
0x59: {  	s14 =	smul.u32 $0x50, s10;
	[sflag:s13] =	ssyncset.done @!p0 $0x0  }
0x5a: {  	[sflag:s13] =	ssyncadd.s32 @!p0 $0xFFFFD800  }
0x5b: {  	v3 =	vld [tilespmem:s14+$0x28];
	_ =	sdelay $0x4  }
0x5c: {  	v4 =	vshll.u32 v3, $0x1  }
0x5d: {  	v3 =	vand.u32 $0x7, v3;
	v4 =	vand.u32 $0xFFFFFFF0, v4  }
0x5e: {  	v3 =	vor.u32 v3, v4  }
0x5f: {  	v4 =	vperm.xlane v3, v0;
	_ =	sdelay $0x1  }
0x60: {  	v3 =	vperm.xlane v3, v2;
	v4 =	vadd.s32 v1, v4;
	_ =	sdelay $0x1  }
0x61: {  	v3 =	vadd.s32 v1, v3;
	_ =	sdelay $0x1  }
0x62: {  	s20 =	simm.s32 $0x0  }
0x63: {  	[tilespmem:s22], [sflag:$0x2] =	stream.indirect_vreg.gather [hbm4b:s5+s20], $0x80, v4, vm0, $0xb8;
	[tilespmem:$0xEF00] =	vst v63  }
0x64: {  	_ = 	snop  }
0x65: {  	[tilespmem:s23], [sflag:$0x2] =	stream.indirect_vreg.gather [hbm4b:s5+s20], $0x80, v3, vm0, $0xb8;
	[tilespmem:$0xEF00] =	vst v63  }
0x66: {  	v3 =	vld [tilespmem:s14+$0x38];
	_ =	sdelay $0x4  }
0x67: {  	v4 =	vshll.u32 v3, $0x1  }
0x68: {  	v3 =	vand.u32 $0x7, v3;
	v4 =	vand.u32 $0xFFFFFFF0, v4  }
0x69: {  	v3 =	vor.u32 v3, v4  }
0x6a: {  	v4 =	vperm.xlane v3, v0;
	_ =	sdelay $0x1  }
0x6b: {  	v3 =	vperm.xlane v3, v2;
	v4 =	vadd.s32 v1, v4;
	_ =	sdelay $0x1  }
0x6c: {  	v3 =	vadd.s32 v1, v3;
	_ =	sdelay $0x2  }
0x6d: {  	[tilespmem:s24], [sflag:$0x2] =	stream.indirect_vreg.gather [hbm4b:s5+s20], $0x80, v4, vm0, $0xb8;
	[tilespmem:$0xEF00] =	vst v63  }
0x6e: {  	_ = 	snop  }
0x6f: {  	[tilespmem:s25], [sflag:$0x2] =	stream.indirect_vreg.gather [hbm4b:s5+s20], $0x80, v3, vm0, $0xb8;
	[tilespmem:$0xEF00] =	vst v63  }
0x70: {  	v3 =	vld.msk [tilespmem:s14+$0x48], $0xff;
	_ =	sdelay $0x4  }
0x71: {  	v4 =	vshll.u32 v3, $0x1  }
0x72: {  	v3 =	vand.u32 $0x7, v3;
	v4 =	vand.u32 $0xFFFFFFF0, v4  }
0x73: {  	v3 =	vor.u32 v3, v4  }
0x74: {  	v3 =	vperm.xlane v3, v0;
	_ =	sdelay $0x1  }
0x75: {  	v3 =	vadd.s32 v1, v3;
	_ =	sdelay $0x4  }
0x76: {  	[tilespmem:s26], [sflag:$0x2] =	stream.indirect_vreg.gather [hbm4b:s5+s20], $0x80, v3, vm0, $0xb8;
	[tilespmem:$0xEF00] =	vst v63  }
0x77: {  	v3 =	vld [tilespmem:s14+$0x27A8];
	_ =	sdelay $0x4  }
0x78: {  	v4 =	vshll.u32 v3, $0x1  }
0x79: {  	v3 =	vand.u32 $0x7, v3;
	v4 =	vand.u32 $0xFFFFFFF0, v4  }
0x7a: {  	v3 =	vor.u32 v3, v4  }
0x7b: {  	v4 =	vperm.xlane v3, v0;
	_ =	sdelay $0x1  }
0x7c: {  	v3 =	vperm.xlane v3, v2;
	v4 =	vadd.s32 v1, v4;
	_ =	sdelay $0x1  }
0x7d: {  	v3 =	vadd.s32 v1, v3;
	_ =	sdelay $0x2  }
0x7e: {  	[tilespmem:s28], [sflag:$0x4] =	stream.indirect_vreg.gather [hbm4b:s2+s20], $0x80, v4, vm0, $0xb8;
	[tilespmem:$0xEF00] =	vst v63  }
0x7f: {  	_ = 	snop  }
0x80: {  	[tilespmem:s29], [sflag:$0x4] =	stream.indirect_vreg.gather [hbm4b:s2+s20], $0x80, v3, vm0, $0xb8;
	[tilespmem:$0xEF00] =	vst v63  }
0x81: {  	v3 =	vld [tilespmem:s14+$0x27B8];
	_ =	sdelay $0x4  }
0x82: {  	v4 =	vshll.u32 v3, $0x1  }
0x83: {  	v3 =	vand.u32 $0x7, v3;
	v4 =	vand.u32 $0xFFFFFFF0, v4  }
0x84: {  	v3 =	vor.u32 v3, v4  }
0x85: {  	v4 =	vperm.xlane v3, v0;
	_ =	sdelay $0x1  }
0x86: {  	v3 =	vperm.xlane v3, v2;
	v4 =	vadd.s32 v1, v4;
	_ =	sdelay $0x1  }
0x87: {  	v3 =	vadd.s32 v1, v3;
	_ =	sdelay $0x2  }
0x88: {  	[tilespmem:s30], [sflag:$0x4] =	stream.indirect_vreg.gather [hbm4b:s2+s20], $0x80, v4, vm0, $0xb8;
	[tilespmem:$0xEF00] =	vst v63  }
0x89: {  	_ = 	snop  }
0x8a: {  	[tilespmem:s31], [sflag:$0x4] =	stream.indirect_vreg.gather [hbm4b:s2+s20], $0x80, v3, vm0, $0xb8;
	[tilespmem:$0xEF00] =	vst v63  }
0x8b: {  	v3 =	vld.msk [tilespmem:s14+$0x27C8], $0xff;
	_ =	sdelay $0x4  }
0x8c: {  	v4 =	vshll.u32 v3, $0x1  }
0x8d: {  	v3 =	vand.u32 $0x7, v3;
	v4 =	vand.u32 $0xFFFFFFF0, v4  }
0x8e: {  	v3 =	vor.u32 v3, v4  }
0x8f: {  	v3 =	vperm.xlane v3, v0;
	_ =	sdelay $0x1  }
0x90: {  	v3 =	vadd.s32 v1, v3;
	_ =	sdelay $0x4  }
0x91: {  	[tilespmem:s1], [sflag:$0x4] =	stream.indirect_vreg.gather [hbm4b:s2+s20], $0x80, v3, vm0, $0xb8;
	[tilespmem:$0xEF00] =	vst v63  }
0x92: {  	_ =	swait.ge [sflag:s0], $0x2800  }
0x93: {  	[sflag:s0] =	ssyncset.done $0x0  }
0x94: {  	[sflag:s0] =	ssyncadd.s32 $0xFFFFD800  }
0x95: {  	_ =	swait.ge [sflag:s11], $0x2800  }
0x96: {  	s15 =	sand.u32 $0x3800, s20;
	s13 =	sand.u32 $0x380, s20;
	[sflag:s11] =	ssyncset.done $0x0  }
0x97: {  	s15 =	sor.u32 s13, s15;
	[sflag:s11] =	ssyncadd.s32 $0xFFFFD800  }
0x98: {  	v5 =	vld [tilespmem:s15+$0xA310]  }
0x99: {  	v6 =	vld [tilespmem:s15+$0x5310]  }
0x9a: {  	v7 =	vld [tilespmem:s15+$0xA300]  }
0x9b: {  	v26 =	vld [tilespmem:s15+$0xA360]  }
0x9c: {  	v8 =	vld [tilespmem:s15+$0x9F70]  }
0x9d: {  	v10 =	vld [tilespmem:s15+$0xA350]  }
0x9e: {  	v3 =	vld [tilespmem:s15+$0xA340]  }
0x9f: {  	v9 =	vld [tilespmem:s15+$0x5340]  }
0xa0: {  	v11 =	vld [tilespmem:s15+$0x4F70]  }
0xa1: {  	v12 =	vld [tilespmem:s15+$0x5360]  }
0xa2: {  	v4 =	vld [tilespmem:s15+$0x9F10]  }
0xa3: {  	v13 =	vld [tilespmem:s15+$0x9F60]  }
0xa4: {  	v14 =	vld [tilespmem:s15+$0x5330]  }
0xa5: {  	v15 =	vld [tilespmem:s15+$0xA370]  }
0xa6: {  	v16 =	vld [tilespmem:s15+$0x5370]  }
0xa7: {  	v21 =	vld [tilespmem:s15+$0x9F30]  }
0xa8: {  	v17 =	vld [tilespmem:s15+$0x9F20]  }
0xa9: {  	v18 =	vld [tilespmem:s15+$0xA330];
	v3 =	vshll.u32 v3, $0x10;
	v9 =	vshll.u32 v9, $0x10  }
0xaa: {  	v19 =	vld [tilespmem:s15+$0x5320];
	v11 =	vshll.u32 v11, $0x10;
	v8 =	vshll.u32 v8, $0x10;
	v3 =	vadd.f32 v3, v9  }
0xab: {  	v25 =	vld [tilespmem:s15+$0x5300];
	v14 =	vshll.u32 v14, $0x10;
	v16 =	vshll.u32 v16, $0x10;
	v8 =	vadd.f32 v8, v11  }
0xac: {  	v28 =	vld [tilespmem:s15+$0x4F30];
	v6 =	vshll.u32 v6, $0x10;
	v21 =	vshll.u32 v21, $0x10;
	v3 =	vadd.s32 $0x8000, v3  }
0xad: {  	v20 =	vld [tilespmem:s15+$0x4F00];
	v8 =	vadd.s32 $0x8000, v8;
	v9 =	vshrl.u32 v3, $0x10;
	v3 =	vshll.u32 v13, $0x10  }
0xae: {  	v13 =	vshll.u32 v15, $0x10;
	v15 =	vld [tilespmem:s15+$0x4F60];
	[tilespmem:s15+$0x5340] =	vst v9;
	v9 =	vshll.u32 v12, $0x10;
	v12 =	vshll.u32 v18, $0x10  }
0xaf: {  	v24 =	vld [tilespmem:s15+$0x4F20];
	v11 =	vshll.u32 v7, $0x10;
	v8 =	vshrl.u32 v8, $0x10;
	v7 =	vadd.f32 v12, v14  }
0xb0: {  	v27 =	vadd.f32 v13, v16;
	v16 =	vld [tilespmem:s15+$0x9F00];
	v12 =	vshll.u32 v10, $0x10;
	v10 =	vshll.u32 v5, $0x10  }
0xb1: {  	v22 =	vld [tilespmem:s15+$0x5350];
	v13 =	vshll.u32 v19, $0x10;
	v6 =	vadd.f32 v10, v6;
	v7 =	vadd.s32 $0x8000, v7  }
0xb2: {  	v23 =	vld [tilespmem:s15+$0x4F10];
	v18 =	vshll.u32 v25, $0x10;
	v25 =	vshll.u32 v28, $0x10;
	v7 =	vshrl.u32 v7, $0x10  }
0xb3: {  	v19 =	vld [tilespmem:s15+$0x9F50];
	v10 =	vand.u32 $0xFFFF0000, v20;
	v5 =	vshll.u32 v15, $0x10;
	[tilespmem:s15+$0x5330] =	vst v7;
	v7 =	vadd.s32 $0x8000, v6  }
0xb4: {  	[tilespmem:s15+$0x4F70] =	vst v8;
	v15 =	vshll.u32 v17, $0x10;
	v17 =	vshll.u32 v24, $0x10;
	v24 =	vld [tilespmem:s15+$0x4F50];
	v7 =	vshrl.u32 v7, $0x10  }
0xb5: {  	s17 =	simm.s32 $0x100;
	s16 =	simm.s32 $0x80;
	s13 =	sadd.s32 $0x28, s14;
	v14 =	vld [tilespmem:s15+$0x9F40];
	v6 =	vadd.s32 $0x8000, v27;
	v8 =	vand.u32 $0xFFFF0000, v16;
	[tilespmem:s15+$0x5310] =	vst v7;
	v7 =	vshll.u32 v26, $0x10  }
.LBB2_3:
0xb6: {  	s19 =	smov.u32 s17  }
0xb7: {  	s18 =	sand.u32 $0x3800, s17;
	s20 =	sand.u32 $0x380, s16;
	v20 =	vshll.u32 v20, $0x10;
	v23 =	vshll.u32 v23, $0x10;
	v4 =	vshll.u32 v4, $0x10;
	v26 =	vld [tilespmem:s15+$0xA320];
	s19 =	sadd.s32 $0x100, s17  }
0xb8: {  	p0 =	sne.s32 s17, $0x2700;
	v16 =	vshll.u32 v16, $0x10;
	s18 =	sor.u32 s20, s18;
	v4 =	vadd.f32 v4, v23;
	v22 =	vshll.u32 v22, $0x10;
	v23 =	vld [tilespmem:s15+$0x4F40]  }
0xb9: {  	v21 =	vadd.f32 v21, v25;
	v9 =	vadd.f32 v7, v9;
	v24 =	vshll.u32 v24, $0x10;
	v27 =	vld [tilespmem:s18+$0xA310]  }
0xba: {  	v11 =	vadd.f32 v11, v18;
	v12 =	vadd.f32 v12, v22;
	v4 =	vadd.s32 $0x8000, v4;
	v25 =	vld [tilespmem:s18+$0x5310]  }
0xbb: {  	v16 =	vadd.f32 v16, v20;
	v19 =	vshll.u32 v19, $0x10;
	v4 =	vshrl.u32 v4, $0x10;
	v18 =	vld [tilespmem:s18+$0xA300]  }
0xbc: {  	v9 =	vadd.s32 $0x8000, v9;
	v20 =	vshll.u32 v26, $0x10;
	v7 =	vld [tilespmem:s18+$0xA360];
	[tilespmem:s15+$0x4F10] =	vst v4;
	v4 =	vadd.s32 $0x8000, v21  }
0xbd: {  	v15 =	vadd.f32 v15, v17;
	v13 =	vadd.f32 v20, v13;
	v21 =	vld [tilespmem:s18+$0x9F70];
	v4 =	vshrl.u32 v4, $0x10  }
0xbe: {  	v9 =	vshrl.u32 v9, $0x10;
	v19 =	vadd.f32 v19, v24;
	v17 =	vld [tilespmem:s18+$0xA350];
	[tilespmem:s15+$0x4F30] =	vst v4;
	v4 =	vshll.u32 v23, $0x10  }
0xbf: {  	v11 =	vadd.s32 $0x8000, v11;
	v16 =	vadd.s32 $0x8000, v16;
	v14 =	vshll.u32 v14, $0x10;
	v20 =	vld [tilespmem:s18+$0xA340];
	[tilespmem:s15+$0x5360] =	vst v9  }
0xc0: {  	v15 =	vadd.s32 $0x8000, v15;
	v16 =	vshrl.u32 v16, $0x10;
	v19 =	vadd.s32 $0x8000, v19;
	v9 =	vld [tilespmem:s18+$0x5340]  }
0xc1: {  	v15 =	vshrl.u32 v15, $0x10;
	v14 =	vadd.f32 v14, v4;
	v4 =	vshrl.u32 v19, $0x10;
	v22 =	vld [tilespmem:s18+$0x4F70]  }
0xc2: {  	v8 =	vadd.f32 v8, v10;
	v10 =	vshrl.u32 v11, $0x10;
	v19 =	vld [tilespmem:s18+$0x5360];
	[tilespmem:s15+$0x4F50] =	vst v4  }
0xc3: {  	v3 =	vadd.f32 v3, v5;
	v5 =	vshrl.u32 v6, $0x10;
	v11 =	vadd.s32 $0x8000, v14;
	v4 =	vld [tilespmem:s18+$0x9F10];
	[tilespmem:s15+$0x4F20] =	vst v15  }
0xc4: {  	v8 =	vadd.s32 $0x8000, v8;
	v13 =	vadd.s32 $0x8000, v13;
	v6 =	vld [tilespmem:s18+$0x9F60];
	v14 =	vshll.u32 v20, $0x10;
	[tilespmem:s15+$0x5370] =	vst v5  }
0xc5: {  	v8 =	vand.u32 $0xFFFF0000, v8;
	v5 =	vld [tilespmem:s18+$0x5330];
	v9 =	vshll.u32 v9, $0x10;
	[tilespmem:s15+$0x5300] =	vst v10;
	v10 =	vadd.s32 $0x8000, v12  }
0xc6: {  	v3 =	vadd.s32 $0x8000, v3;
	v13 =	vshrl.u32 v13, $0x10;
	v9 =	vadd.f32 v14, v9;
	v12 =	vld [tilespmem:s18+$0xA370]  }
0xc7: {  	v3 =	vshrl.u32 v3, $0x10;
	v8 =	vor.u32 v16, v8;
	v10 =	vshrl.u32 v10, $0x10;
	v14 =	vld [tilespmem:s18+$0x5370];
	[tilespmem:s15+$0x5320] =	vst v13  }
0xc8: {  	v11 =	vshrl.u32 v11, $0x10;
	v15 =	vld [tilespmem:s18+$0x9F20];
	v9 =	vadd.s32 $0x8000, v9;
	[tilespmem:s15+$0x4F60] =	vst v3  }
0xc9: {  	v26 =	vld [tilespmem:s18+$0x4F20];
	v9 =	vshrl.u32 v9, $0x10;
	[tilespmem:s15+$0x5350] =	vst v10  }
0xca: {  	v10 =	vld [tilespmem:s18+$0xA330];
	[tilespmem:s15+$0x4F00] =	vst v8  }
0xcb: {  	v3 =	vshll.u32 v6, $0x10;
	v6 =	vld [tilespmem:s18+$0x5320];
	v8 =	vshll.u32 v12, $0x10;
	[tilespmem:s15+$0x4F40] =	vst v11;
	s15 =	smov.u32 s18  }
0xcc: {  	v5 =	vshll.u32 v5, $0x10;
	v11 =	vshll.u32 v22, $0x10;
	v13 =	vld [tilespmem:s15+$0x4F60];
	[tilespmem:s15+$0x5340] =	vst v9;
	v12 =	vshll.u32 v14, $0x10  }
0xcd: {  	v14 =	vshll.u32 v21, $0x10;
	v9 =	vshll.u32 v19, $0x10;
	v22 =	vld [tilespmem:s15+$0x5300];
	v8 =	vadd.f32 v8, v12  }
0xce: {  	v14 =	vadd.f32 v14, v11;
	v19 =	vld [tilespmem:s15+$0x9F30]  }
0xcf: {  	v11 =	vshll.u32 v18, $0x10;
	v12 =	vshll.u32 v17, $0x10;
	v28 =	vld [tilespmem:s15+$0x4F30];
	v10 =	vshll.u32 v10, $0x10  }
0xd0: {  	v17 =	vshll.u32 v25, $0x10;
	v14 =	vadd.s32 $0x8000, v14;
	v16 =	vld [tilespmem:s15+$0x9F00];
	v10 =	vadd.f32 v10, v5  }
0xd1: {  	v20 =	vld [tilespmem:s15+$0x4F00];
	v5 =	vshll.u32 v13, $0x10;
	v13 =	vshrl.u32 v14, $0x10;
	v14 =	vshll.u32 v27, $0x10  }
.Ltmp0:
0xd2: {  	v23 =	vld [tilespmem:s15+$0x4F10];
	[tilespmem:s15+$0x4F70] =	vst v13;
	v14 =	vadd.f32 v14, v17;
	v13 =	vshll.u32 v6, $0x10;
	v6 =	vadd.s32 $0x8000, v10;
	(pc) =	sbr.rel @p0 .LBB2_3-.Ltmp0, $4  }
0xd3: {  	v18 =	vshll.u32 v22, $0x10;
	v21 =	vshll.u32 v19, $0x10;
	v6 =	vshrl.u32 v6, $0x10;
	v22 =	vld [tilespmem:s15+$0x5350]  }
0xd4: {  	v15 =	vshll.u32 v15, $0x10;
	v24 =	vld [tilespmem:s15+$0x4F50];
	v10 =	vadd.s32 $0x8000, v14;
	[tilespmem:s15+$0x5330] =	vst v6;
	v6 =	vadd.s32 $0x8000, v8  }
0xd5: {  	v17 =	vshll.u32 v26, $0x10;
	v8 =	vand.u32 $0xFFFF0000, v16;
	v19 =	vld [tilespmem:s15+$0x9F50];
	v26 =	vshrl.u32 v10, $0x10  }
0xd6: {  	s16 =	sadd.s32 $0x80, s16;
	s17 =	smov.u32 s19;
	v7 =	vshll.u32 v7, $0x10;
	v25 =	vshll.u32 v28, $0x10;
	v10 =	vand.u32 $0xFFFF0000, v20;
	v14 =	vld [tilespmem:s15+$0x9F40];
	[tilespmem:s15+$0x5310] =	vst v26  }
0xd7: {  	v20 =	vshll.u32 v20, $0x10  }
0xd8: {  	v23 =	vshll.u32 v23, $0x10;
	v4 =	vshll.u32 v4, $0x10;
	v21 =	vadd.f32 v21, v25  }
0xd9: {  	v16 =	vshll.u32 v16, $0x10;
	v7 =	vadd.f32 v7, v9;
	v11 =	vadd.f32 v11, v18  }
0xda: {  	v48 =	vadd.f32 v15, v17;
	v3 =	vadd.f32 v3, v5;
	v55 =	vshrl.u32 v6, $0x10  }
0xdb: {  	v56 =	vadd.f32 v8, v10;
	v4 =	vadd.f32 v4, v23;
	v22 =	vshll.u32 v22, $0x10  }
0xdc: {  	v16 =	vadd.f32 v16, v20;
	v42 =	vshll.u32 v24, $0x10;
	v12 =	vadd.f32 v12, v22  }
0xdd: {  	v45 =	vadd.s32 $0x8000, v21;
	v47 =	vadd.s32 $0x8000, v7;
	v51 =	vadd.s32 $0x8000, v48  }
0xde: {  	v26 =	vld [tilespmem:s15+$0xA320];
	[tilespmem:s15+$0x5370] =	vst v55;
	v54 =	vadd.s32 $0x8000, v11;
	v3 =	vadd.s32 $0x8000, v3;
	v49 =	vshrl.u32 v45, $0x10  }
0xdf: {  	v43 =	vld [tilespmem:s15+$0x4F40];
	v5 =	vadd.s32 $0x8000, v56;
	v4 =	vadd.s32 $0x8000, v4;
	v57 =	vshrl.u32 v54, $0x10;
	[tilespmem:s15+$0x4F30] =	vst v49  }
0xe0: {  	v44 =	vshll.u32 v19, $0x10;
	v53 =	vadd.s32 $0x8000, v16;
	v3 =	vshrl.u32 v3, $0x10;
	[tilespmem:s15+$0x5300] =	vst v57  }
0xe1: {  	v5 =	vand.u32 $0xFFFF0000, v5;
	v4 =	vshrl.u32 v4, $0x10;
	v18 =	vadd.f32 v44, v42;
	[tilespmem:s15+$0x4F60] =	vst v3  }
0xe2: {  	v14 =	vshll.u32 v14, $0x10;
	v61 =	vadd.s32 $0x8000, v12;
	[tilespmem:s15+$0x4F10] =	vst v4;
	v4 =	vshrl.u32 v47, $0x10  }
0xe3: {  	v62 =	vshrl.u32 v53, $0x10;
	v46 =	vshll.u32 v26, $0x10;
	v7 =	vshrl.u32 v61, $0x10;
	[tilespmem:s15+$0x5360] =	vst v4  }
0xe4: {  	v9 =	vshll.u32 v43, $0x10;
	v63 =	vor.u32 v62, v5;
	v13 =	vadd.f32 v46, v13;
	[tilespmem:s15+$0x5350] =	vst v7  }
0xe5: {  	p0 =	seq.s32 s10, $0x7C;
	v50 =	vadd.s32 $0x8000, v18;
	v4 =	vshrl.u32 v51, $0x10;
	v59 =	vadd.f32 v14, v9;
	[tilespmem:s15+$0x4F00] =	vst v63  }
.Ltmp1:
0xe6: {  	v52 =	vshrl.u32 v50, $0x10;
	[tilespmem:s15+$0x4F20] =	vst v4;
	v58 =	vadd.s32 $0x8000, v13;
	(pc) =	sbr.rel @p0 .LBB2_6-.Ltmp1, $4  }
0xe7: {  	s16 =	sadd.s32 s4, s14;
	[tilespmem:s15+$0x4F50] =	vst v52;
	v3 =	vadd.s32 $0x8000, v59;
	v60 =	vshrl.u32 v58, $0x10  }
0xe8: {  	s16 =	sshll.u32 s16, $0x5;
	v3 =	vshrl.u32 v3, $0x10;
	[tilespmem:s15+$0x5320] =	vst v60  }
0xe9: {  	s20 =	sadd.s32 s6, s16;
	[tilespmem:s15+$0x4F40] =	vst v3  }
0xea: {  	[hbm4b:s20+s3] =	stream.linear.scatter [tilespmem:s12], [sflag:$0x5], $0x2800, $0x38;
	[tilespmem:$0xEF00] =	vst v63  }
0xeb: {  	_ =	swait.ge [sflag:s9], $0x2800  }
0xec: {  	[sflag:s9] =	ssyncset.done $0x0  }
0xed: {  	[sflag:s9] =	ssyncadd.s32 $0xFFFFD800  }
0xee: {  	v3 =	vld [tilespmem:s14+$0x50];
	_ =	sdelay $0x4  }
0xef: {  	v4 =	vshll.u32 v3, $0x1  }
0xf0: {  	v3 =	vand.u32 $0x7, v3;
	v4 =	vand.u32 $0xFFFFFFF0, v4  }
0xf1: {  	v3 =	vor.u32 v3, v4  }
0xf2: {  	v4 =	vperm.xlane v3, v0;
	_ =	sdelay $0x1  }
0xf3: {  	v3 =	vperm.xlane v3, v2;
	v4 =	vadd.s32 v1, v4;
	_ =	sdelay $0x1  }
0xf4: {  	v3 =	vadd.s32 v1, v3;
	_ =	sdelay $0x2  }
0xf5: {  	[tilespmem:s12], [sflag:$0x1] =	stream.indirect_vreg.gather [hbm4b:s5+s3], $0x80, v4, vm0, $0xb8;
	[tilespmem:$0xEF00] =	vst v63  }
0xf6: {  	s15 =	simm.s32 $0x5700  }
0xf7: {  	[tilespmem:s15], [sflag:$0x1] =	stream.indirect_vreg.gather [hbm4b:s5+s3], $0x80, v3, vm0, $0xb8;
	[tilespmem:$0xEF00] =	vst v63  }
0xf8: {  	v3 =	vld [tilespmem:s14+$0x60];
	_ =	sdelay $0x4  }
0xf9: {  	v59 =	vshll.u32 v3, $0x1  }
0xfa: {  	v3 =	vand.u32 $0x7, v3;
	v4 =	vand.u32 $0xFFFFFFF0, v59  }
0xfb: {  	v3 =	vor.u32 v3, v4  }
0xfc: {  	v4 =	vperm.xlane v3, v0;
	_ =	sdelay $0x1  }
0xfd: {  	v3 =	vperm.xlane v3, v2;
	v4 =	vadd.s32 v1, v4;
	_ =	sdelay $0x1  }
0xfe: {  	v3 =	vadd.s32 v1, v3;
	_ =	sdelay $0x1  }
0xff: {  	s19 =	simm.s32 $0x5F00  }
0x100: {  	[tilespmem:s19], [sflag:$0x1] =	stream.indirect_vreg.gather [hbm4b:s5+s3], $0x80, v4, vm0, $0xb8;
	[tilespmem:$0xEF00] =	vst v63  }
0x101: {  	s20 =	simm.s32 $0x6700  }
0x102: {  	[tilespmem:s20], [sflag:$0x1] =	stream.indirect_vreg.gather [hbm4b:s5+s3], $0x80, v3, vm0, $0xb8;
	[tilespmem:$0xEF00] =	vst v63  }
0x103: {  	v3 =	vld.msk [tilespmem:s14+$0x70], $0xff;
	_ =	sdelay $0x4  }
0x104: {  	v60 =	vshll.u32 v3, $0x1  }
0x105: {  	v3 =	vand.u32 $0x7, v3;
	v4 =	vand.u32 $0xFFFFFFF0, v60  }
0x106: {  	v3 =	vor.u32 v3, v4  }
0x107: {  	v3 =	vperm.xlane v3, v0;
	_ =	sdelay $0x1  }
0x108: {  	v3 =	vadd.s32 v1, v3;
	_ =	sdelay $0x3  }
0x109: {  	s16 =	simm.s32 $0x6F00  }
0x10a: {  	[tilespmem:s16], [sflag:$0x1] =	stream.indirect_vreg.gather [hbm4b:s5+s3], $0x80, v3, vm0, $0xb8;
	[tilespmem:$0xEF00] =	vst v63  }
0x10b: {  	v3 =	vld [tilespmem:s14+$0x27D0];
	_ =	sdelay $0x4  }
0x10c: {  	v61 =	vshll.u32 v3, $0x1  }
0x10d: {  	v3 =	vand.u32 $0x7, v3;
	v4 =	vand.u32 $0xFFFFFFF0, v61  }
0x10e: {  	v3 =	vor.u32 v3, v4  }
0x10f: {  	v4 =	vperm.xlane v3, v0;
	_ =	sdelay $0x1  }
0x110: {  	v3 =	vperm.xlane v3, v2;
	v4 =	vadd.s32 v1, v4;
	_ =	sdelay $0x1  }
0x111: {  	v3 =	vadd.s32 v1, v3;
	_ =	sdelay $0x1  }
0x112: {  	s17 =	simm.s32 $0x9F00  }
0x113: {  	[tilespmem:s17], [sflag:$0x3] =	stream.indirect_vreg.gather [hbm4b:s2+s3], $0x80, v4, vm0, $0xb8;
	[tilespmem:$0xEF00] =	vst v63  }
0x114: {  	s18 =	simm.s32 $0xA700  }
0x115: {  	[tilespmem:s18], [sflag:$0x3] =	stream.indirect_vreg.gather [hbm4b:s2+s3], $0x80, v3, vm0, $0xb8;
	[tilespmem:$0xEF00] =	vst v63  }
0x116: {  	v3 =	vld [tilespmem:s14+$0x27E0];
	_ =	sdelay $0x4  }
0x117: {  	v62 =	vshll.u32 v3, $0x1  }
0x118: {  	v3 =	vand.u32 $0x7, v3;
	v4 =	vand.u32 $0xFFFFFFF0, v62  }
0x119: {  	v3 =	vor.u32 v3, v4  }
0x11a: {  	v4 =	vperm.xlane v3, v0;
	_ =	sdelay $0x1  }
0x11b: {  	v3 =	vperm.xlane v3, v2;
	v4 =	vadd.s32 v1, v4;
	_ =	sdelay $0x1  }
0x11c: {  	v3 =	vadd.s32 v1, v3;
	_ =	sdelay $0x1  }
0x11d: {  	s19 =	simm.s32 $0xAF00  }
0x11e: {  	[tilespmem:s19], [sflag:$0x3] =	stream.indirect_vreg.gather [hbm4b:s2+s3], $0x80, v4, vm0, $0xb8;
	[tilespmem:$0xEF00] =	vst v63  }
0x11f: {  	s20 =	simm.s32 $0xB700  }
0x120: {  	[tilespmem:s20], [sflag:$0x3] =	stream.indirect_vreg.gather [hbm4b:s2+s3], $0x80, v3, vm0, $0xb8;
	[tilespmem:$0xEF00] =	vst v63  }
0x121: {  	v3 =	vld.msk [tilespmem:s14+$0x27F0], $0xff;
	_ =	sdelay $0x4  }
0x122: {  	v63 =	vshll.u32 v3, $0x1  }
0x123: {  	v3 =	vand.u32 $0x7, v3;
	v4 =	vand.u32 $0xFFFFFFF0, v63  }
0x124: {  	v3 =	vor.u32 v3, v4  }
0x125: {  	v3 =	vperm.xlane v3, v0;
	_ =	sdelay $0x1  }
0x126: {  	v3 =	vadd.s32 v1, v3;
	_ =	sdelay $0x4  }
0x127: {  	[tilespmem:s21], [sflag:$0x3] =	stream.indirect_vreg.gather [hbm4b:s2+s3], $0x80, v3, vm0, $0xb8;
	[tilespmem:$0xEF00] =	vst v63  }
.LBB2_6:
0x128: {  	_ =	swait.ge [sflag:s7], $0x2800  }
0x129: {  	[sflag:s7] =	ssyncset.done $0x0  }
0x12a: {  	[sflag:s7] =	ssyncadd.s32 $0xFFFFD800  }
0x12b: {  	s14 =	simm.s32 $0x0;
	_ =	swait.ge [sflag:s8], $0x2800  }
0x12c: {  	s15 =	sand.u32 $0x3800, s14;
	s14 =	sand.u32 $0x380, s14;
	[sflag:s8] =	ssyncset.done $0x0  }
0x12d: {  	s14 =	sor.u32 s14, s15;
	[sflag:s8] =	ssyncadd.s32 $0xFFFFD800  }
0x12e: {  	v5 =	vld [tilespmem:s14+$0xCB10]  }
0x12f: {  	v6 =	vld [tilespmem:s14+$0x7B10]  }
0x130: {  	v7 =	vld [tilespmem:s14+$0xCB00]  }
0x131: {  	v26 =	vld [tilespmem:s14+$0xCB60]  }
0x132: {  	v3 =	vld [tilespmem:s14+$0xC770]  }
0x133: {  	v8 =	vld [tilespmem:s14+$0xCB50]  }
0x134: {  	v9 =	vld [tilespmem:s14+$0xCB40]  }
0x135: {  	v10 =	vld [tilespmem:s14+$0x7B40]  }
0x136: {  	v11 =	vld [tilespmem:s14+$0x7770]  }
0x137: {  	v12 =	vld [tilespmem:s14+$0x7B60]  }
0x138: {  	v4 =	vld [tilespmem:s14+$0xC710]  }
0x139: {  	v13 =	vld [tilespmem:s14+$0xC760]  }
0x13a: {  	v14 =	vld [tilespmem:s14+$0x7B30]  }
0x13b: {  	v15 =	vld [tilespmem:s14+$0xCB70]  }
0x13c: {  	v16 =	vld [tilespmem:s14+$0x7B70]  }
0x13d: {  	v17 =	vld [tilespmem:s14+$0xC720]  }
0x13e: {  	v21 =	vld [tilespmem:s14+$0xC730];
	v9 =	vshll.u32 v9, $0x10;
	v10 =	vshll.u32 v10, $0x10  }
0x13f: {  	v9 =	vadd.f32 v9, v10;
	v10 =	vld [tilespmem:s14+$0xCB30]  }
0x140: {  	v25 =	vld [tilespmem:s14+$0x7720];
	v11 =	vshll.u32 v11, $0x10;
	v3 =	vshll.u32 v3, $0x10  }
0x141: {  	v18 =	vld [tilespmem:s14+$0x7B20];
	v14 =	vshll.u32 v14, $0x10;
	v6 =	vshll.u32 v6, $0x10;
	v11 =	vadd.f32 v3, v11  }
0x142: {  	v20 =	vld [tilespmem:s14+$0x7760];
	v3 =	vshll.u32 v13, $0x10;
	v13 =	vshll.u32 v15, $0x10;
	v15 =	vshll.u32 v16, $0x10  }
0x143: {  	v27 =	vld [tilespmem:s14+$0x7730];
	v21 =	vshll.u32 v21, $0x10;
	v28 =	vadd.f32 v13, v15;
	v9 =	vadd.s32 $0x8000, v9  }
0x144: {  	v16 =	vld [tilespmem:s14+$0xC700];
	v13 =	vshll.u32 v8, $0x10;
	v9 =	vshrl.u32 v9, $0x10;
	v19 =	vshll.u32 v10, $0x10  }
0x145: {  	v11 =	vadd.s32 $0x8000, v11;
	[tilespmem:s14+$0x7B40] =	vst v9;
	v9 =	vld [tilespmem:s14+$0x7B00];
	v10 =	vshll.u32 v12, $0x10;
	v12 =	vadd.f32 v19, v14  }
0x146: {  	v19 =	vld [tilespmem:s14+$0x7700];
	v14 =	vshrl.u32 v11, $0x10;
	v11 =	vshll.u32 v7, $0x10;
	v7 =	vshll.u32 v5, $0x10  }
0x147: {  	v24 =	vld [tilespmem:s14+$0x7710];
	v15 =	vshll.u32 v17, $0x10;
	v6 =	vadd.f32 v7, v6;
	v8 =	vadd.s32 $0x8000, v12  }
0x148: {  	v22 =	vld [tilespmem:s14+$0x7B50];
	v17 =	vshll.u32 v25, $0x10;
	v25 =	vshll.u32 v27, $0x10;
	v7 =	vshrl.u32 v8, $0x10  }
0x149: {  	v23 =	vld [tilespmem:s14+$0x7750];
	v5 =	vshll.u32 v20, $0x10;
	v12 =	vshll.u32 v18, $0x10;
	[tilespmem:s14+$0x7B30] =	vst v7;
	v7 =	vadd.s32 $0x8000, v6  }
0x14a: {  	v20 =	vld [tilespmem:s14+$0xC750];
	[tilespmem:s14+$0x7770] =	vst v14;
	v18 =	vshll.u32 v9, $0x10;
	v8 =	vand.u32 $0xFFFF0000, v16;
	v7 =	vshrl.u32 v7, $0x10  }
0x14b: {  	s18 =	simm.s32 $0x100;
	s15 =	simm.s32 $0x80;
	v14 =	vld [tilespmem:s14+$0xC740];
	v6 =	vadd.s32 $0x8000, v28;
	v9 =	vand.u32 $0xFFFF0000, v19;
	[tilespmem:s14+$0x7B10] =	vst v7;
	v7 =	vshll.u32 v26, $0x10  }
.LBB2_7:
0x14c: {  	s16 =	smov.u32 s18  }
0x14d: {  	s17 =	sand.u32 $0x3800, s18;
	s19 =	sand.u32 $0x380, s15;
	v19 =	vshll.u32 v19, $0x10;
	v24 =	vshll.u32 v24, $0x10;
	v4 =	vshll.u32 v4, $0x10;
	v26 =	vld [tilespmem:s14+$0xCB20];
	s16 =	sadd.s32 $0x100, s18  }
0x14e: {  	p0 =	sne.s32 s18, $0x2700;
	v16 =	vshll.u32 v16, $0x10;
	s17 =	sor.u32 s19, s17;
	v4 =	vadd.f32 v4, v24;
	v22 =	vshll.u32 v22, $0x10;
	v24 =	vld [tilespmem:s14+$0x7740]  }
0x14f: {  	v21 =	vadd.f32 v21, v25;
	v10 =	vadd.f32 v7, v10;
	v23 =	vshll.u32 v23, $0x10;
	v27 =	vld [tilespmem:s17+$0xCB10]  }
0x150: {  	v11 =	vadd.f32 v11, v18;
	v13 =	vadd.f32 v13, v22;
	v4 =	vadd.s32 $0x8000, v4;
	v25 =	vld [tilespmem:s17+$0x7B10]  }
0x151: {  	v16 =	vadd.f32 v16, v19;
	v19 =	vshll.u32 v20, $0x10;
	v4 =	vshrl.u32 v4, $0x10;
	v18 =	vld [tilespmem:s17+$0xCB00]  }
0x152: {  	v10 =	vadd.s32 $0x8000, v10;
	v20 =	vshll.u32 v26, $0x10;
	v7 =	vld [tilespmem:s17+$0xCB60];
	[tilespmem:s14+$0x7710] =	vst v4;
	v4 =	vadd.s32 $0x8000, v21  }
0x153: {  	v15 =	vadd.f32 v15, v17;
	v12 =	vadd.f32 v20, v12;
	v21 =	vld [tilespmem:s17+$0xC770];
	v4 =	vshrl.u32 v4, $0x10  }
0x154: {  	v10 =	vshrl.u32 v10, $0x10;
	v19 =	vadd.f32 v19, v23;
	v17 =	vld [tilespmem:s17+$0xCB50];
	[tilespmem:s14+$0x7730] =	vst v4;
	v4 =	vshll.u32 v24, $0x10  }
0x155: {  	v11 =	vadd.s32 $0x8000, v11;
	v16 =	vadd.s32 $0x8000, v16;
	v14 =	vshll.u32 v14, $0x10;
	v20 =	vld [tilespmem:s17+$0xCB40];
	[tilespmem:s14+$0x7B60] =	vst v10  }
0x156: {  	v15 =	vadd.s32 $0x8000, v15;
	v16 =	vshrl.u32 v16, $0x10;
	v19 =	vadd.s32 $0x8000, v19;
	v10 =	vld [tilespmem:s17+$0x7B40]  }
0x157: {  	v15 =	vshrl.u32 v15, $0x10;
	v14 =	vadd.f32 v14, v4;
	v4 =	vshrl.u32 v19, $0x10;
	v22 =	vld [tilespmem:s17+$0x7770]  }
0x158: {  	v8 =	vadd.f32 v8, v9;
	v9 =	vshrl.u32 v11, $0x10;
	v19 =	vld [tilespmem:s17+$0x7B60];
	[tilespmem:s14+$0x7750] =	vst v4  }
0x159: {  	v3 =	vadd.f32 v3, v5;
	v5 =	vshrl.u32 v6, $0x10;
	v11 =	vadd.s32 $0x8000, v14;
	v4 =	vld [tilespmem:s17+$0xC710];
	[tilespmem:s14+$0x7720] =	vst v15  }
0x15a: {  	v8 =	vadd.s32 $0x8000, v8;
	v12 =	vadd.s32 $0x8000, v12;
	v6 =	vld [tilespmem:s17+$0xC760];
	v14 =	vshll.u32 v20, $0x10;
	[tilespmem:s14+$0x7B70] =	vst v5  }
0x15b: {  	v8 =	vand.u32 $0xFFFF0000, v8;
	v5 =	vld [tilespmem:s17+$0x7B30];
	v10 =	vshll.u32 v10, $0x10;
	[tilespmem:s14+$0x7B00] =	vst v9;
	v9 =	vadd.s32 $0x8000, v13  }
0x15c: {  	v3 =	vadd.s32 $0x8000, v3;
	v12 =	vshrl.u32 v12, $0x10;
	v10 =	vadd.f32 v14, v10;
	v13 =	vld [tilespmem:s17+$0xCB70]  }
0x15d: {  	v3 =	vshrl.u32 v3, $0x10;
	v8 =	vor.u32 v16, v8;
	v9 =	vshrl.u32 v9, $0x10;
	v14 =	vld [tilespmem:s17+$0x7B70];
	[tilespmem:s14+$0x7B20] =	vst v12  }
0x15e: {  	v11 =	vshrl.u32 v11, $0x10;
	v15 =	vld [tilespmem:s17+$0xC720];
	v10 =	vadd.s32 $0x8000, v10;
	[tilespmem:s14+$0x7760] =	vst v3  }
0x15f: {  	v20 =	vld [tilespmem:s17+$0x7720];
	v10 =	vshrl.u32 v10, $0x10;
	[tilespmem:s14+$0x7B50] =	vst v9  }
0x160: {  	v9 =	vld [tilespmem:s17+$0xCB30];
	[tilespmem:s14+$0x7700] =	vst v8  }
0x161: {  	v3 =	vshll.u32 v6, $0x10;
	v6 =	vld [tilespmem:s17+$0x7B20];
	v8 =	vshll.u32 v13, $0x10;
	[tilespmem:s14+$0x7740] =	vst v11;
	s14 =	smov.u32 s17  }
0x162: {  	v5 =	vshll.u32 v5, $0x10;
	v11 =	vshll.u32 v22, $0x10;
	v12 =	vld [tilespmem:s14+$0x7760];
	[tilespmem:s14+$0x7B40] =	vst v10;
	v13 =	vshll.u32 v14, $0x10  }
0x163: {  	v14 =	vshll.u32 v21, $0x10;
	v10 =	vshll.u32 v19, $0x10;
	v22 =	vld [tilespmem:s14+$0x7B00];
	v8 =	vadd.f32 v8, v13  }
0x164: {  	v14 =	vadd.f32 v14, v11;
	v21 =	vld [tilespmem:s14+$0xC730]  }
0x165: {  	v11 =	vshll.u32 v18, $0x10;
	v13 =	vshll.u32 v17, $0x10;
	v26 =	vld [tilespmem:s14+$0x7730];
	v9 =	vshll.u32 v9, $0x10  }
0x166: {  	v17 =	vshll.u32 v25, $0x10;
	v14 =	vadd.s32 $0x8000, v14;
	v16 =	vld [tilespmem:s14+$0xC700];
	v9 =	vadd.f32 v9, v5  }
0x167: {  	v19 =	vld [tilespmem:s14+$0x7700];
	v5 =	vshll.u32 v12, $0x10;
	v12 =	vshrl.u32 v14, $0x10;
	v14 =	vshll.u32 v27, $0x10  }
.Ltmp2:
0x168: {  	v24 =	vld [tilespmem:s14+$0x7710];
	[tilespmem:s14+$0x7770] =	vst v12;
	v14 =	vadd.f32 v14, v17;
	v12 =	vshll.u32 v6, $0x10;
	v6 =	vadd.s32 $0x8000, v9;
	(pc) =	sbr.rel @p0 .LBB2_7-.Ltmp2, $4  }
0x169: {  	v18 =	vshll.u32 v22, $0x10;
	v21 =	vshll.u32 v21, $0x10;
	v6 =	vshrl.u32 v6, $0x10;
	v22 =	vld [tilespmem:s14+$0x7B50]  }
0x16a: {  	v15 =	vshll.u32 v15, $0x10;
	v23 =	vld [tilespmem:s14+$0x7750];
	v9 =	vadd.s32 $0x8000, v14;
	[tilespmem:s14+$0x7B30] =	vst v6;
	v6 =	vadd.s32 $0x8000, v8  }
0x16b: {  	v17 =	vshll.u32 v20, $0x10;
	v8 =	vand.u32 $0xFFFF0000, v16;
	v20 =	vld [tilespmem:s14+$0xC750];
	v27 =	vshrl.u32 v9, $0x10  }
0x16c: {  	s15 =	sadd.s32 $0x80, s15;
	s18 =	smov.u32 s16;
	v7 =	vshll.u32 v7, $0x10;
	v25 =	vshll.u32 v26, $0x10;
	v9 =	vand.u32 $0xFFFF0000, v19;
	v14 =	vld [tilespmem:s14+$0xC740];
	[tilespmem:s14+$0x7B10] =	vst v27  }
0x16d: {  	v19 =	vshll.u32 v19, $0x10  }
0x16e: {  	v24 =	vshll.u32 v24, $0x10;
	v4 =	vshll.u32 v4, $0x10;
	v21 =	vadd.f32 v21, v25  }
0x16f: {  	v16 =	vshll.u32 v16, $0x10;
	v7 =	vadd.f32 v7, v10;
	v11 =	vadd.f32 v11, v18  }
0x170: {  	v48 =	vadd.f32 v15, v17;
	v3 =	vadd.f32 v3, v5;
	v55 =	vshrl.u32 v6, $0x10  }
0x171: {  	v56 =	vadd.f32 v8, v9;
	v4 =	vadd.f32 v4, v24;
	v22 =	vshll.u32 v22, $0x10  }
0x172: {  	v16 =	vadd.f32 v16, v19;
	v23 =	vshll.u32 v23, $0x10;
	v13 =	vadd.f32 v13, v22  }
0x173: {  	v45 =	vadd.s32 $0x8000, v21;
	v47 =	vadd.s32 $0x8000, v7;
	v51 =	vadd.s32 $0x8000, v48  }
0x174: {  	v26 =	vld [tilespmem:s14+$0xCB20];
	[tilespmem:s14+$0x7B70] =	vst v55;
	v54 =	vadd.s32 $0x8000, v11;
	v3 =	vadd.s32 $0x8000, v3;
	v49 =	vshrl.u32 v45, $0x10  }
0x175: {  	v43 =	vld [tilespmem:s14+$0x7740];
	v5 =	vadd.s32 $0x8000, v56;
	v4 =	vadd.s32 $0x8000, v4;
	v57 =	vshrl.u32 v54, $0x10;
	[tilespmem:s14+$0x7730] =	vst v49  }
0x176: {  	v44 =	vshll.u32 v20, $0x10;
	v53 =	vadd.s32 $0x8000, v16;
	v3 =	vshrl.u32 v3, $0x10;
	[tilespmem:s14+$0x7B00] =	vst v57  }
0x177: {  	v5 =	vand.u32 $0xFFFF0000, v5;
	v4 =	vshrl.u32 v4, $0x10;
	v18 =	vadd.f32 v44, v23;
	[tilespmem:s14+$0x7760] =	vst v3  }
0x178: {  	v14 =	vshll.u32 v14, $0x10;
	v61 =	vadd.s32 $0x8000, v13;
	[tilespmem:s14+$0x7710] =	vst v4;
	v4 =	vshrl.u32 v47, $0x10  }
0x179: {  	v62 =	vshrl.u32 v53, $0x10;
	v46 =	vshll.u32 v26, $0x10;
	v7 =	vshrl.u32 v61, $0x10;
	[tilespmem:s14+$0x7B60] =	vst v4  }
0x17a: {  	s10 =	sadd.s32 $0x1, s10;
	v10 =	vshll.u32 v43, $0x10;
	v63 =	vor.u32 v62, v5;
	v12 =	vadd.f32 v46, v12;
	[tilespmem:s14+$0x7B50] =	vst v7  }
0x17b: {  	p0 =	sne.s32 s10, $0x7D;
	v50 =	vadd.s32 $0x8000, v18;
	v4 =	vshrl.u32 v51, $0x10;
	v59 =	vadd.f32 v14, v10;
	[tilespmem:s14+$0x7700] =	vst v63  }
.Ltmp3:
0x17c: {  	v52 =	vshrl.u32 v50, $0x10;
	[tilespmem:s14+$0x7720] =	vst v4;
	v58 =	vadd.s32 $0x8000, v12;
	(pc) =	sbr.rel @p0 .LBB2_2-.Ltmp3, $4  }
0x17d: {  	s13 =	sadd.s32 s4, s13;
	[tilespmem:s14+$0x7750] =	vst v52;
	v3 =	vadd.s32 $0x8000, v59;
	v60 =	vshrl.u32 v58, $0x10  }
0x17e: {  	s13 =	sshll.u32 s13, $0x5;
	v3 =	vshrl.u32 v3, $0x10;
	[tilespmem:s14+$0x7B20] =	vst v60  }
0x17f: {  	s13 =	sadd.s32 s6, s13;
	[tilespmem:s14+$0x7740] =	vst v3  }
0x180: {  	[hbm4b:s13+s3] =	stream.linear.scatter [tilespmem:s22], [sflag:$0x6], $0x2800, $0x38;
	[tilespmem:$0xEF00] =	vst v63  }
0x181: {  	_ =	swait.ge [sflag:s9], $0x2800  }
0x182: {  	[sflag:s9] =	ssyncset.done $0x0  }
0x183: {  	s13 =	simm.s32 $0x6;
	[sflag:s9] =	ssyncadd.s32 $0xFFFFD800  }
0x184: {  	_ =	swait.ge [sflag:s13], $0x2800  }
0x185: {  	s14 =	rddreg [dreg:$0x7]  }
0x186: {  	s10 =	rddreg [dreg:$0x6];
	s14 =	sadd.s32 $0x1, s14  }
0x187: {  	p0 =	sne.s32 s14, s10  }
.Ltmp4:
0x188: {  	_ = 	snop;
	(pc) =	sbr.rel @p0 .LBB2_1-.Ltmp4, $3  }
0x189: {  	_ =	sdelay $0x1  }
0x18a: {  	[sflag:s13] =	ssyncset.done $0x0  }
0x18b: {  	[sflag:s13] =	ssyncadd.s32 $0xFFFFD800  }
0x18c: {  	_ =	sfence.sel $0x180000  }
0x18d: {  	[bflag:$0x0] =	sbarrier.arrive $0xFFFF  }
0x18e: {  	_ =	strace $0x90000047  }
0x18f: {  	s0 =	stileid.u32;
	[bflag:$0x2] =	sbarrier.arrive $0xFFFF  }
0x190: {  	p0 =	sne.s32 s0, $0x0;
	s0 =	rddreg [dreg:$0x3]  }
0x191: {  	s0 =	sadd.s32 @!p0 $0x100000, s0  }
0x192: {  	[sflag:s0] =	ssyncadd.tile.s32 @!p0 $0x1;
	_ =	shalt  }
.Lfunc_end2:
_tile_overlayer_lowered:
.L_overlay_start_2:
0x193: {  	(tag) =	ssettag $0x2  }
0x194: {  	s0 =	rddreg [dreg:$0x0];
	s2 =	stileid.u32  }
0x195: {  	s1 =	rddreg [dreg:$0x1];
	p0 =	sne.s32 s2, $0x0  }
0x196: {  	s3 =	rddreg [dreg:$0x2];
	[bflag:$0x3] =	sbarrier.arrive $0xFFFF;
	s2 =	simm.s32 @!p0 $0x1C07  }
0x197: {  	[timem:s3], [sflag:s2] =	dma.local @!p0 [hbm:s0], s1  }
0x198: {  	s0 =	simm.s32 @!p0 $0x7  }
0x199: {  	_ =	swait.ge @!p0 [sflag:s0], s1  }
0x19a: {  	s1 =	ssub.s32 @!p0 $0x0, s1;
	[sflag:s0] =	ssyncset.done @!p0 $0x0  }
0x19b: {  	[sflag:s0] =	ssyncadd.s32 @!p0 s1  }
0x19c: {  	[bflag:$0x3] =	sbarrier.arrive $0xFFFF  }
0x19d: {  	_ =	shalt  }

</sc_bundles>
